<compile_context>
chip_gen: v7x
topology: tpu7x:2x2x1
jax: 0.10.2.dev20260603
libtpu: 0.0.44.dev20260713+nightly
codegen_flags: <defaults>
</compile_context>

<pallas_src>
import functools

import jax
import jax.numpy as jnp
import numpy as np
from jax import lax
from jax.experimental import pallas as pl
from jax.experimental.pallas import tpu as pltpu
from jax.experimental.pallas import tpu_sc as plsc

N = 10000
E = 320000
DH = 128
NH = 8
HD = DH // NH
NRBF = 16
DEDGE = 16
CUTOFF = 7.0
ATT = DH * 2 + NRBF + DEDGE
ATT_H = ATT // NH

NC = 2
NS = 16
NW = NC * NS
CB = 128
NCHUNK = E // CB
SC_ITERS = -(-NCHUNK // NW)
NP = 10240
NROW_W = NP // NS

BE = 512

_sc_cache = {}


def _worker_id():
    return lax.axis_index("s") * NC + lax.axis_index("c")


def _get_sc_kernels():
    if _sc_cache:
        return _sc_cache
    mesh = plsc.VectorSubcoreMesh(core_axis_name="c", subcore_axis_name="s")

    @functools.partial(
        pl.kernel, mesh=mesh,
        out_type=(
            jax.ShapeDtypeStruct((E, 2 * DH), jnp.float32),
            jax.ShapeDtypeStruct((E, 2 * DH), jnp.float32),
        ),
        scratch_types=[
            pltpu.VMEM((CB,), jnp.int32),
            pltpu.VMEM((CB,), jnp.int32),
            pltpu.VMEM((CB, 2 * DH), jnp.float32),
            pltpu.VMEM((CB, 2 * DH), jnp.float32),
            pltpu.SemaphoreType.DMA,
        ],
    )
    def _sc_gather_hz(row_h, col_h, HZ_h, HZr_o, HZc_o,
                      idxr, idxc, hbr, hbc, sem):
        wid = _worker_id()

        def body(j, carry):
            g = j * NW + wid

            @pl.when(g < NCHUNK)
            def _():
                base = g * CB
                pltpu.sync_copy(row_h.at[pl.ds(base, CB)], idxr)
                pltpu.sync_copy(col_h.at[pl.ds(base, CB)], idxc)
                c1 = pltpu.async_copy(HZ_h.at[idxr], hbr, sem)
                c2 = pltpu.async_copy(HZ_h.at[idxc], hbc, sem)
                c1.wait(); c2.wait()
                pltpu.sync_copy(hbr, HZr_o.at[pl.ds(base, CB)])
                pltpu.sync_copy(hbc, HZc_o.at[pl.ds(base, CB)])
            return carry

        lax.fori_loop(0, SC_ITERS, body, 0)

    @functools.partial(
        pl.kernel, mesh=mesh,
        out_type=jax.ShapeDtypeStruct((NC, NP, DH), jnp.float32),
        scratch_types=[
            pltpu.VMEM((CB,), jnp.int32),
            pltpu.VMEM((CB, DH), jnp.float32),
            pltpu.VMEM_SHARED((NP, DH), jnp.float32),
        ],
    )
    def _sc_scatter(idx_h, val_h, zero_h, out_h, idxv, vbuf, acc_sh):
        cid = lax.axis_index("c")
        sid = lax.axis_index("s")
        wid = sid * NC + cid

        @pl.when(sid == 0)
        def _():
            pltpu.sync_copy(zero_h, acc_sh)
        plsc.subcore_barrier()

        def body(j, carry):
            g = j * NW + wid

            @pl.when(g < NCHUNK)
            def _():
                base = g * CB
                pltpu.sync_copy(idx_h.at[pl.ds(base, CB)], idxv)
                pltpu.sync_copy(val_h.at[pl.ds(base, CB)], vbuf)
                pltpu.sync_copy(vbuf, acc_sh.at[idxv], add=True)
            return carry

        lax.fori_loop(0, SC_ITERS, body, 0)
        plsc.subcore_barrier()
        pltpu.sync_copy(acc_sh.at[pl.ds(sid * NROW_W, NROW_W)],
                        out_h.at[cid, pl.ds(sid * NROW_W, NROW_W)])

    @functools.partial(
        pl.kernel, mesh=mesh,
        out_type=jax.ShapeDtypeStruct((E, DH), jnp.float32),
        scratch_types=[
            pltpu.VMEM((CB,), jnp.int32),
            pltpu.VMEM((CB, DH), jnp.float32),
            pltpu.SemaphoreType.DMA,
        ],
    )
    def _sc_gather_s(col_h, S_h, Sg_o, idxv, sbuf, sem):
        wid = _worker_id()

        def body(j, carry):
            g = j * NW + wid

            @pl.when(g < NCHUNK)
            def _():
                base = g * CB
                pltpu.sync_copy(col_h.at[pl.ds(base, CB)], idxv)
                pltpu.async_copy(S_h.at[idxv], sbuf, sem).wait()
                pltpu.sync_copy(sbuf, Sg_o.at[pl.ds(base, CB)])
            return carry

        lax.fori_loop(0, SC_ITERS, body, 0)

    _sc_cache.update(
        gather_hz=_sc_gather_hz,
        scatter=_sc_scatter,
        gather_s=_sc_gather_s,
    )
    return _sc_cache


def _tc_logits_body(hzr_r, hzc_r, ea_r,
                    wq_r, bq_r, wk_r, bk_r, w1_r, b1_r, w2_r, b2_r,
                    p_o, d_o, dz_o):
    hzr = hzr_r[...]
    hzc = hzc_r[...]
    hq = jnp.dot(hzc[:, :DH], wq_r[...], preferred_element_type=jnp.float32) + bq_r[...]
    hk = jnp.dot(hzr[:, :DH], wk_r[...], preferred_element_type=jnp.float32) + bk_r[...]
    dz = (hzr - hzc)[:, DH:DH + 8]
    dz_o[...] = dz
    dn2 = jnp.dot(dz * dz, jnp.ones((8, NRBF), jnp.float32),
                  preferred_element_type=jnp.float32)
    dn = jnp.sqrt(dn2 + 1e-8)
    x = dn / CUTOFF
    x2 = x * x
    x4 = x2 * x2
    env = 1.0 / x + (-21.0) * x4 + 35.0 * x4 * x + (-15.0) * x4 * x2
    env = jnp.where(x < 1.0, env, 0.0)
    nhalf = 0.5 * (lax.broadcasted_iota(jnp.int32, (1, NRBF), 1).astype(jnp.float32) + 1.0)
    t = nhalf * x
    u = t - jnp.floor(t + 0.5)
    u2 = u * u
    sin2pi = jnp.float32(3.1993350330603696)
    for cf in (-14.868319893180537, 42.01607494302687, -76.70153755856916,
               81.60502363070357, -41.34169703799625, 6.2831852724463575):
        sin2pi = sin2pi * u2 + jnp.float32(cf)
    sin2pi = sin2pi * u
    d_rbf = env * jnp.float32(jnp.sqrt(2.0 / CUTOFF)) * sin2pi
    d_o[...] = d_rbf

    ea = ea_r[...]
    w1 = w1_r[...]
    b1 = b1_r[...]
    w2 = w2_r[...]
    b2 = b2_r[...]
    p_heads = []
    for h in range(NH):
        cat_h = jnp.concatenate([
            hq[:, h * HD:(h + 1) * HD],
            hk[:, h * HD:(h + 1) * HD],
            d_rbf[:, 2 * h:2 * h + 2],
            ea[:, 2 * h:2 * h + 2],
        ], axis=1)
        h1 = jnp.dot(cat_h, w1, preferred_element_type=jnp.float32) + b1
        h1 = h1 * jax.nn.sigmoid(h1)
        lg = jnp.dot(h1, w2, preferred_element_type=jnp.float32) + b2
        p_heads.append(jnp.exp(lg))
    p_heads.append(jnp.zeros((BE, DH - NH * NH), jnp.float32))
    p_o[...] = jnp.concatenate(p_heads, axis=1)


def _tc_out_body(p_r, sg_r, hc_r, d_r, dz_r, ea_r,
                 wv_r, bv_r, wind_r, bind_r, wed_r, bed_r,
                 rb_r, tb_r, rb2_r, tb2_r, sumk_r,
                 hagg_o, zc_o, eo_o):
    alpha = p_r[...][:, :NH * NH] / sg_r[...][:, :NH * NH]
    hv = jnp.dot(hc_r[...], wv_r[...], preferred_element_type=jnp.float32) + bv_r[...]
    d = d_r[...]
    ea = ea_r[...]
    gi = jnp.dot(d, wind_r[...], preferred_element_type=jnp.float32) + bind_r[...]
    ge = jnp.dot(d, wed_r[...], preferred_element_type=jnp.float32) + bed_r[...]
    hvi = hv * gi
    hve = hv * ge

    arep = jnp.dot(alpha, rb_r[...], preferred_element_type=jnp.float32)
    ht = jnp.dot(hvi, tb_r[...], preferred_element_type=jnp.float32)
    zt = jnp.dot(hve, tb_r[...], preferred_element_type=jnp.float32)
    hagg = jnp.zeros((BE, DH), jnp.float32)
    zh = jnp.zeros((BE, DH), jnp.float32)
    for k in range(NH):
        sl = slice(k * DH, (k + 1) * DH)
        hagg = hagg + arep[:, sl] * ht[:, sl]
        zh = zh + arep[:, sl] * zt[:, sl]

    erep = jnp.dot(alpha, rb2_r[...], preferred_element_type=jnp.float32)
    et = jnp.dot(ea, tb2_r[...], preferred_element_type=jnp.float32)
    eagg = jnp.dot(erep * et, sumk_r[...], preferred_element_type=jnp.float32)

    hagg_o[...] = hagg
    eo_o[...] = ea + eagg
    s2 = jnp.sum(zh * zh, axis=1, keepdims=True)
    zc = dz_r[...] * s2
    zc_o[...] = jnp.concatenate([zc, jnp.zeros((BE, DH - 8), jnp.float32)], axis=1)


def _edge_spec(width):
    return pl.BlockSpec((BE, width), lambda i: (i, 0))


def _full_spec(shape):
    nd = len(shape)
    return pl.BlockSpec(shape, lambda i: (0,) * nd)


def kernel(H, Z, edge_attr, block_id, edges, Wq, bq, Wk, bk, Wv, bv,
           W1, b1, W2, b2, Wed, bed, Wind, bind):
    del block_id
    edges32 = edges.astype(jnp.int32)
    row = edges32[0]
    col = edges32[1]
    HZ = jnp.pad(jnp.concatenate([H, Z], axis=1), ((0, 0), (0, DH - 3)))
    zero128 = jnp.zeros((NP, DH), jnp.float32)

    rb = np.zeros((NH * NH, NH * DH), np.float32)
    tb = np.zeros((DH, NH * DH), np.float32)
    rb2 = np.zeros((NH * NH, DH), np.float32)
    tb2 = np.zeros((DEDGE, DH), np.float32)
    sumk = np.zeros((DH, DEDGE), np.float32)
    for k in range(NH):
        for h in range(NH):
            rb[h * NH + k, k * DH + h * HD:k * DH + (h + 1) * HD] = 1.0
            rb2[h * NH + k, k * DEDGE + 2 * h:k * DEDGE + 2 * h + 2] = 1.0
        for t in range(HD):
            tb[k * HD + t, k * DH + np.arange(NH) * HD + t] = 1.0
        for j in range(2):
            tb2[k * 2 + j, k * DEDGE + np.arange(NH) * 2 + j] = 1.0
        for g in range(DEDGE):
            sumk[k * DEDGE + g, g] = 1.0
    rb = jnp.asarray(rb); tb = jnp.asarray(tb); rb2 = jnp.asarray(rb2)
    tb2 = jnp.asarray(tb2); sumk = jnp.asarray(sumk)

    Wind_bd = jnp.zeros((NRBF, DH), jnp.float32)
    Wed_bd = jnp.zeros((NRBF, DH), jnp.float32)
    for h in range(NH):
        Wind_bd = Wind_bd.at[2 * h:2 * h + 2, HD * h:HD * (h + 1)].set(Wind)
        Wed_bd = Wed_bd.at[2 * h:2 * h + 2, HD * h:HD * (h + 1)].set(Wed)

    sc = _get_sc_kernels()
    HZr, HZc = sc['gather_hz'](row, col, HZ)

    grid = (E // BE,)
    P, D, dZ = pl.pallas_call(
        _tc_logits_body,
        grid=grid,
        in_specs=[
            _edge_spec(2 * DH), _edge_spec(2 * DH),
            _edge_spec(DEDGE),
            _full_spec((DH, DH)), _full_spec((1, DH)),
            _full_spec((DH, DH)), _full_spec((1, DH)),
            _full_spec((ATT_H, DH * 4)), _full_spec((1, DH * 4)),
            _full_spec((DH * 4, NH)), _full_spec((1, NH)),
        ],
        out_specs=[_edge_spec(DH), _edge_spec(NRBF), _edge_spec(8)],
        out_shape=[
            jax.ShapeDtypeStruct((E, DH), jnp.float32),
            jax.ShapeDtypeStruct((E, NRBF), jnp.float32),
            jax.ShapeDtypeStruct((E, 8), jnp.float32),
        ],
    )(HZr, HZc, edge_attr,
      Wq, bq.reshape(1, DH), Wk, bk.reshape(1, DH),
      W1, b1.reshape(1, DH * 4), W2, b2.reshape(1, NH))

    Spart = sc['scatter'](col, P, zero128)
    S = Spart[0] + Spart[1]
    Sg = sc['gather_s'](col, S)

    Hagg, Zcontrib, edge_out = pl.pallas_call(
        _tc_out_body,
        grid=grid,
        in_specs=[
            _edge_spec(DH), _edge_spec(DH),
            pl.BlockSpec((BE, DH), lambda i: (i, 0)),
            _edge_spec(NRBF), _edge_spec(8), _edge_spec(DEDGE),
            _full_spec((DH, DH)), _full_spec((1, DH)),
            _full_spec((NRBF, DH)), _full_spec((1, DH)),
            _full_spec((NRBF, DH)), _full_spec((1, DH)),
            _full_spec((NH * NH, NH * DH)), _full_spec((DH, NH * DH)),
            _full_spec((NH * NH, DH)), _full_spec((DEDGE, DH)),
            _full_spec((DH, DEDGE)),
        ],
        out_specs=[_edge_spec(DH), _edge_spec(DH), _edge_spec(DEDGE)],
        out_shape=[
            jax.ShapeDtypeStruct((E, DH), jnp.float32),
            jax.ShapeDtypeStruct((E, DH), jnp.float32),
            jax.ShapeDtypeStruct((E, DEDGE), jnp.float32),
        ],
    )(P, Sg, HZc, D, dZ, edge_attr,
      Wv, bv.reshape(1, DH), Wind_bd, jnp.tile(bind, NH).reshape(1, DH),
      Wed_bd, jnp.tile(bed, NH).reshape(1, DH),
      rb, tb, rb2, tb2, sumk)

    Hpart = sc['scatter'](row, Hagg, zero128)
    Zpart = sc['scatter'](row, Zcontrib, zero128)

    H_out = H + Hpart[0, :N] + Hpart[1, :N]
    Z_out = Z + (Zpart[0, :N] + Zpart[1, :N])[:, :3]
    return (H_out, Z_out, edge_out)

# --- scband reference (transcript-rebuilt; emitter-appended) ---
"""Pipeline reference for scband-getlayer-86895778333055 (READ-ONLY COPY).

The authoritative reference and input builder live on the scoring server;
editing this copy changes nothing except your own understanding.
"""

import jax, jax.numpy as jnp
import numpy as np

N = 10000
E = 320000
DH = 128
NH = 8
HD = DH // NH
NRBF = 16
DEDGE = 16
CUTOFF = 7.0


def _rbf(d):
    # GemNet-style RadialBasis: Bessel basis with polynomial envelope (p=5),
    # frequencies fixed at n*pi (their init values).
    x = d / CUTOFF
    p = 5.0
    a = -(p + 1.0) * (p + 2.0) / 2.0
    b = p * (p + 2.0)
    c = -p * (p + 1.0) / 2.0
    env = 1.0 / x + a * x ** (p - 1.0) + b * x ** p + c * x ** (p + 1.0)
    env = jnp.where(x < 1.0, env, 0.0)
    freqs = jnp.pi * jnp.arange(1, NRBF + 1, dtype=jnp.float32)
    return env[:, None] * jnp.sqrt(2.0 / CUTOFF) * jnp.sin(freqs[None, :] * x[:, None])


def _scatter_softmax(r, idx, num):
    m = jax.ops.segment_max(r, idx, num_segments=num)
    m = jnp.where(jnp.isfinite(m), m, 0.0)
    e = jnp.exp(r - m[idx])
    s = jax.ops.segment_sum(e, idx, num_segments=num)
    return e / s[idx]


def setup_inputs(seed: int = 0) -> dict:
    key = jax.random.key(seed)
    ks = jax.random.split(key, 24)
    H = jax.random.normal(ks[0], (N, DH), jnp.float32)
    Z = jax.random.normal(ks[1], (N, 3), jnp.float32)
    edge_attr = jax.random.normal(ks[2], (E, DEDGE), jnp.float32)
    block_id = jax.random.randint(ks[3], (N,), 0, 1000, dtype=jnp.int64)
    edges = jax.random.randint(ks[4], (2, E), 0, N, dtype=jnp.int64)

    def lin_w(k, fin, fout):
        return jax.random.normal(k, (fin, fout), jnp.float32) / np.sqrt(fin)

    def lin_b(k, fout):
        return jax.random.normal(k, (fout,), jnp.float32) * 0.01

    att_in = (DH * 2 + NRBF + DEDGE) // NH  # 36
    return {
        'H': H, 'Z': Z, 'edge_attr': edge_attr, 'block_id': block_id, 'edges': edges,
        'Wq': lin_w(ks[5], DH, DH), 'bq': lin_b(ks[6], DH),
        'Wk': lin_w(ks[7], DH, DH), 'bk': lin_b(ks[8], DH),
        'Wv': lin_w(ks[9], DH, DH), 'bv': lin_b(ks[10], DH),
        'W1': lin_w(ks[11], att_in, DH * 4), 'b1': lin_b(ks[12], DH * 4),
        'W2': lin_w(ks[13], DH * 4, NH), 'b2': lin_b(ks[14], NH),
        'Wed': lin_w(ks[15], NRBF // NH, HD), 'bed': lin_b(ks[16], HD),
        'Wind': lin_w(ks[17], NRBF // NH, HD), 'bind': lin_b(ks[18], HD),
    }


def reference(H, Z, edge_attr, block_id, edges, Wq, bq, Wk, bk, Wv, bv, W1, b1, W2, b2, Wed, bed, Wind, bind):
    row = edges[0]
    col = edges[1]
    # attention
    Hq = (H[col] @ Wq + bq).reshape(E, NH, HD)
    Hk = (H[row] @ Wk + bk).reshape(E, NH, HD)
    dZ = Z[row] - Z[col]
    Dn = jnp.sqrt(jnp.sum(dZ * dZ, axis=-1) + 1e-8)  # stable_norm
    D = _rbf(Dn).reshape(E, NH, NRBF // NH)
    ea = edge_attr.reshape(E, NH, DEDGE // NH)
    R = jnp.concatenate([Hq, Hk, D, ea], axis=-1)  # [E, NH, 36]
    R = jax.nn.silu(R @ W1 + b1) @ W2 + b2  # [E, NH, NH]
    alpha = _scatter_softmax(R, col, N)
    # values
    Hv = (H[col] @ Wv + bv).reshape(E, NH, HD)
    # invariant update
    Hvi = Hv * (D @ Wind + bind)
    H_agg = jnp.matmul(alpha, Hvi)  # [E, NH, HD]
    edge_agg = jnp.matmul(alpha, ea).reshape(E, DEDGE)
    edge_out = edge_attr + edge_agg
    H_agg = jax.ops.segment_sum(H_agg, row, num_segments=N).reshape(N, DH)
    H_out = H + H_agg
    # equivariant update
    Hve = Hv * (D @ Wed + bed)
    ZH = jnp.matmul(alpha, Hve)  # [E, NH, HD]
    Za = ZH[:, None, :, :] * dZ[:, :, None, None]  # [E, 3, NH, HD]
    Za = jax.ops.segment_sum(ZH[:, None, :, :] * Za, row, num_segments=N)  # [N,3,NH,HD]
    Z_out = Z + jnp.sum(Za, axis=(-2, -1))
    return (H_out, Z_out, edge_out)

if __name__ == "__main__":
    import jax
    _d = setup_inputs()
    print(jax.jit(kernel)(*tuple(_d.values())))

</pallas_src>

<mosaic_0001>
#map = affine_map<(d0, d1) -> (0)>
#map1 = affine_map<(d0, d1) -> (0, 0)>
#map2 = affine_map<(d0, d1) -> (0, 0, 0)>
module attributes {stable_mosaic.version = 14 : i64} {
  func.func @_sc_scatter(%arg0: i32, %arg1: i32, %arg2: memref<320000xi32, #tpu.memory_space<hbm>>, %arg3: memref<320000x128xf32, #tpu.memory_space<hbm>>, %arg4: memref<10240x128xf32, #tpu.memory_space<hbm>>, %arg5: memref<2x10240x128xf32, #tpu.memory_space<hbm>>, %arg6: memref<128xi32, #tpu.memory_space<vmem>>, %arg7: memref<128x128xf32, #tpu.memory_space<vmem>>, %arg8: memref<10240x128xf32, #tpu.memory_space<vmem_shared>>) attributes {dimension_semantics = [#tpu.dimension_semantics<core_parallel>, #tpu.dimension_semantics<subcore_parallel>], iteration_bounds = array<i64: 2, 16>, scalar_prefetch = 0 : i64, scratch_operands = 3 : i64, tpu.core_type = #tpu.core_type<sc_vector_subcore>, window_params = [{transform_indices = #map}, {transform_indices = #map1}, {transform_indices = #map1}, {transform_indices = #map2}]} {
    %mul3A = arith.constant 2 : i32
    %mul3A_0 = arith.muli %arg1, %mul3A : i32
    %add3A = arith.addi %mul3A_0, %arg0 : i32
    %eq3A = arith.constant 0 : i32
    %eq3A_1 = arith.cmpi eq, %arg1, %eq3A : i32
    %convert_element_type3A = arith.extui %eq3A_1 : i1 to i32
    %cond3A = arith.constant 0 : i32
    %cond3A_2 = arith.cmpi ne, %convert_element_type3A, %cond3A : i32
    scf.if %cond3A_2 {
      "tpu.region"() ({
        %run_scoped3A = tpu.sem_alloc : memref<!tpu.dma_semaphore, #tpu.memory_space<semaphore_mem>>
        tpu.enqueue_dma source(%arg4 : memref<10240x128xf32, #tpu.memory_space<hbm>>) target(%arg8 : memref<10240x128xf32, #tpu.memory_space<vmem_shared>>) target_semaphore(%run_scoped3A : memref<!tpu.dma_semaphore, #tpu.memory_space<semaphore_mem>>)
        tpu.wait_dma2 semaphore(%run_scoped3A : memref<!tpu.dma_semaphore, #tpu.memory_space<semaphore_mem>>) src(%arg4 : memref<10240x128xf32, #tpu.memory_space<hbm>>) dst(%arg8 : memref<10240x128xf32, #tpu.memory_space<vmem_shared>>)
        tpu.yield
      }) : () -> ()
    } else {
    }
    %barrier3A = arith.constant 0 : index
    tpu.barrier barrier_id(%barrier3A)
    %scan3A = arith.constant 0 : i32
    %scan3A_3 = arith.constant 0 : i32
    %scan3A_4 = arith.constant 79 : i32
    %scan3A_5 = arith.addi %scan3A_3, %scan3A_4 : i32
    %scan3A_6 = arith.constant 1 : i32
    scf.for %scan3A_13 = %scan3A_3 to %scan3A_5 step %scan3A_6  : i32 {
      %mul3A_14 = arith.constant 32 : i32
      %mul3A_15 = arith.muli %scan3A_13, %mul3A_14 : i32
      %add3A_16 = arith.addi %mul3A_15, %add3A : i32
      %lt3A = arith.constant 2500 : i32
      %lt3A_17 = arith.cmpi slt, %add3A_16, %lt3A : i32
      %convert_element_type3A_18 = arith.extui %lt3A_17 : i1 to i32
      %cond3A_19 = arith.constant 0 : i32
      %cond3A_20 = arith.cmpi ne, %convert_element_type3A_18, %cond3A_19 : i32
      scf.if %cond3A_20 {
        %mul3A_21 = arith.constant 128 : i32
        %mul3A_22 = arith.muli %add3A_16, %mul3A_21 : i32
        "tpu.region"() ({
          %run_scoped3A = tpu.sem_alloc : memref<!tpu.dma_semaphore, #tpu.memory_space<semaphore_mem>>
          %dma_start3A = tpu.memref_slice %arg2[%mul3A_22] : memref<320000xi32, #tpu.memory_space<hbm>> -> memref<128xi32, #tpu.memory_space<hbm>>
          %dma_start3A_23 = tpu.memref_slice %arg2[%mul3A_22] : memref<320000xi32, #tpu.memory_space<hbm>> -> memref<128xi32, #tpu.memory_space<hbm>>
          tpu.enqueue_dma source(%dma_start3A_23 : memref<128xi32, #tpu.memory_space<hbm>>) target(%arg6 : memref<128xi32, #tpu.memory_space<vmem>>) target_semaphore(%run_scoped3A : memref<!tpu.dma_semaphore, #tpu.memory_space<semaphore_mem>>)
          %dma_wait3A = tpu.memref_slice %arg2[%mul3A_22] : memref<320000xi32, #tpu.memory_space<hbm>> -> memref<128xi32, #tpu.memory_space<hbm>>
          %dma_wait3A_24 = tpu.memref_slice %arg2[%mul3A_22] : memref<320000xi32, #tpu.memory_space<hbm>> -> memref<128xi32, #tpu.memory_space<hbm>>
          tpu.wait_dma2 semaphore(%run_scoped3A : memref<!tpu.dma_semaphore, #tpu.memory_space<semaphore_mem>>) src(%dma_wait3A_24 : memref<128xi32, #tpu.memory_space<hbm>>) dst(%arg6 : memref<128xi32, #tpu.memory_space<vmem>>)
          tpu.yield
        }) : () -> ()
        "tpu.region"() ({
          %run_scoped3A = tpu.sem_alloc : memref<!tpu.dma_semaphore, #tpu.memory_space<semaphore_mem>>
          %dma_start3A = arith.constant 0 : i32
          %dma_start3A_23 = tpu.memref_slice %arg3[%mul3A_22, %dma_start3A] : memref<320000x128xf32, #tpu.memory_space<hbm>> -> memref<128x128xf32, #tpu.memory_space<hbm>>
          %dma_start3A_24 = arith.constant 0 : i32
          %dma_start3A_25 = tpu.memref_slice %arg3[%mul3A_22, %dma_start3A_24] : memref<320000x128xf32, #tpu.memory_space<hbm>> -> memref<128x128xf32, #tpu.memory_space<hbm>>
          tpu.enqueue_dma source(%dma_start3A_25 : memref<128x128xf32, #tpu.memory_space<hbm>>) target(%arg7 : memref<128x128xf32, #tpu.memory_space<vmem>>) target_semaphore(%run_scoped3A : memref<!tpu.dma_semaphore, #tpu.memory_space<semaphore_mem>>)
          %dma_wait3A = arith.constant 0 : i32
          %dma_wait3A_26 = tpu.memref_slice %arg3[%mul3A_22, %dma_wait3A] : memref<320000x128xf32, #tpu.memory_space<hbm>> -> memref<128x128xf32, #tpu.memory_space<hbm>>
          %dma_wait3A_27 = arith.constant 0 : i32
          %dma_wait3A_28 = tpu.memref_slice %arg3[%mul3A_22, %dma_wait3A_27] : memref<320000x128xf32, #tpu.memory_space<hbm>> -> memref<128x128xf32, #tpu.memory_space<hbm>>
          tpu.wait_dma2 semaphore(%run_scoped3A : memref<!tpu.dma_semaphore, #tpu.memory_space<semaphore_mem>>) src(%dma_wait3A_28 : memref<128x128xf32, #tpu.memory_space<hbm>>) dst(%arg7 : memref<128x128xf32, #tpu.memory_space<vmem>>)
          tpu.yield
        }) : () -> ()
        "tpu.region"() ({
          %run_scoped3A = tpu.sem_alloc : memref<!tpu.dma_semaphore, #tpu.memory_space<semaphore_mem>>
          %dma_start3A = arith.constant 0 : i32
          %dma_start3A_23 = arith.constant 0 : i32
          %dma_start3A_24 = tpu.memref_slice %arg8[%dma_start3A, %dma_start3A_23] : memref<10240x128xf32, #tpu.memory_space<vmem_shared>> -> memref<10240x128xf32, #tpu.memory_space<vmem_shared>>
          tpu.enqueue_indirect_dma source(%arg7 : memref<128x128xf32, #tpu.memory_space<vmem>>) target(%dma_start3A_24 : memref<10240x128xf32, #tpu.memory_space<vmem_shared>>) offsets(%arg6 : memref<128xi32, #tpu.memory_space<vmem>>) semaphore(%run_scoped3A : memref<!tpu.dma_semaphore, #tpu.memory_space<semaphore_mem>>) {add = true}
          %dma_wait3A = arith.constant 0 : i32
          %dma_wait3A_25 = arith.constant 0 : i32
          %dma_wait3A_26 = tpu.memref_slice %arg8[%dma_wait3A, %dma_wait3A_25] : memref<10240x128xf32, #tpu.memory_space<vmem_shared>> -> memref<10240x128xf32, #tpu.memory_space<vmem_shared>>
          tpu.wait_indirect_dma semaphore(%run_scoped3A : memref<!tpu.dma_semaphore, #tpu.memory_space<semaphore_mem>>) src(%arg7 : memref<128x128xf32, #tpu.memory_space<vmem>>) dst(%dma_wait3A_26 : memref<10240x128xf32, #tpu.memory_space<vmem_shared>>)
          tpu.yield
        }) : () -> ()
      } else {
      }
    }
    %scan3A_7 = arith.constant 79 : i32
    %barrier3A_8 = arith.constant 0 : index
    tpu.barrier barrier_id(%barrier3A_8)
    %mul3A_9 = arith.constant 640 : i32
    %mul3A_10 = arith.muli %arg1, %mul3A_9 : i32
    %mul3A_11 = arith.constant 640 : i32
    %mul3A_12 = arith.muli %arg1, %mul3A_11 : i32
    "tpu.region"() ({
      %run_scoped3A = tpu.sem_alloc : memref<!tpu.dma_semaphore, #tpu.memory_space<semaphore_mem>>
      %dma_start3A = arith.constant 0 : i32
      %dma_start3A_13 = tpu.memref_slice %arg5[%arg0, %mul3A_12, %dma_start3A] : memref<2x10240x128xf32, #tpu.memory_space<hbm>> -> memref<1x640x128xf32, #tpu.memory_space<hbm>>
      %dma_start3A_14 = tpu.memref_squeeze %dma_start3A_13 : memref<1x640x128xf32, #tpu.memory_space<hbm>> -> memref<640x128xf32, #tpu.memory_space<hbm>>
      %dma_start3A_15 = arith.constant 0 : i32
      %dma_start3A_16 = tpu.memref_slice %arg8[%mul3A_10, %dma_start3A_15] : memref<10240x128xf32, #tpu.memory_space<vmem_shared>> -> memref<640x128xf32, #tpu.memory_space<vmem_shared>>
      tpu.enqueue_dma source(%dma_start3A_16 : memref<640x128xf32, #tpu.memory_space<vmem_shared>>) target(%dma_start3A_14 : memref<640x128xf32, #tpu.memory_space<hbm>>) target_semaphore(%run_scoped3A : memref<!tpu.dma_semaphore, #tpu.memory_space<semaphore_mem>>)
      %dma_wait3A = arith.constant 0 : i32
      %dma_wait3A_17 = tpu.memref_slice %arg5[%arg0, %mul3A_12, %dma_wait3A] : memref<2x10240x128xf32, #tpu.memory_space<hbm>> -> memref<1x640x128xf32, #tpu.memory_space<hbm>>
      %dma_wait3A_18 = tpu.memref_squeeze %dma_wait3A_17 : memref<1x640x128xf32, #tpu.memory_space<hbm>> -> memref<640x128xf32, #tpu.memory_space<hbm>>
      %dma_wait3A_19 = arith.constant 0 : i32
      %dma_wait3A_20 = tpu.memref_slice %arg8[%mul3A_10, %dma_wait3A_19] : memref<10240x128xf32, #tpu.memory_space<vmem_shared>> -> memref<640x128xf32, #tpu.memory_space<vmem_shared>>
      tpu.wait_dma2 semaphore(%run_scoped3A : memref<!tpu.dma_semaphore, #tpu.memory_space<semaphore_mem>>) src(%dma_wait3A_20 : memref<640x128xf32, #tpu.memory_space<vmem_shared>>) dst(%dma_wait3A_18 : memref<640x128xf32, #tpu.memory_space<hbm>>)
      tpu.yield
    }) : () -> ()
    return
  }
}

#map = affine_map<(d0, d1) -> (0)>
#map1 = affine_map<(d0, d1) -> (0, 0)>
module attributes {stable_mosaic.version = 14 : i64} {
  func.func @_sc_gather_s(%arg0: i32, %arg1: i32, %arg2: memref<320000xi32, #tpu.memory_space<hbm>>, %arg3: memref<10240x128xf32, #tpu.memory_space<hbm>>, %arg4: memref<320000x128xf32, #tpu.memory_space<hbm>>, %arg5: memref<128xi32, #tpu.memory_space<vmem>>, %arg6: memref<128x128xf32, #tpu.memory_space<vmem>>, %arg7: memref<!tpu.dma_semaphore, #tpu.memory_space<semaphore_mem>>) attributes {dimension_semantics = [#tpu.dimension_semantics<core_parallel>, #tpu.dimension_semantics<subcore_parallel>], iteration_bounds = array<i64: 2, 16>, scalar_prefetch = 0 : i64, scratch_operands = 3 : i64, tpu.core_type = #tpu.core_type<sc_vector_subcore>, window_params = [{transform_indices = #map}, {transform_indices = #map1}, {transform_indices = #map1}]} {
    %mul3A = arith.constant 2 : i32
    %mul3A_0 = arith.muli %arg1, %mul3A : i32
    %add3A = arith.addi %mul3A_0, %arg0 : i32
    %scan3A = arith.constant 0 : i32
    %scan3A_1 = arith.constant 0 : i32
    %scan3A_2 = arith.constant 79 : i32
    %scan3A_3 = arith.addi %scan3A_1, %scan3A_2 : i32
    %scan3A_4 = arith.constant 1 : i32
    scf.for %scan3A_6 = %scan3A_1 to %scan3A_3 step %scan3A_4  : i32 {
      %mul3A_7 = arith.constant 32 : i32
      %mul3A_8 = arith.muli %scan3A_6, %mul3A_7 : i32
      %add3A_9 = arith.addi %mul3A_8, %add3A : i32
      %lt3A = arith.constant 2500 : i32
      %lt3A_10 = arith.cmpi slt, %add3A_9, %lt3A : i32
      %convert_element_type3A = arith.extui %lt3A_10 : i1 to i32
      %cond3A = arith.constant 0 : i32
      %cond3A_11 = arith.cmpi ne, %convert_element_type3A, %cond3A : i32
      scf.if %cond3A_11 {
        %mul3A_12 = arith.constant 128 : i32
        %mul3A_13 = arith.muli %add3A_9, %mul3A_12 : i32
        "tpu.region"() ({
          %run_scoped3A = tpu.sem_alloc : memref<!tpu.dma_semaphore, #tpu.memory_space<semaphore_mem>>
          %dma_start3A_18 = tpu.memref_slice %arg2[%mul3A_13] : memref<320000xi32, #tpu.memory_space<hbm>> -> memref<128xi32, #tpu.memory_space<hbm>>
          %dma_start3A_19 = tpu.memref_slice %arg2[%mul3A_13] : memref<320000xi32, #tpu.memory_space<hbm>> -> memref<128xi32, #tpu.memory_space<hbm>>
          tpu.enqueue_dma source(%dma_start3A_19 : memref<128xi32, #tpu.memory_space<hbm>>) target(%arg5 : memref<128xi32, #tpu.memory_space<vmem>>) target_semaphore(%run_scoped3A : memref<!tpu.dma_semaphore, #tpu.memory_space<semaphore_mem>>)
          %dma_wait3A_20 = tpu.memref_slice %arg2[%mul3A_13] : memref<320000xi32, #tpu.memory_space<hbm>> -> memref<128xi32, #tpu.memory_space<hbm>>
          %dma_wait3A_21 = tpu.memref_slice %arg2[%mul3A_13] : memref<320000xi32, #tpu.memory_space<hbm>> -> memref<128xi32, #tpu.memory_space<hbm>>
          tpu.wait_dma2 semaphore(%run_scoped3A : memref<!tpu.dma_semaphore, #tpu.memory_space<semaphore_mem>>) src(%dma_wait3A_21 : memref<128xi32, #tpu.memory_space<hbm>>) dst(%arg5 : memref<128xi32, #tpu.memory_space<vmem>>)
          tpu.yield
        }) : () -> ()
        %dma_start3A = arith.constant 0 : i32
        %dma_start3A_14 = arith.constant 0 : i32
        %dma_start3A_15 = tpu.memref_slice %arg3[%dma_start3A, %dma_start3A_14] : memref<10240x128xf32, #tpu.memory_space<hbm>> -> memref<10240x128xf32, #tpu.memory_space<hbm>>
        tpu.enqueue_indirect_dma source(%dma_start3A_15 : memref<10240x128xf32, #tpu.memory_space<hbm>>) target(%arg6 : memref<128x128xf32, #tpu.memory_space<vmem>>) offsets(%arg5 : memref<128xi32, #tpu.memory_space<vmem>>) semaphore(%arg7 : memref<!tpu.dma_semaphore, #tpu.memory_space<semaphore_mem>>)
        %dma_wait3A = arith.constant 0 : i32
        %dma_wait3A_16 = arith.constant 0 : i32
        %dma_wait3A_17 = tpu.memref_slice %arg3[%dma_wait3A, %dma_wait3A_16] : memref<10240x128xf32, #tpu.memory_space<hbm>> -> memref<10240x128xf32, #tpu.memory_space<hbm>>
        tpu.wait_indirect_dma semaphore(%arg7 : memref<!tpu.dma_semaphore, #tpu.memory_space<semaphore_mem>>) src(%dma_wait3A_17 : memref<10240x128xf32, #tpu.memory_space<hbm>>) dst(%arg6 : memref<128x128xf32, #tpu.memory_space<vmem>>)
        "tpu.region"() ({
          %run_scoped3A = tpu.sem_alloc : memref<!tpu.dma_semaphore, #tpu.memory_space<semaphore_mem>>
          %dma_start3A_18 = arith.constant 0 : i32
          %dma_start3A_19 = tpu.memref_slice %arg4[%mul3A_13, %dma_start3A_18] : memref<320000x128xf32, #tpu.memory_space<hbm>> -> memref<128x128xf32, #tpu.memory_space<hbm>>
          %dma_start3A_20 = arith.constant 0 : i32
          %dma_start3A_21 = tpu.memref_slice %arg4[%mul3A_13, %dma_start3A_20] : memref<320000x128xf32, #tpu.memory_space<hbm>> -> memref<128x128xf32, #tpu.memory_space<hbm>>
          tpu.enqueue_dma source(%arg6 : memref<128x128xf32, #tpu.memory_space<vmem>>) target(%dma_start3A_21 : memref<128x128xf32, #tpu.memory_space<hbm>>) target_semaphore(%run_scoped3A : memref<!tpu.dma_semaphore, #tpu.memory_space<semaphore_mem>>)
          %dma_wait3A_22 = arith.constant 0 : i32
          %dma_wait3A_23 = tpu.memref_slice %arg4[%mul3A_13, %dma_wait3A_22] : memref<320000x128xf32, #tpu.memory_space<hbm>> -> memref<128x128xf32, #tpu.memory_space<hbm>>
          %dma_wait3A_24 = arith.constant 0 : i32
          %dma_wait3A_25 = tpu.memref_slice %arg4[%mul3A_13, %dma_wait3A_24] : memref<320000x128xf32, #tpu.memory_space<hbm>> -> memref<128x128xf32, #tpu.memory_space<hbm>>
          tpu.wait_dma2 semaphore(%run_scoped3A : memref<!tpu.dma_semaphore, #tpu.memory_space<semaphore_mem>>) src(%arg6 : memref<128x128xf32, #tpu.memory_space<vmem>>) dst(%dma_wait3A_25 : memref<128x128xf32, #tpu.memory_space<hbm>>)
          tpu.yield
        }) : () -> ()
      } else {
      }
    }
    %scan3A_5 = arith.constant 79 : i32
    return
  }
}

#map = affine_map<(d0, d1) -> (0)>
#map1 = affine_map<(d0, d1) -> (0, 0)>
module attributes {stable_mosaic.version = 14 : i64} {
  func.func @_sc_gather_hz(%arg0: i32, %arg1: i32, %arg2: memref<320000xi32, #tpu.memory_space<hbm>>, %arg3: memref<320000xi32, #tpu.memory_space<hbm>>, %arg4: memref<10000x256xf32, #tpu.memory_space<hbm>>, %arg5: memref<320000x256xf32, #tpu.memory_space<hbm>>, %arg6: memref<320000x256xf32, #tpu.memory_space<hbm>>, %arg7: memref<128xi32, #tpu.memory_space<vmem>>, %arg8: memref<128xi32, #tpu.memory_space<vmem>>, %arg9: memref<128x256xf32, #tpu.memory_space<vmem>>, %arg10: memref<128x256xf32, #tpu.memory_space<vmem>>, %arg11: memref<!tpu.dma_semaphore, #tpu.memory_space<semaphore_mem>>) attributes {dimension_semantics = [#tpu.dimension_semantics<core_parallel>, #tpu.dimension_semantics<subcore_parallel>], iteration_bounds = array<i64: 2, 16>, scalar_prefetch = 0 : i64, scratch_operands = 5 : i64, tpu.core_type = #tpu.core_type<sc_vector_subcore>, window_params = [{transform_indices = #map}, {transform_indices = #map}, {transform_indices = #map1}, {transform_indices = #map1}, {transform_indices = #map1}]} {
    %mul3A = arith.constant 2 : i32
    %mul3A_0 = arith.muli %arg1, %mul3A : i32
    %add3A = arith.addi %mul3A_0, %arg0 : i32
    %scan3A = arith.constant 0 : i32
    %scan3A_1 = arith.constant 0 : i32
    %scan3A_2 = arith.constant 79 : i32
    %scan3A_3 = arith.addi %scan3A_1, %scan3A_2 : i32
    %scan3A_4 = arith.constant 1 : i32
    scf.for %scan3A_6 = %scan3A_1 to %scan3A_3 step %scan3A_4  : i32 {
      %mul3A_7 = arith.constant 32 : i32
      %mul3A_8 = arith.muli %scan3A_6, %mul3A_7 : i32
      %add3A_9 = arith.addi %mul3A_8, %add3A : i32
      %lt3A = arith.constant 2500 : i32
      %lt3A_10 = arith.cmpi slt, %add3A_9, %lt3A : i32
      %convert_element_type3A = arith.extui %lt3A_10 : i1 to i32
      %cond3A = arith.constant 0 : i32
      %cond3A_11 = arith.cmpi ne, %convert_element_type3A, %cond3A : i32
      scf.if %cond3A_11 {
        %mul3A_12 = arith.constant 128 : i32
        %mul3A_13 = arith.muli %add3A_9, %mul3A_12 : i32
        "tpu.region"() ({
          %run_scoped3A = tpu.sem_alloc : memref<!tpu.dma_semaphore, #tpu.memory_space<semaphore_mem>>
          %dma_start3A_24 = tpu.memref_slice %arg2[%mul3A_13] : memref<320000xi32, #tpu.memory_space<hbm>> -> memref<128xi32, #tpu.memory_space<hbm>>
          %dma_start3A_25 = tpu.memref_slice %arg2[%mul3A_13] : memref<320000xi32, #tpu.memory_space<hbm>> -> memref<128xi32, #tpu.memory_space<hbm>>
          tpu.enqueue_dma source(%dma_start3A_25 : memref<128xi32, #tpu.memory_space<hbm>>) target(%arg7 : memref<128xi32, #tpu.memory_space<vmem>>) target_semaphore(%run_scoped3A : memref<!tpu.dma_semaphore, #tpu.memory_space<semaphore_mem>>)
          %dma_wait3A_26 = tpu.memref_slice %arg2[%mul3A_13] : memref<320000xi32, #tpu.memory_space<hbm>> -> memref<128xi32, #tpu.memory_space<hbm>>
          %dma_wait3A_27 = tpu.memref_slice %arg2[%mul3A_13] : memref<320000xi32, #tpu.memory_space<hbm>> -> memref<128xi32, #tpu.memory_space<hbm>>
          tpu.wait_dma2 semaphore(%run_scoped3A : memref<!tpu.dma_semaphore, #tpu.memory_space<semaphore_mem>>) src(%dma_wait3A_27 : memref<128xi32, #tpu.memory_space<hbm>>) dst(%arg7 : memref<128xi32, #tpu.memory_space<vmem>>)
          tpu.yield
        }) : () -> ()
        "tpu.region"() ({
          %run_scoped3A = tpu.sem_alloc : memref<!tpu.dma_semaphore, #tpu.memory_space<semaphore_mem>>
          %dma_start3A_24 = tpu.memref_slice %arg3[%mul3A_13] : memref<320000xi32, #tpu.memory_space<hbm>> -> memref<128xi32, #tpu.memory_space<hbm>>
          %dma_start3A_25 = tpu.memref_slice %arg3[%mul3A_13] : memref<320000xi32, #tpu.memory_space<hbm>> -> memref<128xi32, #tpu.memory_space<hbm>>
          tpu.enqueue_dma source(%dma_start3A_25 : memref<128xi32, #tpu.memory_space<hbm>>) target(%arg8 : memref<128xi32, #tpu.memory_space<vmem>>) target_semaphore(%run_scoped3A : memref<!tpu.dma_semaphore, #tpu.memory_space<semaphore_mem>>)
          %dma_wait3A_26 = tpu.memref_slice %arg3[%mul3A_13] : memref<320000xi32, #tpu.memory_space<hbm>> -> memref<128xi32, #tpu.memory_space<hbm>>
          %dma_wait3A_27 = tpu.memref_slice %arg3[%mul3A_13] : memref<320000xi32, #tpu.memory_space<hbm>> -> memref<128xi32, #tpu.memory_space<hbm>>
          tpu.wait_dma2 semaphore(%run_scoped3A : memref<!tpu.dma_semaphore, #tpu.memory_space<semaphore_mem>>) src(%dma_wait3A_27 : memref<128xi32, #tpu.memory_space<hbm>>) dst(%arg8 : memref<128xi32, #tpu.memory_space<vmem>>)
          tpu.yield
        }) : () -> ()
        %dma_start3A = arith.constant 0 : i32
        %dma_start3A_14 = arith.constant 0 : i32
        %dma_start3A_15 = tpu.memref_slice %arg4[%dma_start3A, %dma_start3A_14] : memref<10000x256xf32, #tpu.memory_space<hbm>> -> memref<10000x256xf32, #tpu.memory_space<hbm>>
        tpu.enqueue_indirect_dma source(%dma_start3A_15 : memref<10000x256xf32, #tpu.memory_space<hbm>>) target(%arg9 : memref<128x256xf32, #tpu.memory_space<vmem>>) offsets(%arg7 : memref<128xi32, #tpu.memory_space<vmem>>) semaphore(%arg11 : memref<!tpu.dma_semaphore, #tpu.memory_space<semaphore_mem>>)
        %dma_start3A_16 = arith.constant 0 : i32
        %dma_start3A_17 = arith.constant 0 : i32
        %dma_start3A_18 = tpu.memref_slice %arg4[%dma_start3A_16, %dma_start3A_17] : memref<10000x256xf32, #tpu.memory_space<hbm>> -> memref<10000x256xf32, #tpu.memory_space<hbm>>
        tpu.enqueue_indirect_dma source(%dma_start3A_18 : memref<10000x256xf32, #tpu.memory_space<hbm>>) target(%arg10 : memref<128x256xf32, #tpu.memory_space<vmem>>) offsets(%arg8 : memref<128xi32, #tpu.memory_space<vmem>>) semaphore(%arg11 : memref<!tpu.dma_semaphore, #tpu.memory_space<semaphore_mem>>)
        %dma_wait3A = arith.constant 0 : i32
        %dma_wait3A_19 = arith.constant 0 : i32
        %dma_wait3A_20 = tpu.memref_slice %arg4[%dma_wait3A, %dma_wait3A_19] : memref<10000x256xf32, #tpu.memory_space<hbm>> -> memref<10000x256xf32, #tpu.memory_space<hbm>>
        tpu.wait_indirect_dma semaphore(%arg11 : memref<!tpu.dma_semaphore, #tpu.memory_space<semaphore_mem>>) src(%dma_wait3A_20 : memref<10000x256xf32, #tpu.memory_space<hbm>>) dst(%arg9 : memref<128x256xf32, #tpu.memory_space<vmem>>)
        %dma_wait3A_21 = arith.constant 0 : i32
        %dma_wait3A_22 = arith.constant 0 : i32
        %dma_wait3A_23 = tpu.memref_slice %arg4[%dma_wait3A_21, %dma_wait3A_22] : memref<10000x256xf32, #tpu.memory_space<hbm>> -> memref<10000x256xf32, #tpu.memory_space<hbm>>
        tpu.wait_indirect_dma semaphore(%arg11 : memref<!tpu.dma_semaphore, #tpu.memory_space<semaphore_mem>>) src(%dma_wait3A_23 : memref<10000x256xf32, #tpu.memory_space<hbm>>) dst(%arg10 : memref<128x256xf32, #tpu.memory_space<vmem>>)
        "tpu.region"() ({
          %run_scoped3A = tpu.sem_alloc : memref<!tpu.dma_semaphore, #tpu.memory_space<semaphore_mem>>
          %dma_start3A_24 = arith.constant 0 : i32
          %dma_start3A_25 = tpu.memref_slice %arg5[%mul3A_13, %dma_start3A_24] : memref<320000x256xf32, #tpu.memory_space<hbm>> -> memref<128x256xf32, #tpu.memory_space<hbm>>
          %dma_start3A_26 = arith.constant 0 : i32
          %dma_start3A_27 = tpu.memref_slice %arg5[%mul3A_13, %dma_start3A_26] : memref<320000x256xf32, #tpu.memory_space<hbm>> -> memref<128x256xf32, #tpu.memory_space<hbm>>
          tpu.enqueue_dma source(%arg9 : memref<128x256xf32, #tpu.memory_space<vmem>>) target(%dma_start3A_27 : memref<128x256xf32, #tpu.memory_space<hbm>>) target_semaphore(%run_scoped3A : memref<!tpu.dma_semaphore, #tpu.memory_space<semaphore_mem>>)
          %dma_wait3A_28 = arith.constant 0 : i32
          %dma_wait3A_29 = tpu.memref_slice %arg5[%mul3A_13, %dma_wait3A_28] : memref<320000x256xf32, #tpu.memory_space<hbm>> -> memref<128x256xf32, #tpu.memory_space<hbm>>
          %dma_wait3A_30 = arith.constant 0 : i32
          %dma_wait3A_31 = tpu.memref_slice %arg5[%mul3A_13, %dma_wait3A_30] : memref<320000x256xf32, #tpu.memory_space<hbm>> -> memref<128x256xf32, #tpu.memory_space<hbm>>
          tpu.wait_dma2 semaphore(%run_scoped3A : memref<!tpu.dma_semaphore, #tpu.memory_space<semaphore_mem>>) src(%arg9 : memref<128x256xf32, #tpu.memory_space<vmem>>) dst(%dma_wait3A_31 : memref<128x256xf32, #tpu.memory_space<hbm>>)
          tpu.yield
        }) : () -> ()
        "tpu.region"() ({
          %run_scoped3A = tpu.sem_alloc : memref<!tpu.dma_semaphore, #tpu.memory_space<semaphore_mem>>
          %dma_start3A_24 = arith.constant 0 : i32
          %dma_start3A_25 = tpu.memref_slice %arg6[%mul3A_13, %dma_start3A_24] : memref<320000x256xf32, #tpu.memory_space<hbm>> -> memref<128x256xf32, #tpu.memory_space<hbm>>
          %dma_start3A_26 = arith.constant 0 : i32
          %dma_start3A_27 = tpu.memref_slice %arg6[%mul3A_13, %dma_start3A_26] : memref<320000x256xf32, #tpu.memory_space<hbm>> -> memref<128x256xf32, #tpu.memory_space<hbm>>
          tpu.enqueue_dma source(%arg10 : memref<128x256xf32, #tpu.memory_space<vmem>>) target(%dma_start3A_27 : memref<128x256xf32, #tpu.memory_space<hbm>>) target_semaphore(%run_scoped3A : memref<!tpu.dma_semaphore, #tpu.memory_space<semaphore_mem>>)
          %dma_wait3A_28 = arith.constant 0 : i32
          %dma_wait3A_29 = tpu.memref_slice %arg6[%mul3A_13, %dma_wait3A_28] : memref<320000x256xf32, #tpu.memory_space<hbm>> -> memref<128x256xf32, #tpu.memory_space<hbm>>
          %dma_wait3A_30 = arith.constant 0 : i32
          %dma_wait3A_31 = tpu.memref_slice %arg6[%mul3A_13, %dma_wait3A_30] : memref<320000x256xf32, #tpu.memory_space<hbm>> -> memref<128x256xf32, #tpu.memory_space<hbm>>
          tpu.wait_dma2 semaphore(%run_scoped3A : memref<!tpu.dma_semaphore, #tpu.memory_space<semaphore_mem>>) src(%arg10 : memref<128x256xf32, #tpu.memory_space<vmem>>) dst(%dma_wait3A_31 : memref<128x256xf32, #tpu.memory_space<hbm>>)
          tpu.yield
        }) : () -> ()
      } else {
      }
    }
    %scan3A_5 = arith.constant 79 : i32
    return
  }
}

#map = affine_map<(d0, d1) -> (0)>
#map1 = affine_map<(d0, d1) -> (0, 0)>
#map2 = affine_map<(d0, d1) -> (0, 0, 0)>
module attributes {stable_mosaic.version = 14 : i64} {
  func.func @_sc_scatter(%arg0: i32, %arg1: i32, %arg2: memref<320000xi32, #tpu.memory_space<hbm>>, %arg3: memref<320000x128xf32, #tpu.memory_space<hbm>>, %arg4: memref<10240x128xf32, #tpu.memory_space<hbm>>, %arg5: memref<2x10240x128xf32, #tpu.memory_space<hbm>>, %arg6: memref<128xi32, #tpu.memory_space<vmem>>, %arg7: memref<128x128xf32, #tpu.memory_space<vmem>>, %arg8: memref<10240x128xf32, #tpu.memory_space<vmem_shared>>) attributes {dimension_semantics = [#tpu.dimension_semantics<core_parallel>, #tpu.dimension_semantics<subcore_parallel>], iteration_bounds = array<i64: 2, 16>, scalar_prefetch = 0 : i64, scratch_operands = 3 : i64, tpu.core_type = #tpu.core_type<sc_vector_subcore>, window_params = [{transform_indices = #map}, {transform_indices = #map1}, {transform_indices = #map1}, {transform_indices = #map2}]} {
    %mul3A = arith.constant 2 : i32
    %mul3A_0 = arith.muli %arg1, %mul3A : i32
    %add3A = arith.addi %mul3A_0, %arg0 : i32
    %eq3A = arith.constant 0 : i32
    %eq3A_1 = arith.cmpi eq, %arg1, %eq3A : i32
    %convert_element_type3A = arith.extui %eq3A_1 : i1 to i32
    %cond3A = arith.constant 0 : i32
    %cond3A_2 = arith.cmpi ne, %convert_element_type3A, %cond3A : i32
    scf.if %cond3A_2 {
      "tpu.region"() ({
        %run_scoped3A = tpu.sem_alloc : memref<!tpu.dma_semaphore, #tpu.memory_space<semaphore_mem>>
        tpu.enqueue_dma source(%arg4 : memref<10240x128xf32, #tpu.memory_space<hbm>>) target(%arg8 : memref<10240x128xf32, #tpu.memory_space<vmem_shared>>) target_semaphore(%run_scoped3A : memref<!tpu.dma_semaphore, #tpu.memory_space<semaphore_mem>>)
        tpu.wait_dma2 semaphore(%run_scoped3A : memref<!tpu.dma_semaphore, #tpu.memory_space<semaphore_mem>>) src(%arg4 : memref<10240x128xf32, #tpu.memory_space<hbm>>) dst(%arg8 : memref<10240x128xf32, #tpu.memory_space<vmem_shared>>)
        tpu.yield
      }) : () -> ()
    } else {
    }
    %barrier3A = arith.constant 0 : index
    tpu.barrier barrier_id(%barrier3A)
    %scan3A = arith.constant 0 : i32
    %scan3A_3 = arith.constant 0 : i32
    %scan3A_4 = arith.constant 79 : i32
    %scan3A_5 = arith.addi %scan3A_3, %scan3A_4 : i32
    %scan3A_6 = arith.constant 1 : i32
    scf.for %scan3A_13 = %scan3A_3 to %scan3A_5 step %scan3A_6  : i32 {
      %mul3A_14 = arith.constant 32 : i32
      %mul3A_15 = arith.muli %scan3A_13, %mul3A_14 : i32
      %add3A_16 = arith.addi %mul3A_15, %add3A : i32
      %lt3A = arith.constant 2500 : i32
      %lt3A_17 = arith.cmpi slt, %add3A_16, %lt3A : i32
      %convert_element_type3A_18 = arith.extui %lt3A_17 : i1 to i32
      %cond3A_19 = arith.constant 0 : i32
      %cond3A_20 = arith.cmpi ne, %convert_element_type3A_18, %cond3A_19 : i32
      scf.if %cond3A_20 {
        %mul3A_21 = arith.constant 128 : i32
        %mul3A_22 = arith.muli %add3A_16, %mul3A_21 : i32
        "tpu.region"() ({
          %run_scoped3A = tpu.sem_alloc : memref<!tpu.dma_semaphore, #tpu.memory_space<semaphore_mem>>
          %dma_start3A = tpu.memref_slice %arg2[%mul3A_22] : memref<320000xi32, #tpu.memory_space<hbm>> -> memref<128xi32, #tpu.memory_space<hbm>>
          %dma_start3A_23 = tpu.memref_slice %arg2[%mul3A_22] : memref<320000xi32, #tpu.memory_space<hbm>> -> memref<128xi32, #tpu.memory_space<hbm>>
          tpu.enqueue_dma source(%dma_start3A_23 : memref<128xi32, #tpu.memory_space<hbm>>) target(%arg6 : memref<128xi32, #tpu.memory_space<vmem>>) target_semaphore(%run_scoped3A : memref<!tpu.dma_semaphore, #tpu.memory_space<semaphore_mem>>)
          %dma_wait3A = tpu.memref_slice %arg2[%mul3A_22] : memref<320000xi32, #tpu.memory_space<hbm>> -> memref<128xi32, #tpu.memory_space<hbm>>
          %dma_wait3A_24 = tpu.memref_slice %arg2[%mul3A_22] : memref<320000xi32, #tpu.memory_space<hbm>> -> memref<128xi32, #tpu.memory_space<hbm>>
          tpu.wait_dma2 semaphore(%run_scoped3A : memref<!tpu.dma_semaphore, #tpu.memory_space<semaphore_mem>>) src(%dma_wait3A_24 : memref<128xi32, #tpu.memory_space<hbm>>) dst(%arg6 : memref<128xi32, #tpu.memory_space<vmem>>)
          tpu.yield
        }) : () -> ()
        "tpu.region"() ({
          %run_scoped3A = tpu.sem_alloc : memref<!tpu.dma_semaphore, #tpu.memory_space<semaphore_mem>>
          %dma_start3A = arith.constant 0 : i32
          %dma_start3A_23 = tpu.memref_slice %arg3[%mul3A_22, %dma_start3A] : memref<320000x128xf32, #tpu.memory_space<hbm>> -> memref<128x128xf32, #tpu.memory_space<hbm>>
          %dma_start3A_24 = arith.constant 0 : i32
          %dma_start3A_25 = tpu.memref_slice %arg3[%mul3A_22, %dma_start3A_24] : memref<320000x128xf32, #tpu.memory_space<hbm>> -> memref<128x128xf32, #tpu.memory_space<hbm>>
          tpu.enqueue_dma source(%dma_start3A_25 : memref<128x128xf32, #tpu.memory_space<hbm>>) target(%arg7 : memref<128x128xf32, #tpu.memory_space<vmem>>) target_semaphore(%run_scoped3A : memref<!tpu.dma_semaphore, #tpu.memory_space<semaphore_mem>>)
          %dma_wait3A = arith.constant 0 : i32
          %dma_wait3A_26 = tpu.memref_slice %arg3[%mul3A_22, %dma_wait3A] : memref<320000x128xf32, #tpu.memory_space<hbm>> -> memref<128x128xf32, #tpu.memory_space<hbm>>
          %dma_wait3A_27 = arith.constant 0 : i32
          %dma_wait3A_28 = tpu.memref_slice %arg3[%mul3A_22, %dma_wait3A_27] : memref<320000x128xf32, #tpu.memory_space<hbm>> -> memref<128x128xf32, #tpu.memory_space<hbm>>
          tpu.wait_dma2 semaphore(%run_scoped3A : memref<!tpu.dma_semaphore, #tpu.memory_space<semaphore_mem>>) src(%dma_wait3A_28 : memref<128x128xf32, #tpu.memory_space<hbm>>) dst(%arg7 : memref<128x128xf32, #tpu.memory_space<vmem>>)
          tpu.yield
        }) : () -> ()
        "tpu.region"() ({
          %run_scoped3A = tpu.sem_alloc : memref<!tpu.dma_semaphore, #tpu.memory_space<semaphore_mem>>
          %dma_start3A = arith.constant 0 : i32
          %dma_start3A_23 = arith.constant 0 : i32
          %dma_start3A_24 = tpu.memref_slice %arg8[%dma_start3A, %dma_start3A_23] : memref<10240x128xf32, #tpu.memory_space<vmem_shared>> -> memref<10240x128xf32, #tpu.memory_space<vmem_shared>>
          tpu.enqueue_indirect_dma source(%arg7 : memref<128x128xf32, #tpu.memory_space<vmem>>) target(%dma_start3A_24 : memref<10240x128xf32, #tpu.memory_space<vmem_shared>>) offsets(%arg6 : memref<128xi32, #tpu.memory_space<vmem>>) semaphore(%run_scoped3A : memref<!tpu.dma_semaphore, #tpu.memory_space<semaphore_mem>>) {add = true}
          %dma_wait3A = arith.constant 0 : i32
          %dma_wait3A_25 = arith.constant 0 : i32
          %dma_wait3A_26 = tpu.memref_slice %arg8[%dma_wait3A, %dma_wait3A_25] : memref<10240x128xf32, #tpu.memory_space<vmem_shared>> -> memref<10240x128xf32, #tpu.memory_space<vmem_shared>>
          tpu.wait_indirect_dma semaphore(%run_scoped3A : memref<!tpu.dma_semaphore, #tpu.memory_space<semaphore_mem>>) src(%arg7 : memref<128x128xf32, #tpu.memory_space<vmem>>) dst(%dma_wait3A_26 : memref<10240x128xf32, #tpu.memory_space<vmem_shared>>)
          tpu.yield
        }) : () -> ()
      } else {
      }
    }
    %scan3A_7 = arith.constant 79 : i32
    %barrier3A_8 = arith.constant 0 : index
    tpu.barrier barrier_id(%barrier3A_8)
    %mul3A_9 = arith.constant 640 : i32
    %mul3A_10 = arith.muli %arg1, %mul3A_9 : i32
    %mul3A_11 = arith.constant 640 : i32
    %mul3A_12 = arith.muli %arg1, %mul3A_11 : i32
    "tpu.region"() ({
      %run_scoped3A = tpu.sem_alloc : memref<!tpu.dma_semaphore, #tpu.memory_space<semaphore_mem>>
      %dma_start3A = arith.constant 0 : i32
      %dma_start3A_13 = tpu.memref_slice %arg5[%arg0, %mul3A_12, %dma_start3A] : memref<2x10240x128xf32, #tpu.memory_space<hbm>> -> memref<1x640x128xf32, #tpu.memory_space<hbm>>
      %dma_start3A_14 = tpu.memref_squeeze %dma_start3A_13 : memref<1x640x128xf32, #tpu.memory_space<hbm>> -> memref<640x128xf32, #tpu.memory_space<hbm>>
      %dma_start3A_15 = arith.constant 0 : i32
      %dma_start3A_16 = tpu.memref_slice %arg8[%mul3A_10, %dma_start3A_15] : memref<10240x128xf32, #tpu.memory_space<vmem_shared>> -> memref<640x128xf32, #tpu.memory_space<vmem_shared>>
      tpu.enqueue_dma source(%dma_start3A_16 : memref<640x128xf32, #tpu.memory_space<vmem_shared>>) target(%dma_start3A_14 : memref<640x128xf32, #tpu.memory_space<hbm>>) target_semaphore(%run_scoped3A : memref<!tpu.dma_semaphore, #tpu.memory_space<semaphore_mem>>)
      %dma_wait3A = arith.constant 0 : i32
      %dma_wait3A_17 = tpu.memref_slice %arg5[%arg0, %mul3A_12, %dma_wait3A] : memref<2x10240x128xf32, #tpu.memory_space<hbm>> -> memref<1x640x128xf32, #tpu.memory_space<hbm>>
      %dma_wait3A_18 = tpu.memref_squeeze %dma_wait3A_17 : memref<1x640x128xf32, #tpu.memory_space<hbm>> -> memref<640x128xf32, #tpu.memory_space<hbm>>
      %dma_wait3A_19 = arith.constant 0 : i32
      %dma_wait3A_20 = tpu.memref_slice %arg8[%mul3A_10, %dma_wait3A_19] : memref<10240x128xf32, #tpu.memory_space<vmem_shared>> -> memref<640x128xf32, #tpu.memory_space<vmem_shared>>
      tpu.wait_dma2 semaphore(%run_scoped3A : memref<!tpu.dma_semaphore, #tpu.memory_space<semaphore_mem>>) src(%dma_wait3A_20 : memref<640x128xf32, #tpu.memory_space<vmem_shared>>) dst(%dma_wait3A_18 : memref<640x128xf32, #tpu.memory_space<hbm>>)
      tpu.yield
    }) : () -> ()
    return
  }
}

#map = affine_map<(d0, d1) -> (0)>
#map1 = affine_map<(d0, d1) -> (0, 0)>
#map2 = affine_map<(d0, d1) -> (0, 0, 0)>
module attributes {stable_mosaic.version = 14 : i64} {
  func.func @_sc_scatter(%arg0: i32, %arg1: i32, %arg2: memref<320000xi32, #tpu.memory_space<hbm>>, %arg3: memref<320000x128xf32, #tpu.memory_space<hbm>>, %arg4: memref<10240x128xf32, #tpu.memory_space<hbm>>, %arg5: memref<2x10240x128xf32, #tpu.memory_space<hbm>>, %arg6: memref<128xi32, #tpu.memory_space<vmem>>, %arg7: memref<128x128xf32, #tpu.memory_space<vmem>>, %arg8: memref<10240x128xf32, #tpu.memory_space<vmem_shared>>) attributes {dimension_semantics = [#tpu.dimension_semantics<core_parallel>, #tpu.dimension_semantics<subcore_parallel>], iteration_bounds = array<i64: 2, 16>, scalar_prefetch = 0 : i64, scratch_operands = 3 : i64, tpu.core_type = #tpu.core_type<sc_vector_subcore>, window_params = [{transform_indices = #map}, {transform_indices = #map1}, {transform_indices = #map1}, {transform_indices = #map2}]} {
    %mul3A = arith.constant 2 : i32
    %mul3A_0 = arith.muli %arg1, %mul3A : i32
    %add3A = arith.addi %mul3A_0, %arg0 : i32
    %eq3A = arith.constant 0 : i32
    %eq3A_1 = arith.cmpi eq, %arg1, %eq3A : i32
    %convert_element_type3A = arith.extui %eq3A_1 : i1 to i32
    %cond3A = arith.constant 0 : i32
    %cond3A_2 = arith.cmpi ne, %convert_element_type3A, %cond3A : i32
    scf.if %cond3A_2 {
      "tpu.region"() ({
        %run_scoped3A = tpu.sem_alloc : memref<!tpu.dma_semaphore, #tpu.memory_space<semaphore_mem>>
        tpu.enqueue_dma source(%arg4 : memref<10240x128xf32, #tpu.memory_space<hbm>>) target(%arg8 : memref<10240x128xf32, #tpu.memory_space<vmem_shared>>) target_semaphore(%run_scoped3A : memref<!tpu.dma_semaphore, #tpu.memory_space<semaphore_mem>>)
        tpu.wait_dma2 semaphore(%run_scoped3A : memref<!tpu.dma_semaphore, #tpu.memory_space<semaphore_mem>>) src(%arg4 : memref<10240x128xf32, #tpu.memory_space<hbm>>) dst(%arg8 : memref<10240x128xf32, #tpu.memory_space<vmem_shared>>)
        tpu.yield
      }) : () -> ()
    } else {
    }
    %barrier3A = arith.constant 0 : index
    tpu.barrier barrier_id(%barrier3A)
    %scan3A = arith.constant 0 : i32
    %scan3A_3 = arith.constant 0 : i32
    %scan3A_4 = arith.constant 79 : i32
    %scan3A_5 = arith.addi %scan3A_3, %scan3A_4 : i32
    %scan3A_6 = arith.constant 1 : i32
    scf.for %scan3A_13 = %scan3A_3 to %scan3A_5 step %scan3A_6  : i32 {
      %mul3A_14 = arith.constant 32 : i32
      %mul3A_15 = arith.muli %scan3A_13, %mul3A_14 : i32
      %add3A_16 = arith.addi %mul3A_15, %add3A : i32
      %lt3A = arith.constant 2500 : i32
      %lt3A_17 = arith.cmpi slt, %add3A_16, %lt3A : i32
      %convert_element_type3A_18 = arith.extui %lt3A_17 : i1 to i32
      %cond3A_19 = arith.constant 0 : i32
      %cond3A_20 = arith.cmpi ne, %convert_element_type3A_18, %cond3A_19 : i32
      scf.if %cond3A_20 {
        %mul3A_21 = arith.constant 128 : i32
        %mul3A_22 = arith.muli %add3A_16, %mul3A_21 : i32
        "tpu.region"() ({
          %run_scoped3A = tpu.sem_alloc : memref<!tpu.dma_semaphore, #tpu.memory_space<semaphore_mem>>
          %dma_start3A = tpu.memref_slice %arg2[%mul3A_22] : memref<320000xi32, #tpu.memory_space<hbm>> -> memref<128xi32, #tpu.memory_space<hbm>>
          %dma_start3A_23 = tpu.memref_slice %arg2[%mul3A_22] : memref<320000xi32, #tpu.memory_space<hbm>> -> memref<128xi32, #tpu.memory_space<hbm>>
          tpu.enqueue_dma source(%dma_start3A_23 : memref<128xi32, #tpu.memory_space<hbm>>) target(%arg6 : memref<128xi32, #tpu.memory_space<vmem>>) target_semaphore(%run_scoped3A : memref<!tpu.dma_semaphore, #tpu.memory_space<semaphore_mem>>)
          %dma_wait3A = tpu.memref_slice %arg2[%mul3A_22] : memref<320000xi32, #tpu.memory_space<hbm>> -> memref<128xi32, #tpu.memory_space<hbm>>
          %dma_wait3A_24 = tpu.memref_slice %arg2[%mul3A_22] : memref<320000xi32, #tpu.memory_space<hbm>> -> memref<128xi32, #tpu.memory_space<hbm>>
          tpu.wait_dma2 semaphore(%run_scoped3A : memref<!tpu.dma_semaphore, #tpu.memory_space<semaphore_mem>>) src(%dma_wait3A_24 : memref<128xi32, #tpu.memory_space<hbm>>) dst(%arg6 : memref<128xi32, #tpu.memory_space<vmem>>)
          tpu.yield
        }) : () -> ()
        "tpu.region"() ({
          %run_scoped3A = tpu.sem_alloc : memref<!tpu.dma_semaphore, #tpu.memory_space<semaphore_mem>>
          %dma_start3A = arith.constant 0 : i32
          %dma_start3A_23 = tpu.memref_slice %arg3[%mul3A_22, %dma_start3A] : memref<320000x128xf32, #tpu.memory_space<hbm>> -> memref<128x128xf32, #tpu.memory_space<hbm>>
          %dma_start3A_24 = arith.constant 0 : i32
          %dma_start3A_25 = tpu.memref_slice %arg3[%mul3A_22, %dma_start3A_24] : memref<320000x128xf32, #tpu.memory_space<hbm>> -> memref<128x128xf32, #tpu.memory_space<hbm>>
          tpu.enqueue_dma source(%dma_start3A_25 : memref<128x128xf32, #tpu.memory_space<hbm>>) target(%arg7 : memref<128x128xf32, #tpu.memory_space<vmem>>) target_semaphore(%run_scoped3A : memref<!tpu.dma_semaphore, #tpu.memory_space<semaphore_mem>>)
          %dma_wait3A = arith.constant 0 : i32
          %dma_wait3A_26 = tpu.memref_slice %arg3[%mul3A_22, %dma_wait3A] : memref<320000x128xf32, #tpu.memory_space<hbm>> -> memref<128x128xf32, #tpu.memory_space<hbm>>
          %dma_wait3A_27 = arith.constant 0 : i32
          %dma_wait3A_28 = tpu.memref_slice %arg3[%mul3A_22, %dma_wait3A_27] : memref<320000x128xf32, #tpu.memory_space<hbm>> -> memref<128x128xf32, #tpu.memory_space<hbm>>
          tpu.wait_dma2 semaphore(%run_scoped3A : memref<!tpu.dma_semaphore, #tpu.memory_space<semaphore_mem>>) src(%dma_wait3A_28 : memref<128x128xf32, #tpu.memory_space<hbm>>) dst(%arg7 : memref<128x128xf32, #tpu.memory_space<vmem>>)
          tpu.yield
        }) : () -> ()
        "tpu.region"() ({
          %run_scoped3A = tpu.sem_alloc : memref<!tpu.dma_semaphore, #tpu.memory_space<semaphore_mem>>
          %dma_start3A = arith.constant 0 : i32
          %dma_start3A_23 = arith.constant 0 : i32
          %dma_start3A_24 = tpu.memref_slice %arg8[%dma_start3A, %dma_start3A_23] : memref<10240x128xf32, #tpu.memory_space<vmem_shared>> -> memref<10240x128xf32, #tpu.memory_space<vmem_shared>>
          tpu.enqueue_indirect_dma source(%arg7 : memref<128x128xf32, #tpu.memory_space<vmem>>) target(%dma_start3A_24 : memref<10240x128xf32, #tpu.memory_space<vmem_shared>>) offsets(%arg6 : memref<128xi32, #tpu.memory_space<vmem>>) semaphore(%run_scoped3A : memref<!tpu.dma_semaphore, #tpu.memory_space<semaphore_mem>>) {add = true}
          %dma_wait3A = arith.constant 0 : i32
          %dma_wait3A_25 = arith.constant 0 : i32
          %dma_wait3A_26 = tpu.memref_slice %arg8[%dma_wait3A, %dma_wait3A_25] : memref<10240x128xf32, #tpu.memory_space<vmem_shared>> -> memref<10240x128xf32, #tpu.memory_space<vmem_shared>>
          tpu.wait_indirect_dma semaphore(%run_scoped3A : memref<!tpu.dma_semaphore, #tpu.memory_space<semaphore_mem>>) src(%arg7 : memref<128x128xf32, #tpu.memory_space<vmem>>) dst(%dma_wait3A_26 : memref<10240x128xf32, #tpu.memory_space<vmem_shared>>)
          tpu.yield
        }) : () -> ()
      } else {
      }
    }
    %scan3A_7 = arith.constant 79 : i32
    %barrier3A_8 = arith.constant 0 : index
    tpu.barrier barrier_id(%barrier3A_8)
    %mul3A_9 = arith.constant 640 : i32
    %mul3A_10 = arith.muli %arg1, %mul3A_9 : i32
    %mul3A_11 = arith.constant 640 : i32
    %mul3A_12 = arith.muli %arg1, %mul3A_11 : i32
    "tpu.region"() ({
      %run_scoped3A = tpu.sem_alloc : memref<!tpu.dma_semaphore, #tpu.memory_space<semaphore_mem>>
      %dma_start3A = arith.constant 0 : i32
      %dma_start3A_13 = tpu.memref_slice %arg5[%arg0, %mul3A_12, %dma_start3A] : memref<2x10240x128xf32, #tpu.memory_space<hbm>> -> memref<1x640x128xf32, #tpu.memory_space<hbm>>
      %dma_start3A_14 = tpu.memref_squeeze %dma_start3A_13 : memref<1x640x128xf32, #tpu.memory_space<hbm>> -> memref<640x128xf32, #tpu.memory_space<hbm>>
      %dma_start3A_15 = arith.constant 0 : i32
      %dma_start3A_16 = tpu.memref_slice %arg8[%mul3A_10, %dma_start3A_15] : memref<10240x128xf32, #tpu.memory_space<vmem_shared>> -> memref<640x128xf32, #tpu.memory_space<vmem_shared>>
      tpu.enqueue_dma source(%dma_start3A_16 : memref<640x128xf32, #tpu.memory_space<vmem_shared>>) target(%dma_start3A_14 : memref<640x128xf32, #tpu.memory_space<hbm>>) target_semaphore(%run_scoped3A : memref<!tpu.dma_semaphore, #tpu.memory_space<semaphore_mem>>)
      %dma_wait3A = arith.constant 0 : i32
      %dma_wait3A_17 = tpu.memref_slice %arg5[%arg0, %mul3A_12, %dma_wait3A] : memref<2x10240x128xf32, #tpu.memory_space<hbm>> -> memref<1x640x128xf32, #tpu.memory_space<hbm>>
      %dma_wait3A_18 = tpu.memref_squeeze %dma_wait3A_17 : memref<1x640x128xf32, #tpu.memory_space<hbm>> -> memref<640x128xf32, #tpu.memory_space<hbm>>
      %dma_wait3A_19 = arith.constant 0 : i32
      %dma_wait3A_20 = tpu.memref_slice %arg8[%mul3A_10, %dma_wait3A_19] : memref<10240x128xf32, #tpu.memory_space<vmem_shared>> -> memref<640x128xf32, #tpu.memory_space<vmem_shared>>
      tpu.wait_dma2 semaphore(%run_scoped3A : memref<!tpu.dma_semaphore, #tpu.memory_space<semaphore_mem>>) src(%dma_wait3A_20 : memref<640x128xf32, #tpu.memory_space<vmem_shared>>) dst(%dma_wait3A_18 : memref<640x128xf32, #tpu.memory_space<hbm>>)
      tpu.yield
    }) : () -> ()
    return
  }
}

module attributes {stable_mosaic.version = 14 : i64} {
  func.func @_tc_logits_body(%arg0: i32, %arg1: memref<512x256xf32, #tpu.memory_space<vmem>>, %arg2: memref<512x256xf32, #tpu.memory_space<vmem>>, %arg3: memref<512x16xf32, #tpu.memory_space<vmem>>, %arg4: memref<128x128xf32, #tpu.memory_space<vmem>>, %arg5: memref<1x128xf32, #tpu.memory_space<vmem>>, %arg6: memref<128x128xf32, #tpu.memory_space<vmem>>, %arg7: memref<1x128xf32, #tpu.memory_space<vmem>>, %arg8: memref<36x512xf32, #tpu.memory_space<vmem>>, %arg9: memref<1x512xf32, #tpu.memory_space<vmem>>, %arg10: memref<512x8xf32, #tpu.memory_space<vmem>>, %arg11: memref<1x8xf32, #tpu.memory_space<vmem>>, %arg12: memref<512x128xf32, #tpu.memory_space<vmem>>, %arg13: memref<512x16xf32, #tpu.memory_space<vmem>>, %arg14: memref<512x8xf32, #tpu.memory_space<vmem>>) attributes {dimension_semantics = [#tpu.dimension_semantics<arbitrary>], iteration_bounds = array<i64: 625>, scalar_prefetch = 0 : i64, scratch_operands = 0 : i64, tpu.core_type = #tpu.core_type<tc>, window_params = [{transform_indices = @transform_0, window_bounds = array<i64: 512, 256>}, {transform_indices = @transform_1, window_bounds = array<i64: 512, 256>}, {transform_indices = @transform_2, window_bounds = array<i64: 512, 16>}, {pipeline_mode = #tpu.pipeline_mode<synchronous>, transform_indices = @transform_3, window_bounds = array<i64: 128, 128>}, {pipeline_mode = #tpu.pipeline_mode<synchronous>, transform_indices = @transform_4, window_bounds = array<i64: 1, 128>}, {pipeline_mode = #tpu.pipeline_mode<synchronous>, transform_indices = @transform_5, window_bounds = array<i64: 128, 128>}, {pipeline_mode = #tpu.pipeline_mode<synchronous>, transform_indices = @transform_6, window_bounds = array<i64: 1, 128>}, {pipeline_mode = #tpu.pipeline_mode<synchronous>, transform_indices = @transform_7, window_bounds = array<i64: 36, 512>}, {pipeline_mode = #tpu.pipeline_mode<synchronous>, transform_indices = @transform_8, window_bounds = array<i64: 1, 512>}, {pipeline_mode = #tpu.pipeline_mode<synchronous>, transform_indices = @transform_9, window_bounds = array<i64: 512, 8>}, {pipeline_mode = #tpu.pipeline_mode<synchronous>, transform_indices = @transform_10, window_bounds = array<i64: 1, 8>}, {transform_indices = @transform_11, window_bounds = array<i64: 512, 128>}, {transform_indices = @transform_12, window_bounds = array<i64: 512, 16>}, {transform_indices = @transform_13, window_bounds = array<i64: 512, 8>}]} {
    %get3A = arith.constant 0 : index
    %get3A_0 = arith.constant 0 : index
    %get3A_1 = vector.load %arg1[%get3A, %get3A_0] : memref<512x256xf32, #tpu.memory_space<vmem>>, vector<512x256xf32>
    %get3A_2 = arith.constant 0 : index
    %get3A_3 = arith.constant 0 : index
    %get3A_4 = vector.load %arg2[%get3A_2, %get3A_3] : memref<512x256xf32, #tpu.memory_space<vmem>>, vector<512x256xf32>
    %slice3A = vector.extract_strided_slice %get3A_4 {offsets = [0, 0], sizes = [512, 128], strides = [1, 1]} : vector<512x256xf32> to vector<512x128xf32>
    %get3A_5 = arith.constant 0 : index
    %get3A_6 = arith.constant 0 : index
    %get3A_7 = vector.load %arg4[%get3A_5, %get3A_6] : memref<128x128xf32, #tpu.memory_space<vmem>>, vector<128x128xf32>
    %dot_general3A = arith.constant dense<0.000000e+00> : vector<512x128xf32>
    %dot_general3A_8 = tpu.matmul %slice3A, %get3A_7, %dot_general3A {dimension_numbers = #tpu.dot_dimension_numbers<[1], [0], [0], [1], [0, 0, 1, 1], [], []>, transpose_lhs_hint = false} : vector<512x128xf32>, vector<128x128xf32>, vector<512x128xf32> -> vector<512x128xf32>
    %get3A_9 = arith.constant 0 : index
    %get3A_10 = arith.constant 0 : index
    %get3A_11 = vector.load %arg5[%get3A_9, %get3A_10] : memref<1x128xf32, #tpu.memory_space<vmem>>, vector<1x128xf32>
    %add3A = vector.broadcast %get3A_11 : vector<1x128xf32> to vector<512x128xf32>
    %add3A_12 = arith.addf %dot_general3A_8, %add3A : vector<512x128xf32>
    %slice3A_13 = vector.extract_strided_slice %get3A_1 {offsets = [0, 0], sizes = [512, 128], strides = [1, 1]} : vector<512x256xf32> to vector<512x128xf32>
    %get3A_14 = arith.constant 0 : index
    %get3A_15 = arith.constant 0 : index
    %get3A_16 = vector.load %arg6[%get3A_14, %get3A_15] : memref<128x128xf32, #tpu.memory_space<vmem>>, vector<128x128xf32>
    %dot_general3A_17 = arith.constant dense<0.000000e+00> : vector<512x128xf32>
    %dot_general3A_18 = tpu.matmul %slice3A_13, %get3A_16, %dot_general3A_17 {dimension_numbers = #tpu.dot_dimension_numbers<[1], [0], [0], [1], [0, 0, 1, 1], [], []>, transpose_lhs_hint = false} : vector<512x128xf32>, vector<128x128xf32>, vector<512x128xf32> -> vector<512x128xf32>
    %get3A_19 = arith.constant 0 : index
    %get3A_20 = arith.constant 0 : index
    %get3A_21 = vector.load %arg7[%get3A_19, %get3A_20] : memref<1x128xf32, #tpu.memory_space<vmem>>, vector<1x128xf32>
    %add3A_22 = vector.broadcast %get3A_21 : vector<1x128xf32> to vector<512x128xf32>
    %add3A_23 = arith.addf %dot_general3A_18, %add3A_22 : vector<512x128xf32>
    %sub3A = arith.subf %get3A_1, %get3A_4 : vector<512x256xf32>
    %slice3A_24 = vector.extract_strided_slice %sub3A {offsets = [0, 128], sizes = [512, 8], strides = [1, 1]} : vector<512x256xf32> to vector<512x8xf32>
    %swap3A = arith.constant 0 : index
    %swap3A_25 = arith.constant 0 : index
    %swap3A_26 = vector.load %arg14[%swap3A, %swap3A_25] : memref<512x8xf32, #tpu.memory_space<vmem>>, vector<512x8xf32>
    tpu.vector_store %arg14[%swap3A, %swap3A_25], %slice3A_24 {strides = array<i32>} : memref<512x8xf32, #tpu.memory_space<vmem>>, vector<512x8xf32>,
    %mul3A = arith.mulf %slice3A_24, %slice3A_24 : vector<512x8xf32>
    %broadcast_in_dim3A = arith.constant 1.000000e+00 : f32
    %broadcast_in_dim3A_27 = vector.broadcast %broadcast_in_dim3A : f32 to vector<8x16xf32>
    %dot_general3A_28 = arith.constant dense<0.000000e+00> : vector<512x16xf32>
    %dot_general3A_29 = tpu.matmul %mul3A, %broadcast_in_dim3A_27, %dot_general3A_28 {dimension_numbers = #tpu.dot_dimension_numbers<[1], [0], [0], [1], [0, 0, 1, 1], [], []>, transpose_lhs_hint = false} : vector<512x8xf32>, vector<8x16xf32>, vector<512x16xf32> -> vector<512x16xf32>
    %add3A_30 = arith.constant 9.99999993E-9 : f32
    %add3A_31 = vector.broadcast %add3A_30 : f32 to vector<512x16xf32>
    %add3A_32 = arith.addf %dot_general3A_29, %add3A_31 : vector<512x16xf32>
    %sqrt3A = math.sqrt %add3A_32 : vector<512x16xf32>
    %div3A = arith.constant 7.000000e+00 : f32
    %div3A_33 = vector.broadcast %div3A : f32 to vector<512x16xf32>
    %div3A_34 = arith.divf %sqrt3A, %div3A_33 : vector<512x16xf32>
    %mul3A_35 = arith.mulf %div3A_34, %div3A_34 : vector<512x16xf32>
    %mul3A_36 = arith.mulf %mul3A_35, %mul3A_35 : vector<512x16xf32>
    %div3A_37 = arith.constant 1.000000e+00 : f32
    %div3A_38 = vector.broadcast %div3A_37 : f32 to vector<512x16xf32>
    %div3A_39 = arith.divf %div3A_38, %div3A_34 : vector<512x16xf32>
    %mul3A_40 = arith.constant -2.100000e+01 : f32
    %mul3A_41 = vector.broadcast %mul3A_40 : f32 to vector<512x16xf32>
    %mul3A_42 = arith.mulf %mul3A_41, %mul3A_36 : vector<512x16xf32>
    %add3A_43 = arith.addf %div3A_39, %mul3A_42 : vector<512x16xf32>
    %mul3A_44 = arith.constant 3.500000e+01 : f32
    %mul3A_45 = vector.broadcast %mul3A_44 : f32 to vector<512x16xf32>
    %mul3A_46 = arith.mulf %mul3A_45, %mul3A_36 : vector<512x16xf32>
    %mul3A_47 = arith.mulf %mul3A_46, %div3A_34 : vector<512x16xf32>
    %add3A_48 = arith.addf %add3A_43, %mul3A_47 : vector<512x16xf32>
    %mul3A_49 = arith.constant -1.500000e+01 : f32
    %mul3A_50 = vector.broadcast %mul3A_49 : f32 to vector<512x16xf32>
    %mul3A_51 = arith.mulf %mul3A_50, %mul3A_36 : vector<512x16xf32>
    %mul3A_52 = arith.mulf %mul3A_51, %mul3A_35 : vector<512x16xf32>
    %add3A_53 = arith.addf %add3A_48, %mul3A_52 : vector<512x16xf32>
    %lt3A = arith.constant 1.000000e+00 : f32
    %lt3A_54 = vector.broadcast %lt3A : f32 to vector<512x16xf32>
    %lt3A_55 = arith.cmpf olt, %div3A_34, %lt3A_54 : vector<512x16xf32>
    %jit3A = arith.constant 0.000000e+00 : f32
    %broadcast_in_dim3A_56 = vector.broadcast %jit3A : f32 to vector<512x16xf32>
    %select_n3A = arith.select %lt3A_55, %add3A_53, %broadcast_in_dim3A_56 : vector<512x16xi1>, vector<512x16xf32>
    %iota3A = tpu.iota {dimensions = array<i32: 1>} : vector<1x16xi32>
    %convert_element_type3A = arith.sitofp %iota3A : vector<1x16xi32> to vector<1x16xf32>
    %add3A_57 = arith.constant 1.000000e+00 : f32
    %add3A_58 = vector.broadcast %add3A_57 : f32 to vector<1x16xf32>
    %add3A_59 = arith.addf %convert_element_type3A, %add3A_58 : vector<1x16xf32>
    %mul3A_60 = arith.constant 5.000000e-01 : f32
    %mul3A_61 = vector.broadcast %mul3A_60 : f32 to vector<1x16xf32>
    %mul3A_62 = arith.mulf %mul3A_61, %add3A_59 : vector<1x16xf32>
    %mul3A_63 = vector.broadcast %mul3A_62 : vector<1x16xf32> to vector<512x16xf32>
    %mul3A_64 = arith.mulf %mul3A_63, %div3A_34 : vector<512x16xf32>
    %add3A_65 = arith.constant 5.000000e-01 : f32
    %add3A_66 = vector.broadcast %add3A_65 : f32 to vector<512x16xf32>
    %add3A_67 = arith.addf %mul3A_64, %add3A_66 : vector<512x16xf32>
    %floor3A = math.floor %add3A_67 : vector<512x16xf32>
    %sub3A_68 = arith.subf %mul3A_64, %floor3A : vector<512x16xf32>
    %mul3A_69 = arith.mulf %sub3A_68, %sub3A_68 : vector<512x16xf32>
    %mul3A_70 = arith.constant 3.1993351 : f32
    %mul3A_71 = vector.broadcast %mul3A_70 : f32 to vector<512x16xf32>
    %mul3A_72 = arith.mulf %mul3A_71, %mul3A_69 : vector<512x16xf32>
    %add3A_73 = arith.constant -14.8683195 : f32
    %add3A_74 = vector.broadcast %add3A_73 : f32 to vector<512x16xf32>
    %add3A_75 = arith.addf %mul3A_72, %add3A_74 : vector<512x16xf32>
    %mul3A_76 = arith.mulf %add3A_75, %mul3A_69 : vector<512x16xf32>
    %add3A_77 = arith.constant 42.0160751 : f32
    %add3A_78 = vector.broadcast %add3A_77 : f32 to vector<512x16xf32>
    %add3A_79 = arith.addf %mul3A_76, %add3A_78 : vector<512x16xf32>
    %mul3A_80 = arith.mulf %add3A_79, %mul3A_69 : vector<512x16xf32>
    %add3A_81 = arith.constant -76.701538 : f32
    %add3A_82 = vector.broadcast %add3A_81 : f32 to vector<512x16xf32>
    %add3A_83 = arith.addf %mul3A_80, %add3A_82 : vector<512x16xf32>
    %mul3A_84 = arith.mulf %add3A_83, %mul3A_69 : vector<512x16xf32>
    %add3A_85 = arith.constant 81.6050262 : f32
    %add3A_86 = vector.broadcast %add3A_85 : f32 to vector<512x16xf32>
    %add3A_87 = arith.addf %mul3A_84, %add3A_86 : vector<512x16xf32>
    %mul3A_88 = arith.mulf %add3A_87, %mul3A_69 : vector<512x16xf32>
    %add3A_89 = arith.constant -41.3416977 : f32
    %add3A_90 = vector.broadcast %add3A_89 : f32 to vector<512x16xf32>
    %add3A_91 = arith.addf %mul3A_88, %add3A_90 : vector<512x16xf32>
    %mul3A_92 = arith.mulf %add3A_91, %mul3A_69 : vector<512x16xf32>
    %add3A_93 = arith.constant 6.28318548 : f32
    %add3A_94 = vector.broadcast %add3A_93 : f32 to vector<512x16xf32>
    %add3A_95 = arith.addf %mul3A_92, %add3A_94 : vector<512x16xf32>
    %mul3A_96 = arith.mulf %add3A_95, %sub3A_68 : vector<512x16xf32>
    %sqrt3A_97 = arith.constant 0.285714298 : f32
    %sqrt3A_98 = math.sqrt %sqrt3A_97 : f32
    %mul3A_99 = vector.broadcast %sqrt3A_98 : f32 to vector<512x16xf32>
    %mul3A_100 = arith.mulf %select_n3A, %mul3A_99 : vector<512x16xf32>
    %mul3A_101 = arith.mulf %mul3A_100, %mul3A_96 : vector<512x16xf32>
    %swap3A_102 = arith.constant 0 : index
    %swap3A_103 = arith.constant 0 : index
    %swap3A_104 = vector.load %arg13[%swap3A_102, %swap3A_103] : memref<512x16xf32, #tpu.memory_space<vmem>>, vector<512x16xf32>
    tpu.vector_store %arg13[%swap3A_102, %swap3A_103], %mul3A_101 {strides = array<i32>} : memref<512x16xf32, #tpu.memory_space<vmem>>, vector<512x16xf32>,
    %get3A_105 = arith.constant 0 : index
    %get3A_106 = arith.constant 0 : index
    %get3A_107 = vector.load %arg3[%get3A_105, %get3A_106] : memref<512x16xf32, #tpu.memory_space<vmem>>, vector<512x16xf32>
    %get3A_108 = arith.constant 0 : index
    %get3A_109 = arith.constant 0 : index
    %get3A_110 = vector.load %arg8[%get3A_108, %get3A_109] : memref<36x512xf32, #tpu.memory_space<vmem>>, vector<36x512xf32>
    %get3A_111 = arith.constant 0 : index
    %get3A_112 = arith.constant 0 : index
    %get3A_113 = vector.load %arg9[%get3A_111, %get3A_112] : memref<1x512xf32, #tpu.memory_space<vmem>>, vector<1x512xf32>
    %get3A_114 = arith.constant 0 : index
    %get3A_115 = arith.constant 0 : index
    %get3A_116 = vector.load %arg10[%get3A_114, %get3A_115] : memref<512x8xf32, #tpu.memory_space<vmem>>, vector<512x8xf32>
    %get3A_117 = arith.constant 0 : index
    %get3A_118 = arith.constant 0 : index
    %get3A_119 = vector.load %arg11[%get3A_117, %get3A_118] : memref<1x8xf32, #tpu.memory_space<vmem>>, vector<1x8xf32>
    %slice3A_120 = vector.extract_strided_slice %add3A_12 {offsets = [0, 0], sizes = [512, 16], strides = [1, 1]} : vector<512x128xf32> to vector<512x16xf32>
    %slice3A_121 = vector.extract_strided_slice %add3A_23 {offsets = [0, 0], sizes = [512, 16], strides = [1, 1]} : vector<512x128xf32> to vector<512x16xf32>
    %slice3A_122 = vector.extract_strided_slice %mul3A_101 {offsets = [0, 0], sizes = [512, 2], strides = [1, 1]} : vector<512x16xf32> to vector<512x2xf32>
    %slice3A_123 = vector.extract_strided_slice %get3A_107 {offsets = [0, 0], sizes = [512, 2], strides = [1, 1]} : vector<512x16xf32> to vector<512x2xf32>
    %concatenate3A = tpu.concatenate %slice3A_120, %slice3A_121, %slice3A_122, %slice3A_123 in 1 : vector<512x16xf32>, vector<512x16xf32>, vector<512x2xf32>, vector<512x2xf32> -> vector<512x36xf32>
    %dot_general3A_124 = arith.constant dense<0.000000e+00> : vector<512x512xf32>
    %dot_general3A_125 = tpu.matmul %concatenate3A, %get3A_110, %dot_general3A_124 {dimension_numbers = #tpu.dot_dimension_numbers<[1], [0], [0], [1], [0, 0, 1, 1], [], []>, transpose_lhs_hint = false} : vector<512x36xf32>, vector<36x512xf32>, vector<512x512xf32> -> vector<512x512xf32>
    %add3A_126 = vector.broadcast %get3A_113 : vector<1x512xf32> to vector<512x512xf32>
    %add3A_127 = arith.addf %dot_general3A_125, %add3A_126 : vector<512x512xf32>
    %logistic3A = arith.negf %add3A_127 : vector<512x512xf32>
    %logistic3A_128 = math.exp %logistic3A : vector<512x512xf32>
    %logistic3A_129 = arith.constant 1.000000e+00 : f32
    %logistic3A_130 = vector.broadcast %logistic3A_129 : f32 to vector<512x512xf32>
    %logistic3A_131 = arith.addf %logistic3A_130, %logistic3A_128 : vector<512x512xf32>
    %logistic3A_132 = arith.divf %logistic3A_130, %logistic3A_131 : vector<512x512xf32>
    %mul3A_133 = arith.mulf %add3A_127, %logistic3A_132 : vector<512x512xf32>
    %dot_general3A_134 = arith.constant dense<0.000000e+00> : vector<512x8xf32>
    %dot_general3A_135 = tpu.matmul %mul3A_133, %get3A_116, %dot_general3A_134 {dimension_numbers = #tpu.dot_dimension_numbers<[1], [0], [0], [1], [0, 0, 1, 1], [], []>, transpose_lhs_hint = false} : vector<512x512xf32>, vector<512x8xf32>, vector<512x8xf32> -> vector<512x8xf32>
    %add3A_136 = vector.broadcast %get3A_119 : vector<1x8xf32> to vector<512x8xf32>
    %add3A_137 = arith.addf %dot_general3A_135, %add3A_136 : vector<512x8xf32>
    %exp3A = math.exp %add3A_137 : vector<512x8xf32>
    %slice3A_138 = vector.extract_strided_slice %add3A_12 {offsets = [0, 16], sizes = [512, 16], strides = [1, 1]} : vector<512x128xf32> to vector<512x16xf32>
    %slice3A_139 = vector.extract_strided_slice %add3A_23 {offsets = [0, 16], sizes = [512, 16], strides = [1, 1]} : vector<512x128xf32> to vector<512x16xf32>
    %slice3A_140 = vector.extract_strided_slice %mul3A_101 {offsets = [0, 2], sizes = [512, 2], strides = [1, 1]} : vector<512x16xf32> to vector<512x2xf32>
    %slice3A_141 = vector.extract_strided_slice %get3A_107 {offsets = [0, 2], sizes = [512, 2], strides = [1, 1]} : vector<512x16xf32> to vector<512x2xf32>
    %concatenate3A_142 = tpu.concatenate %slice3A_138, %slice3A_139, %slice3A_140, %slice3A_141 in 1 : vector<512x16xf32>, vector<512x16xf32>, vector<512x2xf32>, vector<512x2xf32> -> vector<512x36xf32>
    %dot_general3A_143 = arith.constant dense<0.000000e+00> : vector<512x512xf32>
    %dot_general3A_144 = tpu.matmul %concatenate3A_142, %get3A_110, %dot_general3A_143 {dimension_numbers = #tpu.dot_dimension_numbers<[1], [0], [0], [1], [0, 0, 1, 1], [], []>, transpose_lhs_hint = false} : vector<512x36xf32>, vector<36x512xf32>, vector<512x512xf32> -> vector<512x512xf32>
    %add3A_145 = vector.broadcast %get3A_113 : vector<1x512xf32> to vector<512x512xf32>
    %add3A_146 = arith.addf %dot_general3A_144, %add3A_145 : vector<512x512xf32>
    %logistic3A_147 = arith.negf %add3A_146 : vector<512x512xf32>
    %logistic3A_148 = math.exp %logistic3A_147 : vector<512x512xf32>
    %logistic3A_149 = arith.constant 1.000000e+00 : f32
    %logistic3A_150 = vector.broadcast %logistic3A_149 : f32 to vector<512x512xf32>
    %logistic3A_151 = arith.addf %logistic3A_150, %logistic3A_148 : vector<512x512xf32>
    %logistic3A_152 = arith.divf %logistic3A_150, %logistic3A_151 : vector<512x512xf32>
    %mul3A_153 = arith.mulf %add3A_146, %logistic3A_152 : vector<512x512xf32>
    %dot_general3A_154 = arith.constant dense<0.000000e+00> : vector<512x8xf32>
    %dot_general3A_155 = tpu.matmul %mul3A_153, %get3A_116, %dot_general3A_154 {dimension_numbers = #tpu.dot_dimension_numbers<[1], [0], [0], [1], [0, 0, 1, 1], [], []>, transpose_lhs_hint = false} : vector<512x512xf32>, vector<512x8xf32>, vector<512x8xf32> -> vector<512x8xf32>
    %add3A_156 = vector.broadcast %get3A_119 : vector<1x8xf32> to vector<512x8xf32>
    %add3A_157 = arith.addf %dot_general3A_155, %add3A_156 : vector<512x8xf32>
    %exp3A_158 = math.exp %add3A_157 : vector<512x8xf32>
    %slice3A_159 = vector.extract_strided_slice %add3A_12 {offsets = [0, 32], sizes = [512, 16], strides = [1, 1]} : vector<512x128xf32> to vector<512x16xf32>
    %slice3A_160 = vector.extract_strided_slice %add3A_23 {offsets = [0, 32], sizes = [512, 16], strides = [1, 1]} : vector<512x128xf32> to vector<512x16xf32>
    %slice3A_161 = vector.extract_strided_slice %mul3A_101 {offsets = [0, 4], sizes = [512, 2], strides = [1, 1]} : vector<512x16xf32> to vector<512x2xf32>
    %slice3A_162 = vector.extract_strided_slice %get3A_107 {offsets = [0, 4], sizes = [512, 2], strides = [1, 1]} : vector<512x16xf32> to vector<512x2xf32>
    %concatenate3A_163 = tpu.concatenate %slice3A_159, %slice3A_160, %slice3A_161, %slice3A_162 in 1 : vector<512x16xf32>, vector<512x16xf32>, vector<512x2xf32>, vector<512x2xf32> -> vector<512x36xf32>
    %dot_general3A_164 = arith.constant dense<0.000000e+00> : vector<512x512xf32>
    %dot_general3A_165 = tpu.matmul %concatenate3A_163, %get3A_110, %dot_general3A_164 {dimension_numbers = #tpu.dot_dimension_numbers<[1], [0], [0], [1], [0, 0, 1, 1], [], []>, transpose_lhs_hint = false} : vector<512x36xf32>, vector<36x512xf32>, vector<512x512xf32> -> vector<512x512xf32>
    %add3A_166 = vector.broadcast %get3A_113 : vector<1x512xf32> to vector<512x512xf32>
    %add3A_167 = arith.addf %dot_general3A_165, %add3A_166 : vector<512x512xf32>
    %logistic3A_168 = arith.negf %add3A_167 : vector<512x512xf32>
    %logistic3A_169 = math.exp %logistic3A_168 : vector<512x512xf32>
    %logistic3A_170 = arith.constant 1.000000e+00 : f32
    %logistic3A_171 = vector.broadcast %logistic3A_170 : f32 to vector<512x512xf32>
    %logistic3A_172 = arith.addf %logistic3A_171, %logistic3A_169 : vector<512x512xf32>
    %logistic3A_173 = arith.divf %logistic3A_171, %logistic3A_172 : vector<512x512xf32>
    %mul3A_174 = arith.mulf %add3A_167, %logistic3A_173 : vector<512x512xf32>
    %dot_general3A_175 = arith.constant dense<0.000000e+00> : vector<512x8xf32>
    %dot_general3A_176 = tpu.matmul %mul3A_174, %get3A_116, %dot_general3A_175 {dimension_numbers = #tpu.dot_dimension_numbers<[1], [0], [0], [1], [0, 0, 1, 1], [], []>, transpose_lhs_hint = false} : vector<512x512xf32>, vector<512x8xf32>, vector<512x8xf32> -> vector<512x8xf32>
    %add3A_177 = vector.broadcast %get3A_119 : vector<1x8xf32> to vector<512x8xf32>
    %add3A_178 = arith.addf %dot_general3A_176, %add3A_177 : vector<512x8xf32>
    %exp3A_179 = math.exp %add3A_178 : vector<512x8xf32>
    %slice3A_180 = vector.extract_strided_slice %add3A_12 {offsets = [0, 48], sizes = [512, 16], strides = [1, 1]} : vector<512x128xf32> to vector<512x16xf32>
    %slice3A_181 = vector.extract_strided_slice %add3A_23 {offsets = [0, 48], sizes = [512, 16], strides = [1, 1]} : vector<512x128xf32> to vector<512x16xf32>
    %slice3A_182 = vector.extract_strided_slice %mul3A_101 {offsets = [0, 6], sizes = [512, 2], strides = [1, 1]} : vector<512x16xf32> to vector<512x2xf32>
    %slice3A_183 = vector.extract_strided_slice %get3A_107 {offsets = [0, 6], sizes = [512, 2], strides = [1, 1]} : vector<512x16xf32> to vector<512x2xf32>
    %concatenate3A_184 = tpu.concatenate %slice3A_180, %slice3A_181, %slice3A_182, %slice3A_183 in 1 : vector<512x16xf32>, vector<512x16xf32>, vector<512x2xf32>, vector<512x2xf32> -> vector<512x36xf32>
    %dot_general3A_185 = arith.constant dense<0.000000e+00> : vector<512x512xf32>
    %dot_general3A_186 = tpu.matmul %concatenate3A_184, %get3A_110, %dot_general3A_185 {dimension_numbers = #tpu.dot_dimension_numbers<[1], [0], [0], [1], [0, 0, 1, 1], [], []>, transpose_lhs_hint = false} : vector<512x36xf32>, vector<36x512xf32>, vector<512x512xf32> -> vector<512x512xf32>
    %add3A_187 = vector.broadcast %get3A_113 : vector<1x512xf32> to vector<512x512xf32>
    %add3A_188 = arith.addf %dot_general3A_186, %add3A_187 : vector<512x512xf32>
    %logistic3A_189 = arith.negf %add3A_188 : vector<512x512xf32>
    %logistic3A_190 = math.exp %logistic3A_189 : vector<512x512xf32>
    %logistic3A_191 = arith.constant 1.000000e+00 : f32
    %logistic3A_192 = vector.broadcast %logistic3A_191 : f32 to vector<512x512xf32>
    %logistic3A_193 = arith.addf %logistic3A_192, %logistic3A_190 : vector<512x512xf32>
    %logistic3A_194 = arith.divf %logistic3A_192, %logistic3A_193 : vector<512x512xf32>
    %mul3A_195 = arith.mulf %add3A_188, %logistic3A_194 : vector<512x512xf32>
    %dot_general3A_196 = arith.constant dense<0.000000e+00> : vector<512x8xf32>
    %dot_general3A_197 = tpu.matmul %mul3A_195, %get3A_116, %dot_general3A_196 {dimension_numbers = #tpu.dot_dimension_numbers<[1], [0], [0], [1], [0, 0, 1, 1], [], []>, transpose_lhs_hint = false} : vector<512x512xf32>, vector<512x8xf32>, vector<512x8xf32> -> vector<512x8xf32>
    %add3A_198 = vector.broadcast %get3A_119 : vector<1x8xf32> to vector<512x8xf32>
    %add3A_199 = arith.addf %dot_general3A_197, %add3A_198 : vector<512x8xf32>
    %exp3A_200 = math.exp %add3A_199 : vector<512x8xf32>
    %slice3A_201 = vector.extract_strided_slice %add3A_12 {offsets = [0, 64], sizes = [512, 16], strides = [1, 1]} : vector<512x128xf32> to vector<512x16xf32>
    %slice3A_202 = vector.extract_strided_slice %add3A_23 {offsets = [0, 64], sizes = [512, 16], strides = [1, 1]} : vector<512x128xf32> to vector<512x16xf32>
    %slice3A_203 = vector.extract_strided_slice %mul3A_101 {offsets = [0, 8], sizes = [512, 2], strides = [1, 1]} : vector<512x16xf32> to vector<512x2xf32>
    %slice3A_204 = vector.extract_strided_slice %get3A_107 {offsets = [0, 8], sizes = [512, 2], strides = [1, 1]} : vector<512x16xf32> to vector<512x2xf32>
    %concatenate3A_205 = tpu.concatenate %slice3A_201, %slice3A_202, %slice3A_203, %slice3A_204 in 1 : vector<512x16xf32>, vector<512x16xf32>, vector<512x2xf32>, vector<512x2xf32> -> vector<512x36xf32>
    %dot_general3A_206 = arith.constant dense<0.000000e+00> : vector<512x512xf32>
    %dot_general3A_207 = tpu.matmul %concatenate3A_205, %get3A_110, %dot_general3A_206 {dimension_numbers = #tpu.dot_dimension_numbers<[1], [0], [0], [1], [0, 0, 1, 1], [], []>, transpose_lhs_hint = false} : vector<512x36xf32>, vector<36x512xf32>, vector<512x512xf32> -> vector<512x512xf32>
    %add3A_208 = vector.broadcast %get3A_113 : vector<1x512xf32> to vector<512x512xf32>
    %add3A_209 = arith.addf %dot_general3A_207, %add3A_208 : vector<512x512xf32>
    %logistic3A_210 = arith.negf %add3A_209 : vector<512x512xf32>
    %logistic3A_211 = math.exp %logistic3A_210 : vector<512x512xf32>
    %logistic3A_212 = arith.constant 1.000000e+00 : f32
    %logistic3A_213 = vector.broadcast %logistic3A_212 : f32 to vector<512x512xf32>
    %logistic3A_214 = arith.addf %logistic3A_213, %logistic3A_211 : vector<512x512xf32>
    %logistic3A_215 = arith.divf %logistic3A_213, %logistic3A_214 : vector<512x512xf32>
    %mul3A_216 = arith.mulf %add3A_209, %logistic3A_215 : vector<512x512xf32>
    %dot_general3A_217 = arith.constant dense<0.000000e+00> : vector<512x8xf32>
    %dot_general3A_218 = tpu.matmul %mul3A_216, %get3A_116, %dot_general3A_217 {dimension_numbers = #tpu.dot_dimension_numbers<[1], [0], [0], [1], [0, 0, 1, 1], [], []>, transpose_lhs_hint = false} : vector<512x512xf32>, vector<512x8xf32>, vector<512x8xf32> -> vector<512x8xf32>
    %add3A_219 = vector.broadcast %get3A_119 : vector<1x8xf32> to vector<512x8xf32>
    %add3A_220 = arith.addf %dot_general3A_218, %add3A_219 : vector<512x8xf32>
    %exp3A_221 = math.exp %add3A_220 : vector<512x8xf32>
    %slice3A_222 = vector.extract_strided_slice %add3A_12 {offsets = [0, 80], sizes = [512, 16], strides = [1, 1]} : vector<512x128xf32> to vector<512x16xf32>
    %slice3A_223 = vector.extract_strided_slice %add3A_23 {offsets = [0, 80], sizes = [512, 16], strides = [1, 1]} : vector<512x128xf32> to vector<512x16xf32>
    %slice3A_224 = vector.extract_strided_slice %mul3A_101 {offsets = [0, 10], sizes = [512, 2], strides = [1, 1]} : vector<512x16xf32> to vector<512x2xf32>
    %slice3A_225 = vector.extract_strided_slice %get3A_107 {offsets = [0, 10], sizes = [512, 2], strides = [1, 1]} : vector<512x16xf32> to vector<512x2xf32>
    %concatenate3A_226 = tpu.concatenate %slice3A_222, %slice3A_223, %slice3A_224, %slice3A_225 in 1 : vector<512x16xf32>, vector<512x16xf32>, vector<512x2xf32>, vector<512x2xf32> -> vector<512x36xf32>
    %dot_general3A_227 = arith.constant dense<0.000000e+00> : vector<512x512xf32>
    %dot_general3A_228 = tpu.matmul %concatenate3A_226, %get3A_110, %dot_general3A_227 {dimension_numbers = #tpu.dot_dimension_numbers<[1], [0], [0], [1], [0, 0, 1, 1], [], []>, transpose_lhs_hint = false} : vector<512x36xf32>, vector<36x512xf32>, vector<512x512xf32> -> vector<512x512xf32>
    %add3A_229 = vector.broadcast %get3A_113 : vector<1x512xf32> to vector<512x512xf32>
    %add3A_230 = arith.addf %dot_general3A_228, %add3A_229 : vector<512x512xf32>
    %logistic3A_231 = arith.negf %add3A_230 : vector<512x512xf32>
    %logistic3A_232 = math.exp %logistic3A_231 : vector<512x512xf32>
    %logistic3A_233 = arith.constant 1.000000e+00 : f32
    %logistic3A_234 = vector.broadcast %logistic3A_233 : f32 to vector<512x512xf32>
    %logistic3A_235 = arith.addf %logistic3A_234, %logistic3A_232 : vector<512x512xf32>
    %logistic3A_236 = arith.divf %logistic3A_234, %logistic3A_235 : vector<512x512xf32>
    %mul3A_237 = arith.mulf %add3A_230, %logistic3A_236 : vector<512x512xf32>
    %dot_general3A_238 = arith.constant dense<0.000000e+00> : vector<512x8xf32>
    %dot_general3A_239 = tpu.matmul %mul3A_237, %get3A_116, %dot_general3A_238 {dimension_numbers = #tpu.dot_dimension_numbers<[1], [0], [0], [1], [0, 0, 1, 1], [], []>, transpose_lhs_hint = false} : vector<512x512xf32>, vector<512x8xf32>, vector<512x8xf32> -> vector<512x8xf32>
    %add3A_240 = vector.broadcast %get3A_119 : vector<1x8xf32> to vector<512x8xf32>
    %add3A_241 = arith.addf %dot_general3A_239, %add3A_240 : vector<512x8xf32>
    %exp3A_242 = math.exp %add3A_241 : vector<512x8xf32>
    %slice3A_243 = vector.extract_strided_slice %add3A_12 {offsets = [0, 96], sizes = [512, 16], strides = [1, 1]} : vector<512x128xf32> to vector<512x16xf32>
    %slice3A_244 = vector.extract_strided_slice %add3A_23 {offsets = [0, 96], sizes = [512, 16], strides = [1, 1]} : vector<512x128xf32> to vector<512x16xf32>
    %slice3A_245 = vector.extract_strided_slice %mul3A_101 {offsets = [0, 12], sizes = [512, 2], strides = [1, 1]} : vector<512x16xf32> to vector<512x2xf32>
    %slice3A_246 = vector.extract_strided_slice %get3A_107 {offsets = [0, 12], sizes = [512, 2], strides = [1, 1]} : vector<512x16xf32> to vector<512x2xf32>
    %concatenate3A_247 = tpu.concatenate %slice3A_243, %slice3A_244, %slice3A_245, %slice3A_246 in 1 : vector<512x16xf32>, vector<512x16xf32>, vector<512x2xf32>, vector<512x2xf32> -> vector<512x36xf32>
    %dot_general3A_248 = arith.constant dense<0.000000e+00> : vector<512x512xf32>
    %dot_general3A_249 = tpu.matmul %concatenate3A_247, %get3A_110, %dot_general3A_248 {dimension_numbers = #tpu.dot_dimension_numbers<[1], [0], [0], [1], [0, 0, 1, 1], [], []>, transpose_lhs_hint = false} : vector<512x36xf32>, vector<36x512xf32>, vector<512x512xf32> -> vector<512x512xf32>
    %add3A_250 = vector.broadcast %get3A_113 : vector<1x512xf32> to vector<512x512xf32>
    %add3A_251 = arith.addf %dot_general3A_249, %add3A_250 : vector<512x512xf32>
    %logistic3A_252 = arith.negf %add3A_251 : vector<512x512xf32>
    %logistic3A_253 = math.exp %logistic3A_252 : vector<512x512xf32>
    %logistic3A_254 = arith.constant 1.000000e+00 : f32
    %logistic3A_255 = vector.broadcast %logistic3A_254 : f32 to vector<512x512xf32>
    %logistic3A_256 = arith.addf %logistic3A_255, %logistic3A_253 : vector<512x512xf32>
    %logistic3A_257 = arith.divf %logistic3A_255, %logistic3A_256 : vector<512x512xf32>
    %mul3A_258 = arith.mulf %add3A_251, %logistic3A_257 : vector<512x512xf32>
    %dot_general3A_259 = arith.constant dense<0.000000e+00> : vector<512x8xf32>
    %dot_general3A_260 = tpu.matmul %mul3A_258, %get3A_116, %dot_general3A_259 {dimension_numbers = #tpu.dot_dimension_numbers<[1], [0], [0], [1], [0, 0, 1, 1], [], []>, transpose_lhs_hint = false} : vector<512x512xf32>, vector<512x8xf32>, vector<512x8xf32> -> vector<512x8xf32>
    %add3A_261 = vector.broadcast %get3A_119 : vector<1x8xf32> to vector<512x8xf32>
    %add3A_262 = arith.addf %dot_general3A_260, %add3A_261 : vector<512x8xf32>
    %exp3A_263 = math.exp %add3A_262 : vector<512x8xf32>
    %slice3A_264 = vector.extract_strided_slice %add3A_12 {offsets = [0, 112], sizes = [512, 16], strides = [1, 1]} : vector<512x128xf32> to vector<512x16xf32>
    %slice3A_265 = vector.extract_strided_slice %add3A_23 {offsets = [0, 112], sizes = [512, 16], strides = [1, 1]} : vector<512x128xf32> to vector<512x16xf32>
    %slice3A_266 = vector.extract_strided_slice %mul3A_101 {offsets = [0, 14], sizes = [512, 2], strides = [1, 1]} : vector<512x16xf32> to vector<512x2xf32>
    %slice3A_267 = vector.extract_strided_slice %get3A_107 {offsets = [0, 14], sizes = [512, 2], strides = [1, 1]} : vector<512x16xf32> to vector<512x2xf32>
    %concatenate3A_268 = tpu.concatenate %slice3A_264, %slice3A_265, %slice3A_266, %slice3A_267 in 1 : vector<512x16xf32>, vector<512x16xf32>, vector<512x2xf32>, vector<512x2xf32> -> vector<512x36xf32>
    %dot_general3A_269 = arith.constant dense<0.000000e+00> : vector<512x512xf32>
    %dot_general3A_270 = tpu.matmul %concatenate3A_268, %get3A_110, %dot_general3A_269 {dimension_numbers = #tpu.dot_dimension_numbers<[1], [0], [0], [1], [0, 0, 1, 1], [], []>, transpose_lhs_hint = false} : vector<512x36xf32>, vector<36x512xf32>, vector<512x512xf32> -> vector<512x512xf32>
    %add3A_271 = vector.broadcast %get3A_113 : vector<1x512xf32> to vector<512x512xf32>
    %add3A_272 = arith.addf %dot_general3A_270, %add3A_271 : vector<512x512xf32>
    %logistic3A_273 = arith.negf %add3A_272 : vector<512x512xf32>
    %logistic3A_274 = math.exp %logistic3A_273 : vector<512x512xf32>
    %logistic3A_275 = arith.constant 1.000000e+00 : f32
    %logistic3A_276 = vector.broadcast %logistic3A_275 : f32 to vector<512x512xf32>
    %logistic3A_277 = arith.addf %logistic3A_276, %logistic3A_274 : vector<512x512xf32>
    %logistic3A_278 = arith.divf %logistic3A_276, %logistic3A_277 : vector<512x512xf32>
    %mul3A_279 = arith.mulf %add3A_272, %logistic3A_278 : vector<512x512xf32>
    %dot_general3A_280 = arith.constant dense<0.000000e+00> : vector<512x8xf32>
    %dot_general3A_281 = tpu.matmul %mul3A_279, %get3A_116, %dot_general3A_280 {dimension_numbers = #tpu.dot_dimension_numbers<[1], [0], [0], [1], [0, 0, 1, 1], [], []>, transpose_lhs_hint = false} : vector<512x512xf32>, vector<512x8xf32>, vector<512x8xf32> -> vector<512x8xf32>
    %add3A_282 = vector.broadcast %get3A_119 : vector<1x8xf32> to vector<512x8xf32>
    %add3A_283 = arith.addf %dot_general3A_281, %add3A_282 : vector<512x8xf32>
    %exp3A_284 = math.exp %add3A_283 : vector<512x8xf32>
    %broadcast_in_dim3A_285 = arith.constant 0.000000e+00 : f32
    %broadcast_in_dim3A_286 = vector.broadcast %broadcast_in_dim3A_285 : f32 to vector<512x64xf32>
    %concatenate3A_287 = tpu.concatenate %exp3A, %exp3A_158, %exp3A_179, %exp3A_200, %exp3A_221, %exp3A_242, %exp3A_263, %exp3A_284, %broadcast_in_dim3A_286 in 1 : vector<512x8xf32>, vector<512x8xf32>, vector<512x8xf32>, vector<512x8xf32>, vector<512x8xf32>, vector<512x8xf32>, vector<512x8xf32>, vector<512x8xf32>, vector<512x64xf32> -> vector<512x128xf32>
    %swap3A_288 = arith.constant 0 : index
    %swap3A_289 = arith.constant 0 : index
    %swap3A_290 = vector.load %arg12[%swap3A_288, %swap3A_289] : memref<512x128xf32, #tpu.memory_space<vmem>>, vector<512x128xf32>
    tpu.vector_store %arg12[%swap3A_288, %swap3A_289], %concatenate3A_287 {strides = array<i32>} : memref<512x128xf32, #tpu.memory_space<vmem>>, vector<512x128xf32>,
    return
  }
  func.func @transform_0(%arg0: i32) -> (i32, i32) {
    %c0_i32 = arith.constant 0 : i32
    %c0_i32_0 = arith.constant 0 : i32
    return %arg0, %c0_i32 : i32, i32
  }
  func.func @transform_1(%arg0: i32) -> (i32, i32) {
    %c0_i32 = arith.constant 0 : i32
    %c0_i32_0 = arith.constant 0 : i32
    return %arg0, %c0_i32 : i32, i32
  }
  func.func @transform_2(%arg0: i32) -> (i32, i32) {
    %c0_i32 = arith.constant 0 : i32
    %c0_i32_0 = arith.constant 0 : i32
    return %arg0, %c0_i32 : i32, i32
  }
  func.func @transform_3(%arg0: i32) -> (i32, i32) {
    %c0_i32 = arith.constant 0 : i32
    %c0_i32_0 = arith.constant 0 : i32
    %c0_i32_1 = arith.constant 0 : i32
    return %c0_i32, %c0_i32_0 : i32, i32
  }
  func.func @transform_4(%arg0: i32) -> (i32, i32) {
    %c0_i32 = arith.constant 0 : i32
    %c0_i32_0 = arith.constant 0 : i32
    %c0_i32_1 = arith.constant 0 : i32
    return %c0_i32, %c0_i32_0 : i32, i32
  }
  func.func @transform_5(%arg0: i32) -> (i32, i32) {
    %c0_i32 = arith.constant 0 : i32
    %c0_i32_0 = arith.constant 0 : i32
    %c0_i32_1 = arith.constant 0 : i32
    return %c0_i32, %c0_i32_0 : i32, i32
  }
  func.func @transform_6(%arg0: i32) -> (i32, i32) {
    %c0_i32 = arith.constant 0 : i32
    %c0_i32_0 = arith.constant 0 : i32
    %c0_i32_1 = arith.constant 0 : i32
    return %c0_i32, %c0_i32_0 : i32, i32
  }
  func.func @transform_7(%arg0: i32) -> (i32, i32) {
    %c0_i32 = arith.constant 0 : i32
    %c0_i32_0 = arith.constant 0 : i32
    %c0_i32_1 = arith.constant 0 : i32
    return %c0_i32, %c0_i32_0 : i32, i32
  }
  func.func @transform_8(%arg0: i32) -> (i32, i32) {
    %c0_i32 = arith.constant 0 : i32
    %c0_i32_0 = arith.constant 0 : i32
    %c0_i32_1 = arith.constant 0 : i32
    return %c0_i32, %c0_i32_0 : i32, i32
  }
  func.func @transform_9(%arg0: i32) -> (i32, i32) {
    %c0_i32 = arith.constant 0 : i32
    %c0_i32_0 = arith.constant 0 : i32
    %c0_i32_1 = arith.constant 0 : i32
    return %c0_i32, %c0_i32_0 : i32, i32
  }
  func.func @transform_10(%arg0: i32) -> (i32, i32) {
    %c0_i32 = arith.constant 0 : i32
    %c0_i32_0 = arith.constant 0 : i32
    %c0_i32_1 = arith.constant 0 : i32
    return %c0_i32, %c0_i32_0 : i32, i32
  }
  func.func @transform_11(%arg0: i32) -> (i32, i32) {
    %c0_i32 = arith.constant 0 : i32
    %c0_i32_0 = arith.constant 0 : i32
    return %arg0, %c0_i32 : i32, i32
  }
  func.func @transform_12(%arg0: i32) -> (i32, i32) {
    %c0_i32 = arith.constant 0 : i32
    %c0_i32_0 = arith.constant 0 : i32
    return %arg0, %c0_i32 : i32, i32
  }
  func.func @transform_13(%arg0: i32) -> (i32, i32) {
    %c0_i32 = arith.constant 0 : i32
    %c0_i32_0 = arith.constant 0 : i32
    return %arg0, %c0_i32 : i32, i32
  }
}

module attributes {stable_mosaic.version = 14 : i64} {
  func.func @_tc_out_body(%arg0: i32, %arg1: memref<512x128xf32, #tpu.memory_space<vmem>>, %arg2: memref<512x128xf32, #tpu.memory_space<vmem>>, %arg3: memref<512x128xf32, #tpu.memory_space<vmem>>, %arg4: memref<512x16xf32, #tpu.memory_space<vmem>>, %arg5: memref<512x8xf32, #tpu.memory_space<vmem>>, %arg6: memref<512x16xf32, #tpu.memory_space<vmem>>, %arg7: memref<128x128xf32, #tpu.memory_space<vmem>>, %arg8: memref<1x128xf32, #tpu.memory_space<vmem>>, %arg9: memref<16x128xf32, #tpu.memory_space<vmem>>, %arg10: memref<1x128xf32, #tpu.memory_space<vmem>>, %arg11: memref<16x128xf32, #tpu.memory_space<vmem>>, %arg12: memref<1x128xf32, #tpu.memory_space<vmem>>, %arg13: memref<64x1024xf32, #tpu.memory_space<vmem>>, %arg14: memref<128x1024xf32, #tpu.memory_space<vmem>>, %arg15: memref<64x128xf32, #tpu.memory_space<vmem>>, %arg16: memref<16x128xf32, #tpu.memory_space<vmem>>, %arg17: memref<128x16xf32, #tpu.memory_space<vmem>>, %arg18: memref<512x128xf32, #tpu.memory_space<vmem>>, %arg19: memref<512x128xf32, #tpu.memory_space<vmem>>, %arg20: memref<512x16xf32, #tpu.memory_space<vmem>>) attributes {dimension_semantics = [#tpu.dimension_semantics<arbitrary>], iteration_bounds = array<i64: 625>, scalar_prefetch = 0 : i64, scratch_operands = 0 : i64, tpu.core_type = #tpu.core_type<tc>, window_params = [{transform_indices = @transform_0, window_bounds = array<i64: 512, 128>}, {transform_indices = @transform_1, window_bounds = array<i64: 512, 128>}, {transform_indices = @transform_2, window_bounds = array<i64: 512, 128>}, {transform_indices = @transform_3, window_bounds = array<i64: 512, 16>}, {transform_indices = @transform_4, window_bounds = array<i64: 512, 8>}, {transform_indices = @transform_5, window_bounds = array<i64: 512, 16>}, {pipeline_mode = #tpu.pipeline_mode<synchronous>, transform_indices = @transform_6, window_bounds = array<i64: 128, 128>}, {pipeline_mode = #tpu.pipeline_mode<synchronous>, transform_indices = @transform_7, window_bounds = array<i64: 1, 128>}, {pipeline_mode = #tpu.pipeline_mode<synchronous>, transform_indices = @transform_8, window_bounds = array<i64: 16, 128>}, {pipeline_mode = #tpu.pipeline_mode<synchronous>, transform_indices = @transform_9, window_bounds = array<i64: 1, 128>}, {pipeline_mode = #tpu.pipeline_mode<synchronous>, transform_indices = @transform_10, window_bounds = array<i64: 16, 128>}, {pipeline_mode = #tpu.pipeline_mode<synchronous>, transform_indices = @transform_11, window_bounds = array<i64: 1, 128>}, {pipeline_mode = #tpu.pipeline_mode<synchronous>, transform_indices = @transform_12, window_bounds = array<i64: 64, 1024>}, {pipeline_mode = #tpu.pipeline_mode<synchronous>, transform_indices = @transform_13, window_bounds = array<i64: 128, 1024>}, {pipeline_mode = #tpu.pipeline_mode<synchronous>, transform_indices = @transform_14, window_bounds = array<i64: 64, 128>}, {pipeline_mode = #tpu.pipeline_mode<synchronous>, transform_indices = @transform_15, window_bounds = array<i64: 16, 128>}, {pipeline_mode = #tpu.pipeline_mode<synchronous>, transform_indices = @transform_16, window_bounds = array<i64: 128, 16>}, {transform_indices = @transform_17, window_bounds = array<i64: 512, 128>}, {transform_indices = @transform_18, window_bounds = array<i64: 512, 128>}, {transform_indices = @transform_19, window_bounds = array<i64: 512, 16>}]} {
    %get3A = arith.constant 0 : index
    %get3A_0 = arith.constant 0 : index
    %get3A_1 = vector.load %arg1[%get3A, %get3A_0] : memref<512x128xf32, #tpu.memory_space<vmem>>, vector<512x128xf32>
    %slice3A = vector.extract_strided_slice %get3A_1 {offsets = [0, 0], sizes = [512, 64], strides = [1, 1]} : vector<512x128xf32> to vector<512x64xf32>
    %get3A_2 = arith.constant 0 : index
    %get3A_3 = arith.constant 0 : index
    %get3A_4 = vector.load %arg2[%get3A_2, %get3A_3] : memref<512x128xf32, #tpu.memory_space<vmem>>, vector<512x128xf32>
    %slice3A_5 = vector.extract_strided_slice %get3A_4 {offsets = [0, 0], sizes = [512, 64], strides = [1, 1]} : vector<512x128xf32> to vector<512x64xf32>
    %div3A = arith.divf %slice3A, %slice3A_5 : vector<512x64xf32>
    %get3A_6 = arith.constant 0 : index
    %get3A_7 = arith.constant 0 : index
    %get3A_8 = vector.load %arg3[%get3A_6, %get3A_7] : memref<512x128xf32, #tpu.memory_space<vmem>>, vector<512x128xf32>
    %get3A_9 = arith.constant 0 : index
    %get3A_10 = arith.constant 0 : index
    %get3A_11 = vector.load %arg7[%get3A_9, %get3A_10] : memref<128x128xf32, #tpu.memory_space<vmem>>, vector<128x128xf32>
    %dot_general3A = arith.constant dense<0.000000e+00> : vector<512x128xf32>
    %dot_general3A_12 = tpu.matmul %get3A_8, %get3A_11, %dot_general3A {dimension_numbers = #tpu.dot_dimension_numbers<[1], [0], [0], [1], [0, 0, 1, 1], [], []>, transpose_lhs_hint = false} : vector<512x128xf32>, vector<128x128xf32>, vector<512x128xf32> -> vector<512x128xf32>
    %get3A_13 = arith.constant 0 : index
    %get3A_14 = arith.constant 0 : index
    %get3A_15 = vector.load %arg8[%get3A_13, %get3A_14] : memref<1x128xf32, #tpu.memory_space<vmem>>, vector<1x128xf32>
    %add3A = vector.broadcast %get3A_15 : vector<1x128xf32> to vector<512x128xf32>
    %add3A_16 = arith.addf %dot_general3A_12, %add3A : vector<512x128xf32>
    %get3A_17 = arith.constant 0 : index
    %get3A_18 = arith.constant 0 : index
    %get3A_19 = vector.load %arg4[%get3A_17, %get3A_18] : memref<512x16xf32, #tpu.memory_space<vmem>>, vector<512x16xf32>
    %get3A_20 = arith.constant 0 : index
    %get3A_21 = arith.constant 0 : index
    %get3A_22 = vector.load %arg6[%get3A_20, %get3A_21] : memref<512x16xf32, #tpu.memory_space<vmem>>, vector<512x16xf32>
    %get3A_23 = arith.constant 0 : index
    %get3A_24 = arith.constant 0 : index
    %get3A_25 = vector.load %arg9[%get3A_23, %get3A_24] : memref<16x128xf32, #tpu.memory_space<vmem>>, vector<16x128xf32>
    %dot_general3A_26 = arith.constant dense<0.000000e+00> : vector<512x128xf32>
    %dot_general3A_27 = tpu.matmul %get3A_19, %get3A_25, %dot_general3A_26 {dimension_numbers = #tpu.dot_dimension_numbers<[1], [0], [0], [1], [0, 0, 1, 1], [], []>, transpose_lhs_hint = false} : vector<512x16xf32>, vector<16x128xf32>, vector<512x128xf32> -> vector<512x128xf32>
    %get3A_28 = arith.constant 0 : index
    %get3A_29 = arith.constant 0 : index
    %get3A_30 = vector.load %arg10[%get3A_28, %get3A_29] : memref<1x128xf32, #tpu.memory_space<vmem>>, vector<1x128xf32>
    %add3A_31 = vector.broadcast %get3A_30 : vector<1x128xf32> to vector<512x128xf32>
    %add3A_32 = arith.addf %dot_general3A_27, %add3A_31 : vector<512x128xf32>
    %get3A_33 = arith.constant 0 : index
    %get3A_34 = arith.constant 0 : index
    %get3A_35 = vector.load %arg11[%get3A_33, %get3A_34] : memref<16x128xf32, #tpu.memory_space<vmem>>, vector<16x128xf32>
    %dot_general3A_36 = arith.constant dense<0.000000e+00> : vector<512x128xf32>
    %dot_general3A_37 = tpu.matmul %get3A_19, %get3A_35, %dot_general3A_36 {dimension_numbers = #tpu.dot_dimension_numbers<[1], [0], [0], [1], [0, 0, 1, 1], [], []>, transpose_lhs_hint = false} : vector<512x16xf32>, vector<16x128xf32>, vector<512x128xf32> -> vector<512x128xf32>
    %get3A_38 = arith.constant 0 : index
    %get3A_39 = arith.constant 0 : index
    %get3A_40 = vector.load %arg12[%get3A_38, %get3A_39] : memref<1x128xf32, #tpu.memory_space<vmem>>, vector<1x128xf32>
    %add3A_41 = vector.broadcast %get3A_40 : vector<1x128xf32> to vector<512x128xf32>
    %add3A_42 = arith.addf %dot_general3A_37, %add3A_41 : vector<512x128xf32>
    %mul3A = arith.mulf %add3A_16, %add3A_32 : vector<512x128xf32>
    %mul3A_43 = arith.mulf %add3A_16, %add3A_42 : vector<512x128xf32>
    %get3A_44 = arith.constant 0 : index
    %get3A_45 = arith.constant 0 : index
    %get3A_46 = vector.load %arg13[%get3A_44, %get3A_45] : memref<64x1024xf32, #tpu.memory_space<vmem>>, vector<64x1024xf32>
    %dot_general3A_47 = arith.constant dense<0.000000e+00> : vector<512x1024xf32>
    %dot_general3A_48 = tpu.matmul %div3A, %get3A_46, %dot_general3A_47 {dimension_numbers = #tpu.dot_dimension_numbers<[1], [0], [0], [1], [0, 0, 1, 1], [], []>, transpose_lhs_hint = false} : vector<512x64xf32>, vector<64x1024xf32>, vector<512x1024xf32> -> vector<512x1024xf32>
    %get3A_49 = arith.constant 0 : index
    %get3A_50 = arith.constant 0 : index
    %get3A_51 = vector.load %arg14[%get3A_49, %get3A_50] : memref<128x1024xf32, #tpu.memory_space<vmem>>, vector<128x1024xf32>
    %dot_general3A_52 = arith.constant dense<0.000000e+00> : vector<512x1024xf32>
    %dot_general3A_53 = tpu.matmul %mul3A, %get3A_51, %dot_general3A_52 {dimension_numbers = #tpu.dot_dimension_numbers<[1], [0], [0], [1], [0, 0, 1, 1], [], []>, transpose_lhs_hint = false} : vector<512x128xf32>, vector<128x1024xf32>, vector<512x1024xf32> -> vector<512x1024xf32>
    %get3A_54 = arith.constant 0 : index
    %get3A_55 = arith.constant 0 : index
    %get3A_56 = vector.load %arg14[%get3A_54, %get3A_55] : memref<128x1024xf32, #tpu.memory_space<vmem>>, vector<128x1024xf32>
    %dot_general3A_57 = arith.constant dense<0.000000e+00> : vector<512x1024xf32>
    %dot_general3A_58 = tpu.matmul %mul3A_43, %get3A_56, %dot_general3A_57 {dimension_numbers = #tpu.dot_dimension_numbers<[1], [0], [0], [1], [0, 0, 1, 1], [], []>, transpose_lhs_hint = false} : vector<512x128xf32>, vector<128x1024xf32>, vector<512x1024xf32> -> vector<512x1024xf32>
    %broadcast_in_dim3A = arith.constant 0.000000e+00 : f32
    %broadcast_in_dim3A_59 = vector.broadcast %broadcast_in_dim3A : f32 to vector<512x128xf32>
    %broadcast_in_dim3A_60 = arith.constant 0.000000e+00 : f32
    %broadcast_in_dim3A_61 = vector.broadcast %broadcast_in_dim3A_60 : f32 to vector<512x128xf32>
    %slice3A_62 = vector.extract_strided_slice %dot_general3A_48 {offsets = [0, 0], sizes = [512, 128], strides = [1, 1]} : vector<512x1024xf32> to vector<512x128xf32>
    %slice3A_63 = vector.extract_strided_slice %dot_general3A_53 {offsets = [0, 0], sizes = [512, 128], strides = [1, 1]} : vector<512x1024xf32> to vector<512x128xf32>
    %mul3A_64 = arith.mulf %slice3A_62, %slice3A_63 : vector<512x128xf32>
    %add3A_65 = arith.addf %broadcast_in_dim3A_59, %mul3A_64 : vector<512x128xf32>
    %slice3A_66 = vector.extract_strided_slice %dot_general3A_48 {offsets = [0, 0], sizes = [512, 128], strides = [1, 1]} : vector<512x1024xf32> to vector<512x128xf32>
    %slice3A_67 = vector.extract_strided_slice %dot_general3A_58 {offsets = [0, 0], sizes = [512, 128], strides = [1, 1]} : vector<512x1024xf32> to vector<512x128xf32>
    %mul3A_68 = arith.mulf %slice3A_66, %slice3A_67 : vector<512x128xf32>
    %add3A_69 = arith.addf %broadcast_in_dim3A_61, %mul3A_68 : vector<512x128xf32>
    %slice3A_70 = vector.extract_strided_slice %dot_general3A_48 {offsets = [0, 128], sizes = [512, 128], strides = [1, 1]} : vector<512x1024xf32> to vector<512x128xf32>
    %slice3A_71 = vector.extract_strided_slice %dot_general3A_53 {offsets = [0, 128], sizes = [512, 128], strides = [1, 1]} : vector<512x1024xf32> to vector<512x128xf32>
    %mul3A_72 = arith.mulf %slice3A_70, %slice3A_71 : vector<512x128xf32>
    %add3A_73 = arith.addf %add3A_65, %mul3A_72 : vector<512x128xf32>
    %slice3A_74 = vector.extract_strided_slice %dot_general3A_48 {offsets = [0, 128], sizes = [512, 128], strides = [1, 1]} : vector<512x1024xf32> to vector<512x128xf32>
    %slice3A_75 = vector.extract_strided_slice %dot_general3A_58 {offsets = [0, 128], sizes = [512, 128], strides = [1, 1]} : vector<512x1024xf32> to vector<512x128xf32>
    %mul3A_76 = arith.mulf %slice3A_74, %slice3A_75 : vector<512x128xf32>
    %add3A_77 = arith.addf %add3A_69, %mul3A_76 : vector<512x128xf32>
    %slice3A_78 = vector.extract_strided_slice %dot_general3A_48 {offsets = [0, 256], sizes = [512, 128], strides = [1, 1]} : vector<512x1024xf32> to vector<512x128xf32>
    %slice3A_79 = vector.extract_strided_slice %dot_general3A_53 {offsets = [0, 256], sizes = [512, 128], strides = [1, 1]} : vector<512x1024xf32> to vector<512x128xf32>
    %mul3A_80 = arith.mulf %slice3A_78, %slice3A_79 : vector<512x128xf32>
    %add3A_81 = arith.addf %add3A_73, %mul3A_80 : vector<512x128xf32>
    %slice3A_82 = vector.extract_strided_slice %dot_general3A_48 {offsets = [0, 256], sizes = [512, 128], strides = [1, 1]} : vector<512x1024xf32> to vector<512x128xf32>
    %slice3A_83 = vector.extract_strided_slice %dot_general3A_58 {offsets = [0, 256], sizes = [512, 128], strides = [1, 1]} : vector<512x1024xf32> to vector<512x128xf32>
    %mul3A_84 = arith.mulf %slice3A_82, %slice3A_83 : vector<512x128xf32>
    %add3A_85 = arith.addf %add3A_77, %mul3A_84 : vector<512x128xf32>
    %slice3A_86 = vector.extract_strided_slice %dot_general3A_48 {offsets = [0, 384], sizes = [512, 128], strides = [1, 1]} : vector<512x1024xf32> to vector<512x128xf32>
    %slice3A_87 = vector.extract_strided_slice %dot_general3A_53 {offsets = [0, 384], sizes = [512, 128], strides = [1, 1]} : vector<512x1024xf32> to vector<512x128xf32>
    %mul3A_88 = arith.mulf %slice3A_86, %slice3A_87 : vector<512x128xf32>
    %add3A_89 = arith.addf %add3A_81, %mul3A_88 : vector<512x128xf32>
    %slice3A_90 = vector.extract_strided_slice %dot_general3A_48 {offsets = [0, 384], sizes = [512, 128], strides = [1, 1]} : vector<512x1024xf32> to vector<512x128xf32>
    %slice3A_91 = vector.extract_strided_slice %dot_general3A_58 {offsets = [0, 384], sizes = [512, 128], strides = [1, 1]} : vector<512x1024xf32> to vector<512x128xf32>
    %mul3A_92 = arith.mulf %slice3A_90, %slice3A_91 : vector<512x128xf32>
    %add3A_93 = arith.addf %add3A_85, %mul3A_92 : vector<512x128xf32>
    %slice3A_94 = vector.extract_strided_slice %dot_general3A_48 {offsets = [0, 512], sizes = [512, 128], strides = [1, 1]} : vector<512x1024xf32> to vector<512x128xf32>
    %slice3A_95 = vector.extract_strided_slice %dot_general3A_53 {offsets = [0, 512], sizes = [512, 128], strides = [1, 1]} : vector<512x1024xf32> to vector<512x128xf32>
    %mul3A_96 = arith.mulf %slice3A_94, %slice3A_95 : vector<512x128xf32>
    %add3A_97 = arith.addf %add3A_89, %mul3A_96 : vector<512x128xf32>
    %slice3A_98 = vector.extract_strided_slice %dot_general3A_48 {offsets = [0, 512], sizes = [512, 128], strides = [1, 1]} : vector<512x1024xf32> to vector<512x128xf32>
    %slice3A_99 = vector.extract_strided_slice %dot_general3A_58 {offsets = [0, 512], sizes = [512, 128], strides = [1, 1]} : vector<512x1024xf32> to vector<512x128xf32>
    %mul3A_100 = arith.mulf %slice3A_98, %slice3A_99 : vector<512x128xf32>
    %add3A_101 = arith.addf %add3A_93, %mul3A_100 : vector<512x128xf32>
    %slice3A_102 = vector.extract_strided_slice %dot_general3A_48 {offsets = [0, 640], sizes = [512, 128], strides = [1, 1]} : vector<512x1024xf32> to vector<512x128xf32>
    %slice3A_103 = vector.extract_strided_slice %dot_general3A_53 {offsets = [0, 640], sizes = [512, 128], strides = [1, 1]} : vector<512x1024xf32> to vector<512x128xf32>
    %mul3A_104 = arith.mulf %slice3A_102, %slice3A_103 : vector<512x128xf32>
    %add3A_105 = arith.addf %add3A_97, %mul3A_104 : vector<512x128xf32>
    %slice3A_106 = vector.extract_strided_slice %dot_general3A_48 {offsets = [0, 640], sizes = [512, 128], strides = [1, 1]} : vector<512x1024xf32> to vector<512x128xf32>
    %slice3A_107 = vector.extract_strided_slice %dot_general3A_58 {offsets = [0, 640], sizes = [512, 128], strides = [1, 1]} : vector<512x1024xf32> to vector<512x128xf32>
    %mul3A_108 = arith.mulf %slice3A_106, %slice3A_107 : vector<512x128xf32>
    %add3A_109 = arith.addf %add3A_101, %mul3A_108 : vector<512x128xf32>
    %slice3A_110 = vector.extract_strided_slice %dot_general3A_48 {offsets = [0, 768], sizes = [512, 128], strides = [1, 1]} : vector<512x1024xf32> to vector<512x128xf32>
    %slice3A_111 = vector.extract_strided_slice %dot_general3A_53 {offsets = [0, 768], sizes = [512, 128], strides = [1, 1]} : vector<512x1024xf32> to vector<512x128xf32>
    %mul3A_112 = arith.mulf %slice3A_110, %slice3A_111 : vector<512x128xf32>
    %add3A_113 = arith.addf %add3A_105, %mul3A_112 : vector<512x128xf32>
    %slice3A_114 = vector.extract_strided_slice %dot_general3A_48 {offsets = [0, 768], sizes = [512, 128], strides = [1, 1]} : vector<512x1024xf32> to vector<512x128xf32>
    %slice3A_115 = vector.extract_strided_slice %dot_general3A_58 {offsets = [0, 768], sizes = [512, 128], strides = [1, 1]} : vector<512x1024xf32> to vector<512x128xf32>
    %mul3A_116 = arith.mulf %slice3A_114, %slice3A_115 : vector<512x128xf32>
    %add3A_117 = arith.addf %add3A_109, %mul3A_116 : vector<512x128xf32>
    %slice3A_118 = vector.extract_strided_slice %dot_general3A_48 {offsets = [0, 896], sizes = [512, 128], strides = [1, 1]} : vector<512x1024xf32> to vector<512x128xf32>
    %slice3A_119 = vector.extract_strided_slice %dot_general3A_53 {offsets = [0, 896], sizes = [512, 128], strides = [1, 1]} : vector<512x1024xf32> to vector<512x128xf32>
    %mul3A_120 = arith.mulf %slice3A_118, %slice3A_119 : vector<512x128xf32>
    %add3A_121 = arith.addf %add3A_113, %mul3A_120 : vector<512x128xf32>
    %slice3A_122 = vector.extract_strided_slice %dot_general3A_48 {offsets = [0, 896], sizes = [512, 128], strides = [1, 1]} : vector<512x1024xf32> to vector<512x128xf32>
    %slice3A_123 = vector.extract_strided_slice %dot_general3A_58 {offsets = [0, 896], sizes = [512, 128], strides = [1, 1]} : vector<512x1024xf32> to vector<512x128xf32>
    %mul3A_124 = arith.mulf %slice3A_122, %slice3A_123 : vector<512x128xf32>
    %add3A_125 = arith.addf %add3A_117, %mul3A_124 : vector<512x128xf32>
    %get3A_126 = arith.constant 0 : index
    %get3A_127 = arith.constant 0 : index
    %get3A_128 = vector.load %arg15[%get3A_126, %get3A_127] : memref<64x128xf32, #tpu.memory_space<vmem>>, vector<64x128xf32>
    %dot_general3A_129 = arith.constant dense<0.000000e+00> : vector<512x128xf32>
    %dot_general3A_130 = tpu.matmul %div3A, %get3A_128, %dot_general3A_129 {dimension_numbers = #tpu.dot_dimension_numbers<[1], [0], [0], [1], [0, 0, 1, 1], [], []>, transpose_lhs_hint = false} : vector<512x64xf32>, vector<64x128xf32>, vector<512x128xf32> -> vector<512x128xf32>
    %get3A_131 = arith.constant 0 : index
    %get3A_132 = arith.constant 0 : index
    %get3A_133 = vector.load %arg16[%get3A_131, %get3A_132] : memref<16x128xf32, #tpu.memory_space<vmem>>, vector<16x128xf32>
    %dot_general3A_134 = arith.constant dense<0.000000e+00> : vector<512x128xf32>
    %dot_general3A_135 = tpu.matmul %get3A_22, %get3A_133, %dot_general3A_134 {dimension_numbers = #tpu.dot_dimension_numbers<[1], [0], [0], [1], [0, 0, 1, 1], [], []>, transpose_lhs_hint = false} : vector<512x16xf32>, vector<16x128xf32>, vector<512x128xf32> -> vector<512x128xf32>
    %mul3A_136 = arith.mulf %dot_general3A_130, %dot_general3A_135 : vector<512x128xf32>
    %get3A_137 = arith.constant 0 : index
    %get3A_138 = arith.constant 0 : index
    %get3A_139 = vector.load %arg17[%get3A_137, %get3A_138] : memref<128x16xf32, #tpu.memory_space<vmem>>, vector<128x16xf32>
    %dot_general3A_140 = arith.constant dense<0.000000e+00> : vector<512x16xf32>
    %dot_general3A_141 = tpu.matmul %mul3A_136, %get3A_139, %dot_general3A_140 {dimension_numbers = #tpu.dot_dimension_numbers<[1], [0], [0], [1], [0, 0, 1, 1], [], []>, transpose_lhs_hint = false} : vector<512x128xf32>, vector<128x16xf32>, vector<512x16xf32> -> vector<512x16xf32>
    %swap3A = arith.constant 0 : index
    %swap3A_142 = arith.constant 0 : index
    %swap3A_143 = vector.load %arg18[%swap3A, %swap3A_142] : memref<512x128xf32, #tpu.memory_space<vmem>>, vector<512x128xf32>
    tpu.vector_store %arg18[%swap3A, %swap3A_142], %add3A_121 {strides = array<i32>} : memref<512x128xf32, #tpu.memory_space<vmem>>, vector<512x128xf32>,
    %add3A_144 = arith.addf %get3A_22, %dot_general3A_141 : vector<512x16xf32>
    %swap3A_145 = arith.constant 0 : index
    %swap3A_146 = arith.constant 0 : index
    %swap3A_147 = vector.load %arg20[%swap3A_145, %swap3A_146] : memref<512x16xf32, #tpu.memory_space<vmem>>, vector<512x16xf32>
    tpu.vector_store %arg20[%swap3A_145, %swap3A_146], %add3A_144 {strides = array<i32>} : memref<512x16xf32, #tpu.memory_space<vmem>>, vector<512x16xf32>,
    %mul3A_148 = arith.mulf %add3A_125, %add3A_125 : vector<512x128xf32>
    %reduce_sum3A = arith.constant dense<0.000000e+00> : vector<512xf32>
    %reduce_sum3A_149 = vector.multi_reduction <add>, %mul3A_148, %reduce_sum3A [1] : vector<512x128xf32> to vector<512xf32>
    %broadcast_in_dim3A_150 = vector.shape_cast %reduce_sum3A_149 : vector<512xf32> to vector<512x1xf32>
    %get3A_151 = arith.constant 0 : index
    %get3A_152 = arith.constant 0 : index
    %get3A_153 = vector.load %arg5[%get3A_151, %get3A_152] : memref<512x8xf32, #tpu.memory_space<vmem>>, vector<512x8xf32>
    %mul3A_154 = vector.broadcast %broadcast_in_dim3A_150 : vector<512x1xf32> to vector<512x8xf32>
    %mul3A_155 = arith.mulf %get3A_153, %mul3A_154 : vector<512x8xf32>
    %broadcast_in_dim3A_156 = arith.constant 0.000000e+00 : f32
    %broadcast_in_dim3A_157 = vector.broadcast %broadcast_in_dim3A_156 : f32 to vector<512x120xf32>
    %concatenate3A = tpu.concatenate %mul3A_155, %broadcast_in_dim3A_157 in 1 : vector<512x8xf32>, vector<512x120xf32> -> vector<512x128xf32>
    %swap3A_158 = arith.constant 0 : index
    %swap3A_159 = arith.constant 0 : index
    %swap3A_160 = vector.load %arg19[%swap3A_158, %swap3A_159] : memref<512x128xf32, #tpu.memory_space<vmem>>, vector<512x128xf32>
    tpu.vector_store %arg19[%swap3A_158, %swap3A_159], %concatenate3A {strides = array<i32>} : memref<512x128xf32, #tpu.memory_space<vmem>>, vector<512x128xf32>,
    return
  }
  func.func @transform_0(%arg0: i32) -> (i32, i32) {
    %c0_i32 = arith.constant 0 : i32
    %c0_i32_0 = arith.constant 0 : i32
    return %arg0, %c0_i32 : i32, i32
  }
  func.func @transform_1(%arg0: i32) -> (i32, i32) {
    %c0_i32 = arith.constant 0 : i32
    %c0_i32_0 = arith.constant 0 : i32
    return %arg0, %c0_i32 : i32, i32
  }
  func.func @transform_2(%arg0: i32) -> (i32, i32) {
    %c0_i32 = arith.constant 0 : i32
    %c0_i32_0 = arith.constant 0 : i32
    return %arg0, %c0_i32 : i32, i32
  }
  func.func @transform_3(%arg0: i32) -> (i32, i32) {
    %c0_i32 = arith.constant 0 : i32
    %c0_i32_0 = arith.constant 0 : i32
    return %arg0, %c0_i32 : i32, i32
  }
  func.func @transform_4(%arg0: i32) -> (i32, i32) {
    %c0_i32 = arith.constant 0 : i32
    %c0_i32_0 = arith.constant 0 : i32
    return %arg0, %c0_i32 : i32, i32
  }
  func.func @transform_5(%arg0: i32) -> (i32, i32) {
    %c0_i32 = arith.constant 0 : i32
    %c0_i32_0 = arith.constant 0 : i32
    return %arg0, %c0_i32 : i32, i32
  }
  func.func @transform_6(%arg0: i32) -> (i32, i32) {
    %c0_i32 = arith.constant 0 : i32
    %c0_i32_0 = arith.constant 0 : i32
    %c0_i32_1 = arith.constant 0 : i32
    return %c0_i32, %c0_i32_0 : i32, i32
  }
  func.func @transform_7(%arg0: i32) -> (i32, i32) {
    %c0_i32 = arith.constant 0 : i32
    %c0_i32_0 = arith.constant 0 : i32
    %c0_i32_1 = arith.constant 0 : i32
    return %c0_i32, %c0_i32_0 : i32, i32
  }
  func.func @transform_8(%arg0: i32) -> (i32, i32) {
    %c0_i32 = arith.constant 0 : i32
    %c0_i32_0 = arith.constant 0 : i32
    %c0_i32_1 = arith.constant 0 : i32
    return %c0_i32, %c0_i32_0 : i32, i32
  }
  func.func @transform_9(%arg0: i32) -> (i32, i32) {
    %c0_i32 = arith.constant 0 : i32
    %c0_i32_0 = arith.constant 0 : i32
    %c0_i32_1 = arith.constant 0 : i32
    return %c0_i32, %c0_i32_0 : i32, i32
  }
  func.func @transform_10(%arg0: i32) -> (i32, i32) {
    %c0_i32 = arith.constant 0 : i32
    %c0_i32_0 = arith.constant 0 : i32
    %c0_i32_1 = arith.constant 0 : i32
    return %c0_i32, %c0_i32_0 : i32, i32
  }
  func.func @transform_11(%arg0: i32) -> (i32, i32) {
    %c0_i32 = arith.constant 0 : i32
    %c0_i32_0 = arith.constant 0 : i32
    %c0_i32_1 = arith.constant 0 : i32
    return %c0_i32, %c0_i32_0 : i32, i32
  }
  func.func @transform_12(%arg0: i32) -> (i32, i32) {
    %c0_i32 = arith.constant 0 : i32
    %c0_i32_0 = arith.constant 0 : i32
    %c0_i32_1 = arith.constant 0 : i32
    return %c0_i32, %c0_i32_0 : i32, i32
  }
  func.func @transform_13(%arg0: i32) -> (i32, i32) {
    %c0_i32 = arith.constant 0 : i32
    %c0_i32_0 = arith.constant 0 : i32
    %c0_i32_1 = arith.constant 0 : i32
    return %c0_i32, %c0_i32_0 : i32, i32
  }
  func.func @transform_14(%arg0: i32) -> (i32, i32) {
    %c0_i32 = arith.constant 0 : i32
    %c0_i32_0 = arith.constant 0 : i32
    %c0_i32_1 = arith.constant 0 : i32
    return %c0_i32, %c0_i32_0 : i32, i32
  }
  func.func @transform_15(%arg0: i32) -> (i32, i32) {
    %c0_i32 = arith.constant 0 : i32
    %c0_i32_0 = arith.constant 0 : i32
    %c0_i32_1 = arith.constant 0 : i32
    return %c0_i32, %c0_i32_0 : i32, i32
  }
  func.func @transform_16(%arg0: i32) -> (i32, i32) {
    %c0_i32 = arith.constant 0 : i32
    %c0_i32_0 = arith.constant 0 : i32
    %c0_i32_1 = arith.constant 0 : i32
    return %c0_i32, %c0_i32_0 : i32, i32
  }
  func.func @transform_17(%arg0: i32) -> (i32, i32) {
    %c0_i32 = arith.constant 0 : i32
    %c0_i32_0 = arith.constant 0 : i32
    return %arg0, %c0_i32 : i32, i32
  }
  func.func @transform_18(%arg0: i32) -> (i32, i32) {
    %c0_i32 = arith.constant 0 : i32
    %c0_i32_0 = arith.constant 0 : i32
    return %arg0, %c0_i32 : i32, i32
  }
  func.func @transform_19(%arg0: i32) -> (i32, i32) {
    %c0_i32 = arith.constant 0 : i32
    %c0_i32_0 = arith.constant 0 : i32
    return %arg0, %c0_i32 : i32, i32
  }
}

</mosaic_0001>

<sc_bundles>
// kernel: kernel.12.cloned.1.call-start
scs
__scs_entry_jumppad:
0x0: {  	(pc) =	sbr.rel $0x88, $3  }
0x1: {  	(tag) =	ssettag $0x0;
	lr =	simm.s32 $0x1  }
0x2: {  	[smem:$0x3F8F] =	sst lr;
	_ =	strace $0xD0000000  }
0x3: {  	_ = 	snop  }
0x4: {  	_ = 	snop  }
0x5: {  	_ = 	snop  }
0x6: {  	_ = 	snop  }
0x7: {  	_ = 	snop  }
__scs_overlays_trampoline_lowered:
0x8: {  	[smem:$0x3F9E] =	sst s0  }
0x9: {  	[smem:$0x3F9F] =	sst s1  }
0xa: {  	[smem:$0x3FA0] =	sst s2  }
0xb: {  	[smem:$0x3FA1] =	sst s3  }
0xc: {  	[smem:$0x3FA2] =	sst s4  }
0xd: {  	[smem:$0x3FA3] =	sst s5  }
0xe: {  	[smem:$0x3FA4] =	sst s6  }
0xf: {  	[smem:$0x3FA5] =	sst s7  }
0x10: {  	[smem:$0x3FA6] =	sst s8  }
0x11: {  	[smem:$0x3FA7] =	sst s9;
	s0 =	simm.s32 @!p0 $0x0  }
0x12: {  	s1 =	sld [smem:$0x3F8D];
	s0 =	simm.s32 @p0 $0x1  }
0x13: {  	[smem:$0x3FA8] =	sst s0;
	s0 =	simm.s32 @!p1 $0x0  }
0x14: {  	s2 =	sld [smem:$0x3F8C];
	s0 =	simm.s32 @p1 $0x1  }
0x15: {  	[smem:$0x3FA9] =	sst s0;
	s0 =	simm.s32 @!p2 $0x0  }
0x16: {  	s3 =	sld [smem:$0x3FDB];
	s0 =	simm.s32 @p2 $0x1  }
0x17: {  	s4 =	simm.s32 $0x1BF5;
	[smem:$0x3FAB] =	sst s0  }
0x18: {  	s0 =	sld [smem:$0x3F8E];
	_ =	swait.ge [sflag:s4], $0x0  }
0x19: {  	s7 =	sld [smem:$0x3F8F]  }
0x1a: {  	s8 =	sadd.s32 $0xFFFFE003, lr  }
0x1b: {  	s9 =	sadd.s32 $0xFFFFFEF7, lr;
	s5 =	simm.s32 $0xFFFFFFFF;
	p2 =	slt.u32 s8, $0xFFFFF086  }
0x1c: {  	p1 =	slt.u32 s9, $0xF7A;
	s5 =	simm.s32 @!p2 $0x0  }
0x1d: {  	s5 =	simm.s32 @p1 $0x1;
	p0 =	seq.s32 s7, s2  }
0x1e: {  	s7 =	smul.u32 @!p0 $0xF7A, s2;
	p2 =	seq.s32 @!p0 s5, $0x0  }
0x1f: {  	s9 =	smul.u32 $0xF7A, s1;
	s8 =	simm.s32 @!p0 $0x1BF5;
	p2 =	por !p2, p0  }
0x20: {  	[sflag:s8] =	ssyncset.s32 @!p0 $0xFFFFF086;
	s6 =	sadd.s32 @!p0 s3, s7;
	s7 =	simm.s32 @!p0 $0x108  }
0x21: {  	s3 =	sadd.s32 s3, s9;
	s6 =	sadd.s32 @!p0 $0x88, s6;
	s7 =	simm.s32 @p2 $0x1082  }
0x22: {  	[simem:s7], [sflag:s8] =	dma.local @!p0 [hbm:s6], $0xF7A  }
0x23: {  	s9 =	sor.u32 $0xD0000000, s2;
	s6 =	simm.s32 $0x108;
	_ =	swait.ge @!p0 [sflag:s8], $0x0  }
0x24: {  	s3 =	sadd.s32 $0x88, s3;
	s6 =	simm.s32 @!p1 $0x1082;
	[sflag:s4] =	ssyncset.s32 $0xFFFFF086  }
0x25: {  	[simem:s6], [sflag:s4] =	dma.local [hbm:s3], $0xF7A  }
0x26: {  	[smem:$0x3F8F] =	sst s1;
	(tag) =	ssettag s2;
	_ =	strace s9  }
0x27: {  	s1 =	sld [smem:$0x3F9F]  }
0x28: {  	s2 =	sld [smem:$0x3FA0]  }
0x29: {  	s4 =	sld [smem:$0x3FA2]  }
0x2a: {  	p0 =	seq.s32 s5, $0x0;
	s5 =	sld [smem:$0x3FA3]  }
0x2b: {  	s6 =	sld [smem:$0x3FA4]  }
0x2c: {  	s7 =	sld [smem:$0x3FA5]  }
0x2d: {  	s3 =	simm.s32 $0x108;
	s8 =	sld [smem:$0x3FA6]  }
0x2e: {  	s3 =	simm.s32 @!p0 $0x1082;
	s9 =	sld [smem:$0x3FA7]  }
0x2f: {  	lr =	sadd.s32 s0, s3;
	s0 =	sld [smem:$0x3F9E]  }
0x30: {  	s3 =	sld [smem:$0x3FA1]  }
0x31: {  	[smem:$0x3FAA] =	sst s10  }
0x32: {  	s10 =	sld [smem:$0x3FA8];
	_ =	sdelay $0x3  }
0x33: {  	p0 =	seq.s32 s10, $0x1;
	s10 =	sld [smem:$0x3FAA];
	_ =	sdelay $0x3  }
0x34: {  	[smem:$0x3FAA] =	sst s10  }
0x35: {  	s10 =	sld [smem:$0x3FA9];
	_ =	sdelay $0x3  }
0x36: {  	p1 =	seq.s32 s10, $0x1;
	s10 =	sld [smem:$0x3FAA];
	_ =	sdelay $0x3  }
0x37: {  	[smem:$0x3FAA] =	sst s10  }
0x38: {  	s10 =	sld [smem:$0x3FAB]  }
0x39: {  	_ = 	snop;
	(pc) =	sbr.ind lr, $3  }
0x3a: {  	_ = 	snop  }
0x3b: {  	_ = 	snop  }
0x3c: {  	p2 =	seq.s32 s10, $0x1;
	s10 =	sld [smem:$0x3FAA]  }
0x3d: {  	_ =	shalt  }
0x3e: {  	_ =	shalt  }
0x3f: {  	_ =	shalt  }
0x40: {  	_ =	shalt  }
0x41: {  	_ =	shalt  }
0x42: {  	_ =	shalt  }
0x43: {  	_ =	shalt  }
0x44: {  	_ =	shalt  }
0x45: {  	_ =	shalt  }
0x46: {  	_ =	shalt  }
0x47: {  	_ =	shalt  }
0x48: {  	_ =	shalt  }
0x49: {  	_ =	shalt  }
0x4a: {  	_ =	shalt  }
0x4b: {  	_ =	shalt  }
0x4c: {  	_ =	shalt  }
0x4d: {  	_ =	shalt  }
0x4e: {  	_ =	shalt  }
0x4f: {  	_ =	shalt  }
0x50: {  	_ =	shalt  }
0x51: {  	_ =	shalt  }
0x52: {  	_ =	shalt  }
0x53: {  	_ =	shalt  }
0x54: {  	_ =	shalt  }
0x55: {  	_ =	shalt  }
0x56: {  	_ =	shalt  }
0x57: {  	_ =	shalt  }
0x58: {  	_ =	shalt  }
0x59: {  	_ =	shalt  }
0x5a: {  	_ =	shalt  }
0x5b: {  	_ =	shalt  }
0x5c: {  	_ =	shalt  }
0x5d: {  	_ =	shalt  }
0x5e: {  	_ =	shalt  }
0x5f: {  	_ =	shalt  }
0x60: {  	_ =	shalt  }
0x61: {  	_ =	shalt  }
0x62: {  	_ =	shalt  }
0x63: {  	_ =	shalt  }
0x64: {  	_ =	shalt  }
0x65: {  	_ =	shalt  }
0x66: {  	_ =	shalt  }
0x67: {  	_ =	shalt  }
0x68: {  	_ =	shalt  }
0x69: {  	_ =	shalt  }
0x6a: {  	_ =	shalt  }
0x6b: {  	_ =	shalt  }
0x6c: {  	_ =	shalt  }
0x6d: {  	_ =	shalt  }
0x6e: {  	_ =	shalt  }
0x6f: {  	_ =	shalt  }
0x70: {  	_ =	shalt  }
0x71: {  	_ =	shalt  }
0x72: {  	_ =	shalt  }
0x73: {  	_ =	shalt  }
0x74: {  	_ =	shalt  }
0x75: {  	_ =	shalt  }
0x76: {  	_ =	shalt  }
0x77: {  	_ =	shalt  }
0x78: {  	_ =	shalt  }
0x79: {  	_ =	shalt  }
0x7a: {  	_ =	shalt  }
0x7b: {  	_ =	shalt  }
0x7c: {  	_ =	shalt  }
0x7d: {  	_ =	shalt  }
0x7e: {  	_ =	shalt  }
0x7f: {  	_ =	shalt  }
0x80: {  	_ =	shalt  }
0x81: {  	_ =	shalt  }
0x82: {  	_ =	shalt  }
0x83: {  	_ =	shalt  }
0x84: {  	_ =	shalt  }
0x85: {  	_ =	shalt  }
0x86: {  	_ =	shalt  }
0x87: {  	_ =	shalt  }
.Lfunc_end0:
.L_simem_size_0:
called_computation.1_lowered:
.L_overlay_start_0:
0x88: {  	s2 =	sld [smem:$0x3FD9]  }
0x89: {  	s3 =	sld [smem:$0x3FFE];
	_ =	sdelay $0x1  }
0x8a: {  	s1 =	srdreg.scid  }
0x8b: {  	s0 =	sand.u32 $0x1, s1  }
0x8c: {  	s14 =	sshll.u32 s0, $0xA;
	s2 =	sadd.s32 s3, s2  }
0x8d: {  	s2 =	sadd.s32 s2, s14  }
0x8e: {  	[smem:$0x3FB6] =	sst s2  }
0x8f: {  	_ = 	snop  }
0x90: {  	s2 =	sld [smem:$0x3FD0];
	_ =	sdelay $0x2  }
0x91: {  	s15 =	simm.s32 $0xB;
	s4 =	simm.s32 $0x10  }
0x92: {  	[smem:s4], [sflag:s15] =	dma.local [hbm:s2], $0x1  }
0x93: {  	_ =	swait.eq [sflag:s15], $0x1  }
0x94: {  	[sflag:s15] =	ssyncset.done $0x0  }
0x95: {  	[sflag:s15] =	ssyncadd.s32 $0xFFFFFFFF  }
0x96: {  	s16 =	sld [smem:$0x12];
	(tm) =	ssettm $0x1  }
0x97: {  	s17 =	sld [smem:$0x3FFB];
	_ =	sdelay $0x3  }
0x98: {  	_ =	strace s17  }
0x99: {  	s3 =	sld [smem:$0x3FFC];
	_ =	sdelay $0x3  }
0x9a: {  	_ =	strace s3  }
0x9b: {  	s3 =	sld [smem:$0x3FFD];
	_ =	sdelay $0x3  }
0x9c: {  	_ =	strace s3  }
0x9d: {  	_ =	strace $0x8FFFFFFF  }
0x9e: {  	s18 =	sld [smem:$0x3FDB];
	_ =	sdelay $0x1  }
0x9f: {  	s19 =	simm.s32 $_scs_section_size  }
0xa0: {  	s5 =	simm.s32 $_size__tile_overlayer_lowered;
	s6 =	simm.s32 $_tile_overlayer_lowered  }
0xa1: {  	s22 =	simm.s32 $0x1BFF;
	s21 =	sshll.u32 s6, $0x1;
	s3 =	sadd.s32 s19, s18  }
0xa2: {  	s7 =	simm.s32 $0x0;
	s20 =	sshll.u32 s5, $0x1;
	s5 =	sadd.s32 s21, s3  }
0xa3: {  	[timem:s7], [sflag:s22] =	dma.local [hbm:s5], s20  }
0xa4: {  	_ =	swait.ge [sflag:s22], s20  }
0xa5: {  	s4 =	ssub.s32 $0x0, s20;
	[sflag:s22] =	ssyncset.done $0x0  }
0xa6: {  	[sflag:s22] =	ssyncadd.s32 s4;
	_ =	sdelay $0x1  }
0xa7: {  	s23 =	simm.s32 $0x1B8B  }
0xa8: {  	_ =	swait.ge [sflag:s23], $0x1  }
0xa9: {  	[sflag:s23] =	ssyncset.done $0x0  }
0xaa: {  	s25 =	simm.s32 $0x1B8E;
	s24 =	sld [smem:$0x3FFE];
	[sflag:s23] =	ssyncadd.s32 $0xFFFFFFFF  }
0xab: {  	s26 =	simm.s32 $execute0_lowered;
	[smem:$0x3FD2] =	sst s25  }
0xac: {  	s5 =	sshll.u32 s26, $0x1;
	_ =	strace $0x80000049;
	[dreg:$0x1] =	wrdreg $0xFFFFFFFF  }
0xad: {  	s28 =	simm.s32 $_size_execute0_lowered;
	s3 =	sadd.s32 s3, s5;
	[dreg:$0x0] =	wrdreg $0x0  }
0xae: {  	s5 =	sshll.u32 s28, $0x1;
	[dreg:$0x2] =	wrdreg s3  }
0xaf: {  	[dreg:$0x3] =	wrdreg s5  }
0xb0: {  	[dreg:$0x4] =	wrdreg $0xC0  }
0xb1: {  	_ =	task [dreg:s7], $0x5FFFF  }
0xb2: {  	[dreg:$0x1] =	wrdreg $0xFFFFFFFF  }
0xb3: {  	[dreg:$0x0] =	wrdreg $0x60  }
0xb4: {  	[dreg:$0x2] =	wrdreg s24  }
0xb5: {  	[dreg:$0x3] =	wrdreg s16  }
0xb6: {  	[dreg:$0x4] =	wrdreg $0x40800  }
0xb7: {  	[dreg:$0x5] =	wrdreg $0x9  }
0xb8: {  	_ =	task.clear_ibuf [dreg:s7], $0x6FFFF;
	_ =	strace $0x90000049  }
0xb9: {  	s29 =	simm.s32 $0x9;
	_ =	strace $0x8000004B  }
0xba: {  	_ =	swait.ge [sflag:s29], $0x1  }
0xbb: {  	[sflag:s29] =	ssyncadd.s32 $0xFFFFFFFF  }
0xbc: {  	_ =	strace $0x9000004B  }
0xbd: {  	_ =	sfence  }
0xbe: {  	s30 =	sld [smem:$0x0];
	_ =	sdelay $0x2  }
0xbf: {  	s31 =	sshll.u32 s1, $0xD;
	s1 =	sshrl.u32 s1, $0x2  }
0xc0: {  	s3 =	sand.u32 $0x4000, s31;
	s1 =	sadd.s32 s1, s30  }
0xc1: {  	s0 =	sor.u32 s3, s0;
	s1 =	sshll.u32 s1, $0x11  }
0xc2: {  	s0 =	sor.u32 s1, s0  }
0xc3: {  	s0 =	sadd.s32 $0x8F2B, s0  }
0xc4: {  	[sflag:s0] =	ssyncadd.remote.s32 $0x1  }
0xc5: {  	_ =	sfence.sel $0xFFFF  }
0xc6: {  	[dreg:$0x0] =	wrdreg $0xFFFFFFFF;
	(pc) =	sbr.abs _section_cstart, $3  }
0xc7: {  	[dreg:$0x1] =	wrdreg $0xFFFFFFFF  }
0xc8: {  	_ =	task.clear_ibuf [dreg:s7], $0x2FFFF;
	_ =	strace $0x9FFFFFFF  }
0xc9: {  	(tm) =	ssettm $0x7FFFFFFF  }
tec
execute0_lowered:
.L_overlay_start_1:
0x0: {  	(tag) =	ssettag $0x1  }
0x1: {  	s3 =	rddreg [dreg:$0x0]  }
0x2: {  	s5 =	rddreg [dreg:$0x1]  }
0x3: {  	s1 =	rddreg [dreg:$0x2]  }
0x4: {  	s0 =	rddreg [dreg:$0x3]  }
0x5: {  	s2 =	simm.s32 $0x0;
	s4 =	srdreg.scid;
	s10 =	stileid.u32  }
0x6: {  	[smem:$0x7FF] =	sst s2;
	s7 =	sand.u32 $0x1, s4;
	s11 =	smul.u32 $0x14000, s10  }
0x7: {  	s25 =	sshll.u32 s10, $0x5;
	s12 =	sshll.u32 s10, $0xC;
	s13 =	smul.u32 $0x50000, s10  }
0x8: {  	s4 =	sshll.u32 s10, $0x1;
	p0 =	sne.s32 s10, $0x0;
	s10 =	sshll.u32 s10, $0x6  }
0x9: {  	_ =	strace $0x8000004A;
	s6 =	ssub.s32 $0x2, s7;
	s8 =	smul.u32 $0x140000, s7  }
0xa: {  	s9 =	sadd.s32 s25, s3;
	s12 =	sadd.s32 s12, s3;
	s3 =	sadd.s32 $0x19800, s3  }
0xb: {  	s29 =	sshll.u32 s7, $0xB;
	s30 =	sshll.u32 s7, $0x4;
	s10 =	sor.u32 $0x1C01, s10  }
0xc: {  	s26 =	sshrl.u32 s6, $0x1;
	s28 =	sshrl.u32 s13, $0x2;
	s31 =	sadd.s32 s30, s9  }
0xd: {  	s9 =	sshrl.u32 @!p0 s1, $0x3;
	s6 =	ssub.s32 s6, s26;
	s8 =	sadd.s32 s11, s8  }
0xe: {  	s11 =	sadd.s32 s28, s1;
	s8 =	sshrl.u32 s8, $0x3;
	s6 =	smax.u32 s6, $0x1  }
0xf: {  	s11 =	sshrl.u32 s11, $0x3;
	s5 =	sadd.s32 s5, s8;
	s8 =	sadd.s32 s29, s12  }
0x10: {  	s12 =	simm.s32 $0x1;
	s7 =	sadd.s32 $0x1883800, s8;
	s8 =	sadd.s32 $0x5C00, s31  }
.LBB2_1:
0x11: {  	s13 =	simm.s32 @!p0 $0x1C01  }
0x12: {  	[spmem:s9], [sflag:s13] =	dma.local @!p0 [hbm:s3], $0x28000  }
0x13: {  	s13 =	simm.s32 @!p0 $0x1  }
0x14: {  	_ =	swait.ge @!p0 [sflag:s13], $0x28000  }
0x15: {  	s14 =	sadd.s32 $0x0, s4;
	[sflag:s13] =	ssyncset.done @!p0 $0x0  }
0x16: {  	p1 =	sgt.u32 s14, $0x9C3;
	[sflag:s13] =	ssyncadd.s32 @!p0 $0xFFFD8000  }
0x17: {  	s15 =	simm.s32 @!p1 $0x2;
	s13 =	simm.s32 @!p1 $0x0;
	[bflag:$0x0] =	sbarrier.arrive $0xFFFF  }
0x18: {  	[tilespmem:s13], [sflag:$0x2] =	stream.linear.gather @!p1 [hbm4b:s8+s13], $0x80, $0x38;
	[tilespmem:$0x18080] =	vst v63  }
0x19: {  	_ =	swait.ge @!p1 [sflag:s15], $0x80  }
0x1a: {  	[sflag:s15] =	ssyncset.done @!p1 $0x0;
	p1 =	por p1, p1  }
0x1b: {  	[sflag:s15] =	ssyncadd.s32 @!p1 $0xFFFFFF80;
	s17 =	simm.s32 @!p1 $0x80  }
0x1c: {  	[tilespmem:s17], [sflag:$0x2] =	stream.linear.gather @!p1 [hbm4b:s7+s13], $0x4000, $0x38;
	[tilespmem:$0x18080] =	vst v63  }
0x1d: {  	_ =	swait.ge @!p1 [sflag:s15], $0x4000  }
0x1e: {  	[sflag:s15] =	ssyncset.done @!p1 $0x0  }
0x1f: {  	s31 =	sadd.s32 $0x20, s4;
	s16 =	simm.s32 @!p1 $0x1;
	[sflag:s15] =	ssyncadd.s32 @!p1 $0xFFFFC000  }
0x20: {  	[spmem:s1] =	stream.indirect.scatter.add.f32 @!p1 [tilespmem:s17], [sflag:$0x1], $0x80, s13, s17, $0xb8;
	[tilespmem:$0x18080] =	vst v63  }
0x21: {  	s14 =	simm.s32 $0x40;
	p2 =	sgt.u32 s31, $0x9C3;
	_ =	swait.ge @!p1 [sflag:s16], $0x4000  }
0x22: {  	s15 =	sadd.s32 $0x200, s8;
	s13 =	sadd.s32 $0x10000, s7;
	[sflag:s16] =	ssyncset.done @!p1 $0x0  }
.LBB2_2:
0x23: {  	s17 =	simm.s32 @!p2 $0x0;
	s18 =	simm.s32 @!p2 $0x2;
	[sflag:s16] =	ssyncadd.s32 @!p1 $0xFFFFC000  }
0x24: {  	[tilespmem:s17], [sflag:$0x2] =	stream.linear.gather @!p2 [hbm4b:s15+s17], $0x80, $0x38;
	[tilespmem:$0x18080] =	vst v63  }
0x25: {  	s19 =	smov.u32 s14;
	s14 =	sadd.s32 $0x20, s14;
	_ =	swait.ge @!p2 [sflag:s18], $0x80  }
0x26: {  	p1 =	por p2, p2;
	p3 =	sne.s32 s14, $0x9E0;
	[sflag:s18] =	ssyncset.done @!p2 $0x0  }
0x27: {  	s20 =	simm.s32 @!p1 $0x80;
	[sflag:s18] =	ssyncadd.s32 @!p1 $0xFFFFFF80  }
0x28: {  	[tilespmem:s20], [sflag:$0x2] =	stream.linear.gather @!p1 [hbm4b:s13+s17], $0x4000, $0x38;
	[tilespmem:$0x18080] =	vst v63  }
0x29: {  	_ =	swait.ge @!p1 [sflag:s18], $0x4000  }
.Ltmp0:
0x2a: {  	[sflag:s18] =	ssyncset.done @!p1 $0x0;
	(pc) =	sbr.rel @p3 .LBB2_2-.Ltmp0, $4  }
0x2b: {  	s16 =	simm.s32 @!p1 $0x1;
	[sflag:s18] =	ssyncadd.s32 @!p1 $0xFFFFC000  }
0x2c: {  	[spmem:s1] =	stream.indirect.scatter.add.f32 @!p1 [tilespmem:s20], [sflag:$0x1], $0x80, s17, s20, $0xb8;
	[tilespmem:$0x18080] =	vst v63  }
0x2d: {  	s15 =	sadd.s32 $0x200, s15;
	s17 =	sadd.s32 s19, s4;
	_ =	swait.ge @!p1 [sflag:s16], $0x4000  }
0x2e: {  	s13 =	sadd.s32 $0x10000, s13;
	p2 =	sgt.u32 s17, $0x9C3;
	[sflag:s16] =	ssyncset.done @!p1 $0x0  }
0x2f: {  	s14 =	simm.s32 @!p2 $0x0;
	s17 =	simm.s32 @!p2 $0x2;
	[sflag:s16] =	ssyncadd.s32 @!p1 $0xFFFFC000  }
0x30: {  	[tilespmem:s14], [sflag:$0x2] =	stream.linear.gather @!p2 [hbm4b:s15+s14], $0x80, $0x38;
	[tilespmem:$0x18080] =	vst v63  }
0x31: {  	_ =	swait.ge @!p2 [sflag:s17], $0x80  }
0x32: {  	p1 =	por p2, p2;
	[sflag:s17] =	ssyncset.done @!p2 $0x0  }
0x33: {  	s15 =	simm.s32 @!p1 $0x80;
	[sflag:s17] =	ssyncadd.s32 @!p1 $0xFFFFFF80  }
0x34: {  	[tilespmem:s15], [sflag:$0x2] =	stream.linear.gather @!p1 [hbm4b:s13+s14], $0x4000, $0x38;
	[tilespmem:$0x18080] =	vst v63  }
0x35: {  	_ =	swait.ge @!p1 [sflag:s17], $0x4000  }
0x36: {  	[sflag:s17] =	ssyncset.done @!p1 $0x0  }
0x37: {  	s13 =	simm.s32 @!p1 $0x1;
	[sflag:s17] =	ssyncadd.s32 @!p1 $0xFFFFC000  }
0x38: {  	[spmem:s1] =	stream.indirect.scatter.add.f32 @!p1 [tilespmem:s15], [sflag:$0x1], $0x80, s14, s15, $0xb8;
	[tilespmem:$0x18080] =	vst v63  }
0x39: {  	_ =	swait.ge @!p1 [sflag:s13], $0x4000  }
0x3a: {  	s2 =	sadd.s32 $0x1, s2;
	[sflag:s13] =	ssyncset.done @!p1 $0x0  }
0x3b: {  	[sflag:s13] =	ssyncadd.s32 @!p1 $0xFFFFC000;
	p1 =	sne.s32 s2, s6  }
.Ltmp1:
0x3c: {  	[bflag:$0x0] =	sbarrier.arrive $0xFFFF;
	(pc) =	sbr.rel @p1 .LBB2_1-.Ltmp1, $4  }
0x3d: {  	[hbm:s5], [sflag:s10] =	dma.local [spmem:s11], $0x2800  }
0x3e: {  	_ =	swait.ge [sflag:s12], $0x2800  }
0x3f: {  	[sflag:s12] =	ssyncset.done $0x0  }
0x40: {  	[sflag:s12] =	ssyncadd.s32 $0xFFFFD800  }
0x41: {  	_ =	sfence.sel $0x180000  }
0x42: {  	[bflag:$0x0] =	sbarrier.arrive $0xFFFF  }
0x43: {  	_ =	strace $0x9000004A  }
0x44: {  	s0 =	sadd.s32 @!p0 $0x100000, s0;
	[bflag:$0x2] =	sbarrier.arrive $0xFFFF  }
0x45: {  	[sflag:s0] =	ssyncadd.tile.s32 @!p0 $0x1;
	_ =	shalt  }
.Lfunc_end2:
_tile_overlayer_lowered:
.L_overlay_start_2:
0x46: {  	(tag) =	ssettag $0x2  }
0x47: {  	s0 =	rddreg [dreg:$0x0];
	s2 =	stileid.u32  }
0x48: {  	s1 =	rddreg [dreg:$0x1];
	p0 =	sne.s32 s2, $0x0  }
0x49: {  	s3 =	rddreg [dreg:$0x2];
	[bflag:$0x3] =	sbarrier.arrive $0xFFFF;
	s2 =	simm.s32 @!p0 $0x1C01  }
0x4a: {  	[timem:s3], [sflag:s2] =	dma.local @!p0 [hbm:s0], s1  }
0x4b: {  	s0 =	simm.s32 @!p0 $0x1  }
0x4c: {  	_ =	swait.ge @!p0 [sflag:s0], s1  }
0x4d: {  	s1 =	ssub.s32 @!p0 $0x0, s1;
	[sflag:s0] =	ssyncset.done @!p0 $0x0  }
0x4e: {  	[sflag:s0] =	ssyncadd.s32 @!p0 s1  }
0x4f: {  	[bflag:$0x3] =	sbarrier.arrive $0xFFFF  }
0x50: {  	_ =	shalt  }

// kernel: kernel.15.cloned.1.call-start
scs
__scs_entry_jumppad:
0x0: {  	(pc) =	sbr.rel $0x88, $3  }
0x1: {  	(tag) =	ssettag $0x0;
	lr =	simm.s32 $0x1  }
0x2: {  	[smem:$0x3F8F] =	sst lr;
	_ =	strace $0xD0000000  }
0x3: {  	_ = 	snop  }
0x4: {  	_ = 	snop  }
0x5: {  	_ = 	snop  }
0x6: {  	_ = 	snop  }
0x7: {  	_ = 	snop  }
__scs_overlays_trampoline_lowered:
0x8: {  	[smem:$0x3F9E] =	sst s0  }
0x9: {  	[smem:$0x3F9F] =	sst s1  }
0xa: {  	[smem:$0x3FA0] =	sst s2  }
0xb: {  	[smem:$0x3FA1] =	sst s3  }
0xc: {  	[smem:$0x3FA2] =	sst s4  }
0xd: {  	[smem:$0x3FA3] =	sst s5  }
0xe: {  	[smem:$0x3FA4] =	sst s6  }
0xf: {  	[smem:$0x3FA5] =	sst s7  }
0x10: {  	[smem:$0x3FA6] =	sst s8  }
0x11: {  	[smem:$0x3FA7] =	sst s9;
	s0 =	simm.s32 @!p0 $0x0  }
0x12: {  	s1 =	sld [smem:$0x3F8D];
	s0 =	simm.s32 @p0 $0x1  }
0x13: {  	[smem:$0x3FA8] =	sst s0;
	s0 =	simm.s32 @!p1 $0x0  }
0x14: {  	s2 =	sld [smem:$0x3F8C];
	s0 =	simm.s32 @p1 $0x1  }
0x15: {  	[smem:$0x3FA9] =	sst s0;
	s0 =	simm.s32 @!p2 $0x0  }
0x16: {  	s3 =	sld [smem:$0x3FDB];
	s0 =	simm.s32 @p2 $0x1  }
0x17: {  	s4 =	simm.s32 $0x1BF5;
	[smem:$0x3FAB] =	sst s0  }
0x18: {  	s0 =	sld [smem:$0x3F8E];
	_ =	swait.ge [sflag:s4], $0x0  }
0x19: {  	s7 =	sld [smem:$0x3F8F]  }
0x1a: {  	s8 =	sadd.s32 $0xFFFFE003, lr  }
0x1b: {  	s9 =	sadd.s32 $0xFFFFFEF7, lr;
	s5 =	simm.s32 $0xFFFFFFFF;
	p2 =	slt.u32 s8, $0xFFFFF086  }
0x1c: {  	p1 =	slt.u32 s9, $0xF7A;
	s5 =	simm.s32 @!p2 $0x0  }
0x1d: {  	s5 =	simm.s32 @p1 $0x1;
	p0 =	seq.s32 s7, s2  }
0x1e: {  	s7 =	smul.u32 @!p0 $0xF7A, s2;
	p2 =	seq.s32 @!p0 s5, $0x0  }
0x1f: {  	s9 =	smul.u32 $0xF7A, s1;
	s8 =	simm.s32 @!p0 $0x1BF5;
	p2 =	por !p2, p0  }
0x20: {  	[sflag:s8] =	ssyncset.s32 @!p0 $0xFFFFF086;
	s6 =	sadd.s32 @!p0 s3, s7;
	s7 =	simm.s32 @!p0 $0x108  }
0x21: {  	s3 =	sadd.s32 s3, s9;
	s6 =	sadd.s32 @!p0 $0x88, s6;
	s7 =	simm.s32 @p2 $0x1082  }
0x22: {  	[simem:s7], [sflag:s8] =	dma.local @!p0 [hbm:s6], $0xF7A  }
0x23: {  	s9 =	sor.u32 $0xD0000000, s2;
	s6 =	simm.s32 $0x108;
	_ =	swait.ge @!p0 [sflag:s8], $0x0  }
0x24: {  	s3 =	sadd.s32 $0x88, s3;
	s6 =	simm.s32 @!p1 $0x1082;
	[sflag:s4] =	ssyncset.s32 $0xFFFFF086  }
0x25: {  	[simem:s6], [sflag:s4] =	dma.local [hbm:s3], $0xF7A  }
0x26: {  	[smem:$0x3F8F] =	sst s1;
	(tag) =	ssettag s2;
	_ =	strace s9  }
0x27: {  	s1 =	sld [smem:$0x3F9F]  }
0x28: {  	s2 =	sld [smem:$0x3FA0]  }
0x29: {  	s4 =	sld [smem:$0x3FA2]  }
0x2a: {  	p0 =	seq.s32 s5, $0x0;
	s5 =	sld [smem:$0x3FA3]  }
0x2b: {  	s6 =	sld [smem:$0x3FA4]  }
0x2c: {  	s7 =	sld [smem:$0x3FA5]  }
0x2d: {  	s3 =	simm.s32 $0x108;
	s8 =	sld [smem:$0x3FA6]  }
0x2e: {  	s3 =	simm.s32 @!p0 $0x1082;
	s9 =	sld [smem:$0x3FA7]  }
0x2f: {  	lr =	sadd.s32 s0, s3;
	s0 =	sld [smem:$0x3F9E]  }
0x30: {  	s3 =	sld [smem:$0x3FA1]  }
0x31: {  	[smem:$0x3FAA] =	sst s10  }
0x32: {  	s10 =	sld [smem:$0x3FA8];
	_ =	sdelay $0x3  }
0x33: {  	p0 =	seq.s32 s10, $0x1;
	s10 =	sld [smem:$0x3FAA];
	_ =	sdelay $0x3  }
0x34: {  	[smem:$0x3FAA] =	sst s10  }
0x35: {  	s10 =	sld [smem:$0x3FA9];
	_ =	sdelay $0x3  }
0x36: {  	p1 =	seq.s32 s10, $0x1;
	s10 =	sld [smem:$0x3FAA];
	_ =	sdelay $0x3  }
0x37: {  	[smem:$0x3FAA] =	sst s10  }
0x38: {  	s10 =	sld [smem:$0x3FAB]  }
0x39: {  	_ = 	snop;
	(pc) =	sbr.ind lr, $3  }
0x3a: {  	_ = 	snop  }
0x3b: {  	_ = 	snop  }
0x3c: {  	p2 =	seq.s32 s10, $0x1;
	s10 =	sld [smem:$0x3FAA]  }
0x3d: {  	_ =	shalt  }
0x3e: {  	_ =	shalt  }
0x3f: {  	_ =	shalt  }
0x40: {  	_ =	shalt  }
0x41: {  	_ =	shalt  }
0x42: {  	_ =	shalt  }
0x43: {  	_ =	shalt  }
0x44: {  	_ =	shalt  }
0x45: {  	_ =	shalt  }
0x46: {  	_ =	shalt  }
0x47: {  	_ =	shalt  }
0x48: {  	_ =	shalt  }
0x49: {  	_ =	shalt  }
0x4a: {  	_ =	shalt  }
0x4b: {  	_ =	shalt  }
0x4c: {  	_ =	shalt  }
0x4d: {  	_ =	shalt  }
0x4e: {  	_ =	shalt  }
0x4f: {  	_ =	shalt  }
0x50: {  	_ =	shalt  }
0x51: {  	_ =	shalt  }
0x52: {  	_ =	shalt  }
0x53: {  	_ =	shalt  }
0x54: {  	_ =	shalt  }
0x55: {  	_ =	shalt  }
0x56: {  	_ =	shalt  }
0x57: {  	_ =	shalt  }
0x58: {  	_ =	shalt  }
0x59: {  	_ =	shalt  }
0x5a: {  	_ =	shalt  }
0x5b: {  	_ =	shalt  }
0x5c: {  	_ =	shalt  }
0x5d: {  	_ =	shalt  }
0x5e: {  	_ =	shalt  }
0x5f: {  	_ =	shalt  }
0x60: {  	_ =	shalt  }
0x61: {  	_ =	shalt  }
0x62: {  	_ =	shalt  }
0x63: {  	_ =	shalt  }
0x64: {  	_ =	shalt  }
0x65: {  	_ =	shalt  }
0x66: {  	_ =	shalt  }
0x67: {  	_ =	shalt  }
0x68: {  	_ =	shalt  }
0x69: {  	_ =	shalt  }
0x6a: {  	_ =	shalt  }
0x6b: {  	_ =	shalt  }
0x6c: {  	_ =	shalt  }
0x6d: {  	_ =	shalt  }
0x6e: {  	_ =	shalt  }
0x6f: {  	_ =	shalt  }
0x70: {  	_ =	shalt  }
0x71: {  	_ =	shalt  }
0x72: {  	_ =	shalt  }
0x73: {  	_ =	shalt  }
0x74: {  	_ =	shalt  }
0x75: {  	_ =	shalt  }
0x76: {  	_ =	shalt  }
0x77: {  	_ =	shalt  }
0x78: {  	_ =	shalt  }
0x79: {  	_ =	shalt  }
0x7a: {  	_ =	shalt  }
0x7b: {  	_ =	shalt  }
0x7c: {  	_ =	shalt  }
0x7d: {  	_ =	shalt  }
0x7e: {  	_ =	shalt  }
0x7f: {  	_ =	shalt  }
0x80: {  	_ =	shalt  }
0x81: {  	_ =	shalt  }
0x82: {  	_ =	shalt  }
0x83: {  	_ =	shalt  }
0x84: {  	_ =	shalt  }
0x85: {  	_ =	shalt  }
0x86: {  	_ =	shalt  }
0x87: {  	_ =	shalt  }
.Lfunc_end0:
.L_simem_size_0:
called_computation.2_lowered:
.L_overlay_start_0:
0x88: {  	s2 =	sld [smem:$0x3FD9]  }
0x89: {  	s3 =	sld [smem:$0x3FFE];
	_ =	sdelay $0x1  }
0x8a: {  	s1 =	srdreg.scid  }
0x8b: {  	s0 =	sand.u32 $0x1, s1  }
0x8c: {  	s16 =	sshll.u32 s0, $0xA;
	s2 =	sadd.s32 s3, s2  }
0x8d: {  	s2 =	sadd.s32 s2, s16  }
0x8e: {  	[smem:$0x3FB6] =	sst s2  }
0x8f: {  	_ = 	snop  }
0x90: {  	(tm) =	ssettm $0x1  }
0x91: {  	s17 =	sld [smem:$0x3FFB];
	_ =	sdelay $0x3  }
0x92: {  	_ =	strace s17  }
0x93: {  	s2 =	sld [smem:$0x3FFC];
	_ =	sdelay $0x3  }
0x94: {  	_ =	strace s2  }
0x95: {  	s2 =	sld [smem:$0x3FFD];
	_ =	sdelay $0x3  }
0x96: {  	_ =	strace s2  }
0x97: {  	_ =	strace $0x8FFFFFFF  }
0x98: {  	s18 =	sld [smem:$0x3FDB];
	_ =	sdelay $0x1  }
0x99: {  	s19 =	simm.s32 $_scs_section_size  }
0x9a: {  	s4 =	simm.s32 $_size__tile_overlayer_lowered;
	s5 =	simm.s32 $_tile_overlayer_lowered  }
0x9b: {  	s22 =	simm.s32 $0x1BFF;
	s21 =	sshll.u32 s5, $0x1;
	s2 =	sadd.s32 s19, s18  }
0x9c: {  	s6 =	simm.s32 $0x0;
	s20 =	sshll.u32 s4, $0x1;
	s4 =	sadd.s32 s21, s2  }
0x9d: {  	[timem:s6], [sflag:s22] =	dma.local [hbm:s4], s20  }
0x9e: {  	_ =	swait.ge [sflag:s22], s20  }
0x9f: {  	s3 =	ssub.s32 $0x0, s20;
	[sflag:s22] =	ssyncset.done $0x0  }
0xa0: {  	[sflag:s22] =	ssyncadd.s32 s3;
	_ =	sdelay $0x1  }
0xa1: {  	s23 =	simm.s32 $0x1B8B  }
0xa2: {  	_ =	swait.ge [sflag:s23], $0x1  }
0xa3: {  	[sflag:s23] =	ssyncset.done $0x0  }
0xa4: {  	s25 =	simm.s32 $0x1B8E;
	s24 =	sld [smem:$0x3FFE];
	[sflag:s23] =	ssyncadd.s32 $0xFFFFFFFF  }
0xa5: {  	s26 =	simm.s32 $execute0_lowered;
	[smem:$0x3FD2] =	sst s25  }
0xa6: {  	s4 =	sshll.u32 s26, $0x1;
	_ =	strace $0x8000004C;
	[dreg:$0x1] =	wrdreg $0xFFFFFFFF  }
0xa7: {  	s28 =	simm.s32 $_size_execute0_lowered;
	s2 =	sadd.s32 s2, s4;
	[dreg:$0x0] =	wrdreg $0x0  }
0xa8: {  	s4 =	sshll.u32 s28, $0x1;
	[dreg:$0x2] =	wrdreg s2  }
0xa9: {  	[dreg:$0x3] =	wrdreg s4  }
0xaa: {  	[dreg:$0x4] =	wrdreg $0xC0  }
0xab: {  	_ =	task [dreg:s6], $0x5FFFF  }
0xac: {  	[dreg:$0x1] =	wrdreg $0xFFFFFFFF  }
0xad: {  	[dreg:$0x0] =	wrdreg $0x60  }
0xae: {  	[dreg:$0x2] =	wrdreg s24  }
0xaf: {  	[dreg:$0x3] =	wrdreg $0x9  }
0xb0: {  	_ =	task.clear_ibuf [dreg:s6], $0x4FFFF;
	_ =	strace $0x9000004C  }
0xb1: {  	s29 =	simm.s32 $0x9;
	_ =	strace $0x8000004E  }
0xb2: {  	_ =	swait.ge [sflag:s29], $0x1  }
0xb3: {  	[sflag:s29] =	ssyncadd.s32 $0xFFFFFFFF  }
0xb4: {  	_ =	strace $0x9000004E  }
0xb5: {  	_ =	sfence  }
0xb6: {  	s30 =	sld [smem:$0x0];
	_ =	sdelay $0x2  }
0xb7: {  	s31 =	sshll.u32 s1, $0xD;
	s1 =	sshrl.u32 s1, $0x2  }
0xb8: {  	s3 =	sand.u32 $0x4000, s31;
	s1 =	sadd.s32 s1, s30  }
0xb9: {  	s0 =	sor.u32 s3, s0;
	s1 =	sshll.u32 s1, $0x11  }
0xba: {  	s0 =	sor.u32 s1, s0  }
0xbb: {  	s0 =	sadd.s32 $0x8F2B, s0  }
0xbc: {  	[sflag:s0] =	ssyncadd.remote.s32 $0x1  }
0xbd: {  	_ =	sfence.sel $0xFFFF  }
0xbe: {  	[dreg:$0x0] =	wrdreg $0xFFFFFFFF;
	(pc) =	sbr.abs _section_cstart, $3  }
0xbf: {  	[dreg:$0x1] =	wrdreg $0xFFFFFFFF  }
0xc0: {  	_ =	task.clear_ibuf [dreg:s6], $0x2FFFF;
	_ =	strace $0x9FFFFFFF  }
0xc1: {  	(tm) =	ssettm $0x7FFFFFFF  }
tec
execute0_lowered:
.L_overlay_start_1:
0x0: {  	(tag) =	ssettag $0x1  }
0x1: {  	s4 =	rddreg [dreg:$0x0]  }
0x2: {  	s0 =	rddreg [dreg:$0x1];
	s2 =	simm.s32 $0x0;
	s1 =	stileid.u32  }
0x3: {  	s3 =	srdreg.scid;
	[smem:$0x7FF] =	sst s2  }
0x4: {  	s5 =	sshll.u32 s1, $0x5;
	s6 =	sand.u32 $0x1, s3;
	s7 =	sshll.u32 s1, $0xC  }
0x5: {  	s3 =	sadd.s32 $0x41800, s4;
	_ =	strace $0x8000004D;
	s5 =	sadd.s32 s5, s4  }
0x6: {  	s8 =	ssub.s32 $0x2, s6;
	s7 =	sadd.s32 s7, s4;
	s9 =	sshll.u32 s6, $0xB  }
0x7: {  	s6 =	sshll.u32 s6, $0x4;
	s4 =	sshll.u32 s1, $0x1;
	s30 =	sshrl.u32 s8, $0x1  }
0x8: {  	s7 =	sadd.s32 s9, s7;
	s31 =	sadd.s32 s6, s5;
	s8 =	ssub.s32 s8, s30  }
0x9: {  	s6 =	sadd.s32 $0x69800, s7;
	s7 =	sadd.s32 $0x5C00, s31;
	s5 =	smax.u32 s8, $0x1  }
.LBB2_1:
0xa: {  	s8 =	sadd.s32 $0x0, s4  }
0xb: {  	p0 =	sgt.u32 s8, $0x9C3  }
0xc: {  	s8 =	simm.s32 @!p0 $0x0;
	s9 =	simm.s32 @!p0 $0x3  }
0xd: {  	[tilespmem:s8], [sflag:$0x3] =	stream.linear.gather @!p0 [hbm4b:s7+s8], $0x80, $0x38;
	[tilespmem:$0x4080] =	vst v63  }
0xe: {  	_ =	swait.ge @!p0 [sflag:s9], $0x80  }
0xf: {  	[sflag:s9] =	ssyncset.done @!p0 $0x0;
	p0 =	por p0, p0  }
0x10: {  	[sflag:s9] =	ssyncadd.s32 @!p0 $0xFFFFFF80;
	s10 =	simm.s32 @!p0 $0x80;
	s11 =	simm.s32 @!p0 $0x1  }
0x11: {  	[tilespmem:s10], [sflag:$0x1] =	stream.indirect.gather @!p0 [hbm4b:s3+s10], $0x80, s8, s10, $0xb8;
	[tilespmem:$0x4080] =	vst v63  }
0x12: {  	_ =	swait.ge @!p0 [sflag:s11], $0x4000  }
0x13: {  	[sflag:s11] =	ssyncset.done @!p0 $0x0  }
0x14: {  	s31 =	sadd.s32 $0x20, s4;
	[sflag:s11] =	ssyncadd.s32 @!p0 $0xFFFFC000;
	s11 =	simm.s32 @!p0 $0x2  }
0x15: {  	[hbm4b:s6+s8] =	stream.linear.scatter @!p0 [tilespmem:s10], [sflag:$0x2], $0x4000, $0x38;
	[tilespmem:$0x4080] =	vst v63  }
0x16: {  	p1 =	sgt.u32 s31, $0x9C3;
	s9 =	simm.s32 $0x40;
	_ =	swait.ge @!p0 [sflag:s11], $0x4000  }
0x17: {  	s10 =	sadd.s32 $0x200, s7;
	s8 =	sadd.s32 $0x10000, s6;
	[sflag:s11] =	ssyncset.done @!p0 $0x0  }
.LBB2_2:
0x18: {  	s12 =	simm.s32 @!p1 $0x0;
	s13 =	simm.s32 @!p1 $0x3;
	[sflag:s11] =	ssyncadd.s32 @!p0 $0xFFFFC000  }
0x19: {  	[tilespmem:s12], [sflag:$0x3] =	stream.linear.gather @!p1 [hbm4b:s10+s12], $0x80, $0x38;
	[tilespmem:$0x4080] =	vst v63  }
0x1a: {  	s14 =	smov.u32 s9;
	s9 =	sadd.s32 $0x20, s9;
	_ =	swait.ge @!p1 [sflag:s13], $0x80  }
0x1b: {  	p0 =	por p1, p1;
	p2 =	sne.s32 s9, $0x9E0;
	[sflag:s13] =	ssyncset.done @!p1 $0x0  }
0x1c: {  	s11 =	simm.s32 @!p0 $0x1;
	[sflag:s13] =	ssyncadd.s32 @!p0 $0xFFFFFF80;
	s13 =	simm.s32 @!p0 $0x80  }
0x1d: {  	[tilespmem:s13], [sflag:$0x1] =	stream.indirect.gather @!p0 [hbm4b:s3+s13], $0x80, s12, s13, $0xb8;
	[tilespmem:$0x4080] =	vst v63  }
0x1e: {  	_ =	swait.ge @!p0 [sflag:s11], $0x4000  }
.Ltmp0:
0x1f: {  	[sflag:s11] =	ssyncset.done @!p0 $0x0;
	(pc) =	sbr.rel @p2 .LBB2_2-.Ltmp0, $4  }
0x20: {  	[sflag:s11] =	ssyncadd.s32 @!p0 $0xFFFFC000;
	s11 =	simm.s32 @!p0 $0x2  }
0x21: {  	[hbm4b:s8+s12] =	stream.linear.scatter @!p0 [tilespmem:s13], [sflag:$0x2], $0x4000, $0x38;
	[tilespmem:$0x4080] =	vst v63  }
0x22: {  	s10 =	sadd.s32 $0x200, s10;
	s12 =	sadd.s32 s14, s4;
	_ =	swait.ge @!p0 [sflag:s11], $0x4000  }
0x23: {  	s8 =	sadd.s32 $0x10000, s8;
	p1 =	sgt.u32 s12, $0x9C3;
	[sflag:s11] =	ssyncset.done @!p0 $0x0  }
0x24: {  	s9 =	simm.s32 @!p1 $0x0;
	s12 =	simm.s32 @!p1 $0x3;
	[sflag:s11] =	ssyncadd.s32 @!p0 $0xFFFFC000  }
0x25: {  	[tilespmem:s9], [sflag:$0x3] =	stream.linear.gather @!p1 [hbm4b:s10+s9], $0x80, $0x38;
	[tilespmem:$0x4080] =	vst v63  }
0x26: {  	_ =	swait.ge @!p1 [sflag:s12], $0x80  }
0x27: {  	p0 =	por p1, p1;
	[sflag:s12] =	ssyncset.done @!p1 $0x0  }
0x28: {  	s10 =	simm.s32 @!p0 $0x80;
	s11 =	simm.s32 @!p0 $0x1;
	[sflag:s12] =	ssyncadd.s32 @!p0 $0xFFFFFF80  }
0x29: {  	[tilespmem:s10], [sflag:$0x1] =	stream.indirect.gather @!p0 [hbm4b:s3+s10], $0x80, s9, s10, $0xb8;
	[tilespmem:$0x4080] =	vst v63  }
0x2a: {  	s2 =	sadd.s32 $0x1, s2;
	_ =	swait.ge @!p0 [sflag:s11], $0x4000  }
0x2b: {  	p1 =	sne.s32 s2, s5;
	[sflag:s11] =	ssyncset.done @!p0 $0x0  }
.Ltmp1:
0x2c: {  	[sflag:s11] =	ssyncadd.s32 @!p0 $0xFFFFC000;
	s11 =	simm.s32 @!p0 $0x2;
	(pc) =	sbr.rel @p1 .LBB2_1-.Ltmp1, $4  }
0x2d: {  	[hbm4b:s8+s9] =	stream.linear.scatter @!p0 [tilespmem:s10], [sflag:$0x2], $0x4000, $0x38;
	[tilespmem:$0x4080] =	vst v63  }
0x2e: {  	_ =	swait.ge @!p0 [sflag:s11], $0x4000  }
0x2f: {  	[sflag:s11] =	ssyncset.done @!p0 $0x0  }
0x30: {  	[sflag:s11] =	ssyncadd.s32 @!p0 $0xFFFFC000  }
0x31: {  	_ =	sfence.sel $0x180000  }
0x32: {  	[bflag:$0x0] =	sbarrier.arrive $0xFFFF  }
0x33: {  	p0 =	sne.s32 s1, $0x0;
	_ =	strace $0x9000004D  }
0x34: {  	s0 =	sadd.s32 @!p0 $0x100000, s0;
	[bflag:$0x2] =	sbarrier.arrive $0xFFFF  }
0x35: {  	[sflag:s0] =	ssyncadd.tile.s32 @!p0 $0x1;
	_ =	shalt  }
.Lfunc_end2:
_tile_overlayer_lowered:
.L_overlay_start_2:
0x36: {  	(tag) =	ssettag $0x2  }
0x37: {  	s0 =	rddreg [dreg:$0x0];
	s2 =	stileid.u32  }
0x38: {  	s1 =	rddreg [dreg:$0x1];
	p0 =	sne.s32 s2, $0x0  }
0x39: {  	s3 =	rddreg [dreg:$0x2];
	[bflag:$0x3] =	sbarrier.arrive $0xFFFF;
	s2 =	simm.s32 @!p0 $0x1C02  }
0x3a: {  	[timem:s3], [sflag:s2] =	dma.local @!p0 [hbm:s0], s1  }
0x3b: {  	s0 =	simm.s32 @!p0 $0x2  }
0x3c: {  	_ =	swait.ge @!p0 [sflag:s0], s1  }
0x3d: {  	s1 =	ssub.s32 @!p0 $0x0, s1;
	[sflag:s0] =	ssyncset.done @!p0 $0x0  }
0x3e: {  	[sflag:s0] =	ssyncadd.s32 @!p0 s1  }
0x3f: {  	[bflag:$0x3] =	sbarrier.arrive $0xFFFF  }
0x40: {  	_ =	shalt  }

// kernel: kernel.18.cloned.1.call-start
scs
__scs_entry_jumppad:
0x0: {  	(pc) =	sbr.rel $0x88, $3  }
0x1: {  	(tag) =	ssettag $0x0;
	lr =	simm.s32 $0x1  }
0x2: {  	[smem:$0x3F8F] =	sst lr;
	_ =	strace $0xD0000000  }
0x3: {  	_ = 	snop  }
0x4: {  	_ = 	snop  }
0x5: {  	_ = 	snop  }
0x6: {  	_ = 	snop  }
0x7: {  	_ = 	snop  }
__scs_overlays_trampoline_lowered:
0x8: {  	[smem:$0x3F9E] =	sst s0  }
0x9: {  	[smem:$0x3F9F] =	sst s1  }
0xa: {  	[smem:$0x3FA0] =	sst s2  }
0xb: {  	[smem:$0x3FA1] =	sst s3  }
0xc: {  	[smem:$0x3FA2] =	sst s4  }
0xd: {  	[smem:$0x3FA3] =	sst s5  }
0xe: {  	[smem:$0x3FA4] =	sst s6  }
0xf: {  	[smem:$0x3FA5] =	sst s7  }
0x10: {  	[smem:$0x3FA6] =	sst s8  }
0x11: {  	[smem:$0x3FA7] =	sst s9;
	s0 =	simm.s32 @!p0 $0x0  }
0x12: {  	s1 =	sld [smem:$0x3F8D];
	s0 =	simm.s32 @p0 $0x1  }
0x13: {  	[smem:$0x3FA8] =	sst s0;
	s0 =	simm.s32 @!p1 $0x0  }
0x14: {  	s2 =	sld [smem:$0x3F8C];
	s0 =	simm.s32 @p1 $0x1  }
0x15: {  	[smem:$0x3FA9] =	sst s0;
	s0 =	simm.s32 @!p2 $0x0  }
0x16: {  	s3 =	sld [smem:$0x3FDB];
	s0 =	simm.s32 @p2 $0x1  }
0x17: {  	s4 =	simm.s32 $0x1BF5;
	[smem:$0x3FAB] =	sst s0  }
0x18: {  	s0 =	sld [smem:$0x3F8E];
	_ =	swait.ge [sflag:s4], $0x0  }
0x19: {  	s7 =	sld [smem:$0x3F8F]  }
0x1a: {  	s8 =	sadd.s32 $0xFFFFE003, lr  }
0x1b: {  	s9 =	sadd.s32 $0xFFFFFEF7, lr;
	s5 =	simm.s32 $0xFFFFFFFF;
	p2 =	slt.u32 s8, $0xFFFFF086  }
0x1c: {  	p1 =	slt.u32 s9, $0xF7A;
	s5 =	simm.s32 @!p2 $0x0  }
0x1d: {  	s5 =	simm.s32 @p1 $0x1;
	p0 =	seq.s32 s7, s2  }
0x1e: {  	s7 =	smul.u32 @!p0 $0xF7A, s2;
	p2 =	seq.s32 @!p0 s5, $0x0  }
0x1f: {  	s9 =	smul.u32 $0xF7A, s1;
	s8 =	simm.s32 @!p0 $0x1BF5;
	p2 =	por !p2, p0  }
0x20: {  	[sflag:s8] =	ssyncset.s32 @!p0 $0xFFFFF086;
	s6 =	sadd.s32 @!p0 s3, s7;
	s7 =	simm.s32 @!p0 $0x108  }
0x21: {  	s3 =	sadd.s32 s3, s9;
	s6 =	sadd.s32 @!p0 $0x88, s6;
	s7 =	simm.s32 @p2 $0x1082  }
0x22: {  	[simem:s7], [sflag:s8] =	dma.local @!p0 [hbm:s6], $0xF7A  }
0x23: {  	s9 =	sor.u32 $0xD0000000, s2;
	s6 =	simm.s32 $0x108;
	_ =	swait.ge @!p0 [sflag:s8], $0x0  }
0x24: {  	s3 =	sadd.s32 $0x88, s3;
	s6 =	simm.s32 @!p1 $0x1082;
	[sflag:s4] =	ssyncset.s32 $0xFFFFF086  }
0x25: {  	[simem:s6], [sflag:s4] =	dma.local [hbm:s3], $0xF7A  }
0x26: {  	[smem:$0x3F8F] =	sst s1;
	(tag) =	ssettag s2;
	_ =	strace s9  }
0x27: {  	s1 =	sld [smem:$0x3F9F]  }
0x28: {  	s2 =	sld [smem:$0x3FA0]  }
0x29: {  	s4 =	sld [smem:$0x3FA2]  }
0x2a: {  	p0 =	seq.s32 s5, $0x0;
	s5 =	sld [smem:$0x3FA3]  }
0x2b: {  	s6 =	sld [smem:$0x3FA4]  }
0x2c: {  	s7 =	sld [smem:$0x3FA5]  }
0x2d: {  	s3 =	simm.s32 $0x108;
	s8 =	sld [smem:$0x3FA6]  }
0x2e: {  	s3 =	simm.s32 @!p0 $0x1082;
	s9 =	sld [smem:$0x3FA7]  }
0x2f: {  	lr =	sadd.s32 s0, s3;
	s0 =	sld [smem:$0x3F9E]  }
0x30: {  	s3 =	sld [smem:$0x3FA1]  }
0x31: {  	[smem:$0x3FAA] =	sst s10  }
0x32: {  	s10 =	sld [smem:$0x3FA8];
	_ =	sdelay $0x3  }
0x33: {  	p0 =	seq.s32 s10, $0x1;
	s10 =	sld [smem:$0x3FAA];
	_ =	sdelay $0x3  }
0x34: {  	[smem:$0x3FAA] =	sst s10  }
0x35: {  	s10 =	sld [smem:$0x3FA9];
	_ =	sdelay $0x3  }
0x36: {  	p1 =	seq.s32 s10, $0x1;
	s10 =	sld [smem:$0x3FAA];
	_ =	sdelay $0x3  }
0x37: {  	[smem:$0x3FAA] =	sst s10  }
0x38: {  	s10 =	sld [smem:$0x3FAB]  }
0x39: {  	_ = 	snop;
	(pc) =	sbr.ind lr, $3  }
0x3a: {  	_ = 	snop  }
0x3b: {  	_ = 	snop  }
0x3c: {  	p2 =	seq.s32 s10, $0x1;
	s10 =	sld [smem:$0x3FAA]  }
0x3d: {  	_ =	shalt  }
0x3e: {  	_ =	shalt  }
0x3f: {  	_ =	shalt  }
0x40: {  	_ =	shalt  }
0x41: {  	_ =	shalt  }
0x42: {  	_ =	shalt  }
0x43: {  	_ =	shalt  }
0x44: {  	_ =	shalt  }
0x45: {  	_ =	shalt  }
0x46: {  	_ =	shalt  }
0x47: {  	_ =	shalt  }
0x48: {  	_ =	shalt  }
0x49: {  	_ =	shalt  }
0x4a: {  	_ =	shalt  }
0x4b: {  	_ =	shalt  }
0x4c: {  	_ =	shalt  }
0x4d: {  	_ =	shalt  }
0x4e: {  	_ =	shalt  }
0x4f: {  	_ =	shalt  }
0x50: {  	_ =	shalt  }
0x51: {  	_ =	shalt  }
0x52: {  	_ =	shalt  }
0x53: {  	_ =	shalt  }
0x54: {  	_ =	shalt  }
0x55: {  	_ =	shalt  }
0x56: {  	_ =	shalt  }
0x57: {  	_ =	shalt  }
0x58: {  	_ =	shalt  }
0x59: {  	_ =	shalt  }
0x5a: {  	_ =	shalt  }
0x5b: {  	_ =	shalt  }
0x5c: {  	_ =	shalt  }
0x5d: {  	_ =	shalt  }
0x5e: {  	_ =	shalt  }
0x5f: {  	_ =	shalt  }
0x60: {  	_ =	shalt  }
0x61: {  	_ =	shalt  }
0x62: {  	_ =	shalt  }
0x63: {  	_ =	shalt  }
0x64: {  	_ =	shalt  }
0x65: {  	_ =	shalt  }
0x66: {  	_ =	shalt  }
0x67: {  	_ =	shalt  }
0x68: {  	_ =	shalt  }
0x69: {  	_ =	shalt  }
0x6a: {  	_ =	shalt  }
0x6b: {  	_ =	shalt  }
0x6c: {  	_ =	shalt  }
0x6d: {  	_ =	shalt  }
0x6e: {  	_ =	shalt  }
0x6f: {  	_ =	shalt  }
0x70: {  	_ =	shalt  }
0x71: {  	_ =	shalt  }
0x72: {  	_ =	shalt  }
0x73: {  	_ =	shalt  }
0x74: {  	_ =	shalt  }
0x75: {  	_ =	shalt  }
0x76: {  	_ =	shalt  }
0x77: {  	_ =	shalt  }
0x78: {  	_ =	shalt  }
0x79: {  	_ =	shalt  }
0x7a: {  	_ =	shalt  }
0x7b: {  	_ =	shalt  }
0x7c: {  	_ =	shalt  }
0x7d: {  	_ =	shalt  }
0x7e: {  	_ =	shalt  }
0x7f: {  	_ =	shalt  }
0x80: {  	_ =	shalt  }
0x81: {  	_ =	shalt  }
0x82: {  	_ =	shalt  }
0x83: {  	_ =	shalt  }
0x84: {  	_ =	shalt  }
0x85: {  	_ =	shalt  }
0x86: {  	_ =	shalt  }
0x87: {  	_ =	shalt  }
.Lfunc_end0:
.L_simem_size_0:
called_computation.3_lowered:
.L_overlay_start_0:
0x88: {  	s2 =	sld [smem:$0x3FD9]  }
0x89: {  	s3 =	sld [smem:$0x3FFE];
	_ =	sdelay $0x1  }
0x8a: {  	s1 =	srdreg.scid  }
0x8b: {  	s0 =	sand.u32 $0x1, s1  }
0x8c: {  	s17 =	sshll.u32 s0, $0xA;
	s2 =	sadd.s32 s3, s2  }
0x8d: {  	s2 =	sadd.s32 s2, s17  }
0x8e: {  	[smem:$0x3FB6] =	sst s2  }
0x8f: {  	_ = 	snop  }
0x90: {  	(tm) =	ssettm $0x1  }
0x91: {  	s18 =	sld [smem:$0x3FFB];
	_ =	sdelay $0x3  }
0x92: {  	_ =	strace s18  }
0x93: {  	s2 =	sld [smem:$0x3FFC];
	_ =	sdelay $0x3  }
0x94: {  	_ =	strace s2  }
0x95: {  	s2 =	sld [smem:$0x3FFD];
	_ =	sdelay $0x3  }
0x96: {  	_ =	strace s2  }
0x97: {  	_ =	strace $0x8FFFFFFF  }
0x98: {  	s19 =	sld [smem:$0x3FDB];
	_ =	sdelay $0x1  }
0x99: {  	s20 =	simm.s32 $_scs_section_size  }
0x9a: {  	s4 =	simm.s32 $_size__tile_overlayer_lowered;
	s5 =	simm.s32 $_tile_overlayer_lowered  }
0x9b: {  	s6 =	simm.s32 $0x1BFF;
	s21 =	sshll.u32 s5, $0x1;
	s3 =	sadd.s32 s20, s19  }
0x9c: {  	s22 =	simm.s32 $0x0;
	s4 =	sshll.u32 s4, $0x1;
	s5 =	sadd.s32 s21, s3  }
0x9d: {  	[timem:s22], [sflag:s6] =	dma.local [hbm:s5], s4  }
0x9e: {  	_ =	swait.ge [sflag:s6], s4  }
0x9f: {  	s4 =	ssub.s32 $0x0, s4;
	[sflag:s6] =	ssyncset.done $0x0  }
0xa0: {  	[sflag:s6] =	ssyncadd.s32 s4;
	_ =	sdelay $0x1  }
0xa1: {  	s23 =	simm.s32 $0x1B8B  }
0xa2: {  	_ =	swait.ge [sflag:s23], $0x1  }
0xa3: {  	[sflag:s23] =	ssyncset.done $0x0  }
0xa4: {  	[sflag:s23] =	ssyncadd.s32 $0xFFFFFFFF  }
0xa5: {  	s4 =	sld [smem:$0x0]  }
0xa6: {  	s5 =	sand.u32 $0xFFFFFFFE, s1  }
0xa7: {  	p0 =	sne.s32 s1, s5  }
0xa8: {  	s5 =	sshll.u32 @p0 s5, $0xE  }
0xa9: {  	s5 =	sadd.s32 @p0 $0x11B8D, s5;
	s6 =	sshll.u32 @p0 s4, $0x11  }
0xaa: {  	s5 =	sor.u32 @p0 s6, s5  }
0xab: {  	[sflag:s5] =	ssyncadd.remote.s32 @p0 $0x1;
	_ =	sdelay $0x1  }
0xac: {  	s5 =	simm.s32 @p0 $0x1B8D  }
0xad: {  	_ =	swait.eq @p0 [sflag:s5], $0x1  }
0xae: {  	[sflag:s5] =	ssyncadd.s32 @p0 $0xFFFFFFFF  }
0xaf: {  	s6 =	sshll.u32 @!p0 s1, $0xE  }
0xb0: {  	s6 =	sor.u32 @!p0 $0x4000, s6;
	s5 =	simm.s32 @!p0 $0x1B8D  }
0xb1: {  	s4 =	sshll.u32 @!p0 s4, $0x11;
	s6 =	sadd.s32 @!p0 $0x11B8D, s6;
	_ =	swait.eq @!p0 [sflag:s5], $0x1  }
0xb2: {  	s4 =	sor.u32 @!p0 s4, s6;
	[sflag:s5] =	ssyncadd.s32 @!p0 $0xFFFFFFFF  }
0xb3: {  	s25 =	simm.s32 $0x1B8E;
	s24 =	sld [smem:$0x3FFE];
	[sflag:s4] =	ssyncadd.remote.s32 @!p0 $0x1  }
0xb4: {  	s26 =	simm.s32 $execute0_lowered;
	[smem:$0x3FD2] =	sst s25  }
0xb5: {  	s5 =	sshll.u32 s26, $0x1;
	_ =	strace $0x80000052;
	[dreg:$0x1] =	wrdreg $0xFFFFFFFF  }
0xb6: {  	s28 =	simm.s32 $_size_execute0_lowered;
	s3 =	sadd.s32 s3, s5;
	[dreg:$0x0] =	wrdreg $0x0  }
0xb7: {  	s5 =	sshll.u32 s28, $0x1;
	[dreg:$0x2] =	wrdreg s3  }
0xb8: {  	[dreg:$0x3] =	wrdreg s5  }
0xb9: {  	[dreg:$0x4] =	wrdreg $0xC0  }
0xba: {  	_ =	task [dreg:s22], $0x5FFFF  }
0xbb: {  	[dreg:$0x1] =	wrdreg $0xFFFFFFFF  }
0xbc: {  	[dreg:$0x0] =	wrdreg $0x60  }
0xbd: {  	[dreg:$0x2] =	wrdreg s24  }
0xbe: {  	[dreg:$0x3] =	wrdreg $0x40800  }
0xbf: {  	[dreg:$0x4] =	wrdreg $0x9  }
0xc0: {  	_ =	task.clear_ibuf [dreg:s22], $0x5FFFF;
	_ =	strace $0x90000052  }
0xc1: {  	s29 =	simm.s32 $0x9;
	_ =	strace $0x80000054  }
0xc2: {  	_ =	swait.ge [sflag:s29], $0x1  }
0xc3: {  	[sflag:s29] =	ssyncadd.s32 $0xFFFFFFFF  }
0xc4: {  	_ =	strace $0x90000054  }
0xc5: {  	_ =	sfence  }
0xc6: {  	s30 =	sld [smem:$0x0];
	_ =	sdelay $0x2  }
0xc7: {  	s31 =	sshll.u32 s1, $0xD;
	s1 =	sshrl.u32 s1, $0x2  }
0xc8: {  	s4 =	sand.u32 $0x4000, s31;
	s1 =	sadd.s32 s1, s30  }
0xc9: {  	s0 =	sor.u32 s4, s0;
	s1 =	sshll.u32 s1, $0x11  }
0xca: {  	s0 =	sor.u32 s1, s0  }
0xcb: {  	s0 =	sadd.s32 $0x8F2B, s0  }
0xcc: {  	[sflag:s0] =	ssyncadd.remote.s32 $0x1  }
0xcd: {  	_ =	sfence.sel $0xFFFF  }
0xce: {  	[dreg:$0x0] =	wrdreg $0xFFFFFFFF;
	(pc) =	sbr.abs _section_cstart, $3  }
0xcf: {  	[dreg:$0x1] =	wrdreg $0xFFFFFFFF  }
0xd0: {  	_ =	task.clear_ibuf [dreg:s22], $0x2FFFF;
	_ =	strace $0x9FFFFFFF  }
0xd1: {  	(tm) =	ssettm $0x7FFFFFFF  }
tec
execute0_lowered:
.L_overlay_start_1:
0x0: {  	(tag) =	ssettag $0x1  }
0x1: {  	s4 =	rddreg [dreg:$0x0]  }
0x2: {  	s1 =	rddreg [dreg:$0x1]  }
0x3: {  	s2 =	srdreg.scid;
	s10 =	stileid.u32  }
0x4: {  	s0 =	rddreg [dreg:$0x2];
	s7 =	sand.u32 $0x1, s2;
	s5 =	smul.u32 $0x14000, s10  }
0x5: {  	s2 =	simm.s32 $0x0;
	s6 =	sshll.u32 s10, $0x5;
	s11 =	smul.u32 $0x50000, s10  }
0x6: {  	s8 =	sshll.u32 s10, $0xC;
	p0 =	sne.s32 s10, $0x0;
	s3 =	smul.u32 $0x140000, s7  }
0x7: {  	[smem:$0x7FF] =	sst s2;
	s9 =	sadd.s32 s6, s4;
	s8 =	sadd.s32 s8, s4  }
0x8: {  	s28 =	ssub.s32 $0x2, s7;
	s12 =	sshll.u32 s7, $0xB;
	s30 =	sshll.u32 s7, $0x4  }
0x9: {  	_ =	strace $0x80000053;
	s29 =	sshrl.u32 s28, $0x1;
	s11 =	sshrl.u32 s11, $0x2  }
0xa: {  	s8 =	sadd.s32 s12, s8;
	s31 =	sadd.s32 s30, s9;
	s9 =	sshrl.u32 @!p0 s1, $0x3  }
0xb: {  	s12 =	simm.s32 $0x1;
	s3 =	sadd.s32 s5, s3;
	s6 =	ssub.s32 s28, s29  }
0xc: {  	s11 =	sadd.s32 s11, s1;
	s7 =	sadd.s32 $0x30ED800, s8;
	s8 =	sadd.s32 $0xFA00, s31  }
0xd: {  	s5 =	sshrl.u32 s3, $0x3;
	s3 =	sadd.s32 $0x19800, s4;
	s6 =	smax.u32 s6, $0x1  }
0xe: {  	s5 =	sadd.s32 s5, s4;
	s4 =	sshll.u32 s10, $0x1;
	s10 =	sshll.u32 s10, $0x6  }
0xf: {  	s11 =	sshrl.u32 s11, $0x3;
	s5 =	sadd.s32 $0x91800, s5;
	s10 =	sor.u32 $0x1C01, s10  }
.LBB2_1:
0x10: {  	s13 =	simm.s32 @!p0 $0x1C01  }
0x11: {  	[spmem:s9], [sflag:s13] =	dma.local @!p0 [hbm:s3], $0x28000  }
0x12: {  	s13 =	simm.s32 @!p0 $0x1  }
0x13: {  	_ =	swait.ge @!p0 [sflag:s13], $0x28000  }
0x14: {  	s14 =	sadd.s32 $0x0, s4;
	[sflag:s13] =	ssyncset.done @!p0 $0x0  }
0x15: {  	p1 =	sgt.u32 s14, $0x9C3;
	[sflag:s13] =	ssyncadd.s32 @!p0 $0xFFFD8000  }
0x16: {  	s15 =	simm.s32 @!p1 $0x2;
	s13 =	simm.s32 @!p1 $0x0;
	[bflag:$0x0] =	sbarrier.arrive $0xFFFF  }
0x17: {  	[tilespmem:s13], [sflag:$0x2] =	stream.linear.gather @!p1 [hbm4b:s8+s13], $0x80, $0x38;
	[tilespmem:$0x18080] =	vst v63  }
0x18: {  	_ =	swait.ge @!p1 [sflag:s15], $0x80  }
0x19: {  	[sflag:s15] =	ssyncset.done @!p1 $0x0;
	p1 =	por p1, p1  }
0x1a: {  	[sflag:s15] =	ssyncadd.s32 @!p1 $0xFFFFFF80;
	s17 =	simm.s32 @!p1 $0x80  }
0x1b: {  	[tilespmem:s17], [sflag:$0x2] =	stream.linear.gather @!p1 [hbm4b:s7+s13], $0x4000, $0x38;
	[tilespmem:$0x18080] =	vst v63  }
0x1c: {  	_ =	swait.ge @!p1 [sflag:s15], $0x4000  }
0x1d: {  	[sflag:s15] =	ssyncset.done @!p1 $0x0  }
0x1e: {  	s31 =	sadd.s32 $0x20, s4;
	s16 =	simm.s32 @!p1 $0x1;
	[sflag:s15] =	ssyncadd.s32 @!p1 $0xFFFFC000  }
0x1f: {  	[spmem:s1] =	stream.indirect.scatter.add.f32 @!p1 [tilespmem:s17], [sflag:$0x1], $0x80, s13, s17, $0xb8;
	[tilespmem:$0x18080] =	vst v63  }
0x20: {  	s14 =	simm.s32 $0x40;
	p2 =	sgt.u32 s31, $0x9C3;
	_ =	swait.ge @!p1 [sflag:s16], $0x4000  }
0x21: {  	s15 =	sadd.s32 $0x200, s8;
	s13 =	sadd.s32 $0x10000, s7;
	[sflag:s16] =	ssyncset.done @!p1 $0x0  }
.LBB2_2:
0x22: {  	s17 =	simm.s32 @!p2 $0x0;
	s18 =	simm.s32 @!p2 $0x2;
	[sflag:s16] =	ssyncadd.s32 @!p1 $0xFFFFC000  }
0x23: {  	[tilespmem:s17], [sflag:$0x2] =	stream.linear.gather @!p2 [hbm4b:s15+s17], $0x80, $0x38;
	[tilespmem:$0x18080] =	vst v63  }
0x24: {  	s19 =	smov.u32 s14;
	s14 =	sadd.s32 $0x20, s14;
	_ =	swait.ge @!p2 [sflag:s18], $0x80  }
0x25: {  	p1 =	por p2, p2;
	p3 =	sne.s32 s14, $0x9E0;
	[sflag:s18] =	ssyncset.done @!p2 $0x0  }
0x26: {  	s20 =	simm.s32 @!p1 $0x80;
	[sflag:s18] =	ssyncadd.s32 @!p1 $0xFFFFFF80  }
0x27: {  	[tilespmem:s20], [sflag:$0x2] =	stream.linear.gather @!p1 [hbm4b:s13+s17], $0x4000, $0x38;
	[tilespmem:$0x18080] =	vst v63  }
0x28: {  	_ =	swait.ge @!p1 [sflag:s18], $0x4000  }
.Ltmp0:
0x29: {  	[sflag:s18] =	ssyncset.done @!p1 $0x0;
	(pc) =	sbr.rel @p3 .LBB2_2-.Ltmp0, $4  }
0x2a: {  	s16 =	simm.s32 @!p1 $0x1;
	[sflag:s18] =	ssyncadd.s32 @!p1 $0xFFFFC000  }
0x2b: {  	[spmem:s1] =	stream.indirect.scatter.add.f32 @!p1 [tilespmem:s20], [sflag:$0x1], $0x80, s17, s20, $0xb8;
	[tilespmem:$0x18080] =	vst v63  }
0x2c: {  	s15 =	sadd.s32 $0x200, s15;
	s17 =	sadd.s32 s19, s4;
	_ =	swait.ge @!p1 [sflag:s16], $0x4000  }
0x2d: {  	s13 =	sadd.s32 $0x10000, s13;
	p2 =	sgt.u32 s17, $0x9C3;
	[sflag:s16] =	ssyncset.done @!p1 $0x0  }
0x2e: {  	s14 =	simm.s32 @!p2 $0x0;
	s17 =	simm.s32 @!p2 $0x2;
	[sflag:s16] =	ssyncadd.s32 @!p1 $0xFFFFC000  }
0x2f: {  	[tilespmem:s14], [sflag:$0x2] =	stream.linear.gather @!p2 [hbm4b:s15+s14], $0x80, $0x38;
	[tilespmem:$0x18080] =	vst v63  }
0x30: {  	_ =	swait.ge @!p2 [sflag:s17], $0x80  }
0x31: {  	p1 =	por p2, p2;
	[sflag:s17] =	ssyncset.done @!p2 $0x0  }
0x32: {  	s15 =	simm.s32 @!p1 $0x80;
	[sflag:s17] =	ssyncadd.s32 @!p1 $0xFFFFFF80  }
0x33: {  	[tilespmem:s15], [sflag:$0x2] =	stream.linear.gather @!p1 [hbm4b:s13+s14], $0x4000, $0x38;
	[tilespmem:$0x18080] =	vst v63  }
0x34: {  	_ =	swait.ge @!p1 [sflag:s17], $0x4000  }
0x35: {  	[sflag:s17] =	ssyncset.done @!p1 $0x0  }
0x36: {  	s13 =	simm.s32 @!p1 $0x1;
	[sflag:s17] =	ssyncadd.s32 @!p1 $0xFFFFC000  }
0x37: {  	[spmem:s1] =	stream.indirect.scatter.add.f32 @!p1 [tilespmem:s15], [sflag:$0x1], $0x80, s14, s15, $0xb8;
	[tilespmem:$0x18080] =	vst v63  }
0x38: {  	_ =	swait.ge @!p1 [sflag:s13], $0x4000  }
0x39: {  	s2 =	sadd.s32 $0x1, s2;
	[sflag:s13] =	ssyncset.done @!p1 $0x0  }
0x3a: {  	[sflag:s13] =	ssyncadd.s32 @!p1 $0xFFFFC000;
	p1 =	sne.s32 s2, s6  }
.Ltmp1:
0x3b: {  	[bflag:$0x0] =	sbarrier.arrive $0xFFFF;
	(pc) =	sbr.rel @p1 .LBB2_1-.Ltmp1, $4  }
0x3c: {  	[hbm:s5], [sflag:s10] =	dma.local [spmem:s11], $0x2800  }
0x3d: {  	_ =	swait.ge [sflag:s12], $0x2800  }
0x3e: {  	[sflag:s12] =	ssyncset.done $0x0  }
0x3f: {  	[sflag:s12] =	ssyncadd.s32 $0xFFFFD800  }
0x40: {  	_ =	sfence.sel $0x180000  }
0x41: {  	[bflag:$0x0] =	sbarrier.arrive $0xFFFF  }
0x42: {  	_ =	strace $0x90000053  }
0x43: {  	s0 =	sadd.s32 @!p0 $0x100000, s0;
	[bflag:$0x2] =	sbarrier.arrive $0xFFFF  }
0x44: {  	[sflag:s0] =	ssyncadd.tile.s32 @!p0 $0x1;
	_ =	shalt  }
.Lfunc_end2:
_tile_overlayer_lowered:
.L_overlay_start_2:
0x45: {  	(tag) =	ssettag $0x2  }
0x46: {  	s0 =	rddreg [dreg:$0x0];
	s2 =	stileid.u32  }
0x47: {  	s1 =	rddreg [dreg:$0x1];
	p0 =	sne.s32 s2, $0x0  }
0x48: {  	s3 =	rddreg [dreg:$0x2];
	[bflag:$0x3] =	sbarrier.arrive $0xFFFF;
	s2 =	simm.s32 @!p0 $0x1C01  }
0x49: {  	[timem:s3], [sflag:s2] =	dma.local @!p0 [hbm:s0], s1  }
0x4a: {  	s0 =	simm.s32 @!p0 $0x1  }
0x4b: {  	_ =	swait.ge @!p0 [sflag:s0], s1  }
0x4c: {  	s1 =	ssub.s32 @!p0 $0x0, s1;
	[sflag:s0] =	ssyncset.done @!p0 $0x0  }
0x4d: {  	[sflag:s0] =	ssyncadd.s32 @!p0 s1  }
0x4e: {  	[bflag:$0x3] =	sbarrier.arrive $0xFFFF  }
0x4f: {  	_ =	shalt  }

// kernel: kernel.21.cloned.1.call-start
scs
__scs_entry_jumppad:
0x0: {  	(pc) =	sbr.rel $0x88, $3  }
0x1: {  	(tag) =	ssettag $0x0;
	lr =	simm.s32 $0x1  }
0x2: {  	[smem:$0x3F8F] =	sst lr;
	_ =	strace $0xD0000000  }
0x3: {  	_ = 	snop  }
0x4: {  	_ = 	snop  }
0x5: {  	_ = 	snop  }
0x6: {  	_ = 	snop  }
0x7: {  	_ = 	snop  }
__scs_overlays_trampoline_lowered:
0x8: {  	[smem:$0x3F9E] =	sst s0  }
0x9: {  	[smem:$0x3F9F] =	sst s1  }
0xa: {  	[smem:$0x3FA0] =	sst s2  }
0xb: {  	[smem:$0x3FA1] =	sst s3  }
0xc: {  	[smem:$0x3FA2] =	sst s4  }
0xd: {  	[smem:$0x3FA3] =	sst s5  }
0xe: {  	[smem:$0x3FA4] =	sst s6  }
0xf: {  	[smem:$0x3FA5] =	sst s7  }
0x10: {  	[smem:$0x3FA6] =	sst s8  }
0x11: {  	[smem:$0x3FA7] =	sst s9;
	s0 =	simm.s32 @!p0 $0x0  }
0x12: {  	s1 =	sld [smem:$0x3F8D];
	s0 =	simm.s32 @p0 $0x1  }
0x13: {  	[smem:$0x3FA8] =	sst s0;
	s0 =	simm.s32 @!p1 $0x0  }
0x14: {  	s2 =	sld [smem:$0x3F8C];
	s0 =	simm.s32 @p1 $0x1  }
0x15: {  	[smem:$0x3FA9] =	sst s0;
	s0 =	simm.s32 @!p2 $0x0  }
0x16: {  	s3 =	sld [smem:$0x3FDB];
	s0 =	simm.s32 @p2 $0x1  }
0x17: {  	s4 =	simm.s32 $0x1BF5;
	[smem:$0x3FAB] =	sst s0  }
0x18: {  	s0 =	sld [smem:$0x3F8E];
	_ =	swait.ge [sflag:s4], $0x0  }
0x19: {  	s7 =	sld [smem:$0x3F8F]  }
0x1a: {  	s8 =	sadd.s32 $0xFFFFE003, lr  }
0x1b: {  	s9 =	sadd.s32 $0xFFFFFEF7, lr;
	s5 =	simm.s32 $0xFFFFFFFF;
	p2 =	slt.u32 s8, $0xFFFFF086  }
0x1c: {  	p1 =	slt.u32 s9, $0xF7A;
	s5 =	simm.s32 @!p2 $0x0  }
0x1d: {  	s5 =	simm.s32 @p1 $0x1;
	p0 =	seq.s32 s7, s2  }
0x1e: {  	s7 =	smul.u32 @!p0 $0xF7A, s2;
	p2 =	seq.s32 @!p0 s5, $0x0  }
0x1f: {  	s9 =	smul.u32 $0xF7A, s1;
	s8 =	simm.s32 @!p0 $0x1BF5;
	p2 =	por !p2, p0  }
0x20: {  	[sflag:s8] =	ssyncset.s32 @!p0 $0xFFFFF086;
	s6 =	sadd.s32 @!p0 s3, s7;
	s7 =	simm.s32 @!p0 $0x108  }
0x21: {  	s3 =	sadd.s32 s3, s9;
	s6 =	sadd.s32 @!p0 $0x88, s6;
	s7 =	simm.s32 @p2 $0x1082  }
0x22: {  	[simem:s7], [sflag:s8] =	dma.local @!p0 [hbm:s6], $0xF7A  }
0x23: {  	s9 =	sor.u32 $0xD0000000, s2;
	s6 =	simm.s32 $0x108;
	_ =	swait.ge @!p0 [sflag:s8], $0x0  }
0x24: {  	s3 =	sadd.s32 $0x88, s3;
	s6 =	simm.s32 @!p1 $0x1082;
	[sflag:s4] =	ssyncset.s32 $0xFFFFF086  }
0x25: {  	[simem:s6], [sflag:s4] =	dma.local [hbm:s3], $0xF7A  }
0x26: {  	[smem:$0x3F8F] =	sst s1;
	(tag) =	ssettag s2;
	_ =	strace s9  }
0x27: {  	s1 =	sld [smem:$0x3F9F]  }
0x28: {  	s2 =	sld [smem:$0x3FA0]  }
0x29: {  	s4 =	sld [smem:$0x3FA2]  }
0x2a: {  	p0 =	seq.s32 s5, $0x0;
	s5 =	sld [smem:$0x3FA3]  }
0x2b: {  	s6 =	sld [smem:$0x3FA4]  }
0x2c: {  	s7 =	sld [smem:$0x3FA5]  }
0x2d: {  	s3 =	simm.s32 $0x108;
	s8 =	sld [smem:$0x3FA6]  }
0x2e: {  	s3 =	simm.s32 @!p0 $0x1082;
	s9 =	sld [smem:$0x3FA7]  }
0x2f: {  	lr =	sadd.s32 s0, s3;
	s0 =	sld [smem:$0x3F9E]  }
0x30: {  	s3 =	sld [smem:$0x3FA1]  }
0x31: {  	[smem:$0x3FAA] =	sst s10  }
0x32: {  	s10 =	sld [smem:$0x3FA8];
	_ =	sdelay $0x3  }
0x33: {  	p0 =	seq.s32 s10, $0x1;
	s10 =	sld [smem:$0x3FAA];
	_ =	sdelay $0x3  }
0x34: {  	[smem:$0x3FAA] =	sst s10  }
0x35: {  	s10 =	sld [smem:$0x3FA9];
	_ =	sdelay $0x3  }
0x36: {  	p1 =	seq.s32 s10, $0x1;
	s10 =	sld [smem:$0x3FAA];
	_ =	sdelay $0x3  }
0x37: {  	[smem:$0x3FAA] =	sst s10  }
0x38: {  	s10 =	sld [smem:$0x3FAB]  }
0x39: {  	_ = 	snop;
	(pc) =	sbr.ind lr, $3  }
0x3a: {  	_ = 	snop  }
0x3b: {  	_ = 	snop  }
0x3c: {  	p2 =	seq.s32 s10, $0x1;
	s10 =	sld [smem:$0x3FAA]  }
0x3d: {  	_ =	shalt  }
0x3e: {  	_ =	shalt  }
0x3f: {  	_ =	shalt  }
0x40: {  	_ =	shalt  }
0x41: {  	_ =	shalt  }
0x42: {  	_ =	shalt  }
0x43: {  	_ =	shalt  }
0x44: {  	_ =	shalt  }
0x45: {  	_ =	shalt  }
0x46: {  	_ =	shalt  }
0x47: {  	_ =	shalt  }
0x48: {  	_ =	shalt  }
0x49: {  	_ =	shalt  }
0x4a: {  	_ =	shalt  }
0x4b: {  	_ =	shalt  }
0x4c: {  	_ =	shalt  }
0x4d: {  	_ =	shalt  }
0x4e: {  	_ =	shalt  }
0x4f: {  	_ =	shalt  }
0x50: {  	_ =	shalt  }
0x51: {  	_ =	shalt  }
0x52: {  	_ =	shalt  }
0x53: {  	_ =	shalt  }
0x54: {  	_ =	shalt  }
0x55: {  	_ =	shalt  }
0x56: {  	_ =	shalt  }
0x57: {  	_ =	shalt  }
0x58: {  	_ =	shalt  }
0x59: {  	_ =	shalt  }
0x5a: {  	_ =	shalt  }
0x5b: {  	_ =	shalt  }
0x5c: {  	_ =	shalt  }
0x5d: {  	_ =	shalt  }
0x5e: {  	_ =	shalt  }
0x5f: {  	_ =	shalt  }
0x60: {  	_ =	shalt  }
0x61: {  	_ =	shalt  }
0x62: {  	_ =	shalt  }
0x63: {  	_ =	shalt  }
0x64: {  	_ =	shalt  }
0x65: {  	_ =	shalt  }
0x66: {  	_ =	shalt  }
0x67: {  	_ =	shalt  }
0x68: {  	_ =	shalt  }
0x69: {  	_ =	shalt  }
0x6a: {  	_ =	shalt  }
0x6b: {  	_ =	shalt  }
0x6c: {  	_ =	shalt  }
0x6d: {  	_ =	shalt  }
0x6e: {  	_ =	shalt  }
0x6f: {  	_ =	shalt  }
0x70: {  	_ =	shalt  }
0x71: {  	_ =	shalt  }
0x72: {  	_ =	shalt  }
0x73: {  	_ =	shalt  }
0x74: {  	_ =	shalt  }
0x75: {  	_ =	shalt  }
0x76: {  	_ =	shalt  }
0x77: {  	_ =	shalt  }
0x78: {  	_ =	shalt  }
0x79: {  	_ =	shalt  }
0x7a: {  	_ =	shalt  }
0x7b: {  	_ =	shalt  }
0x7c: {  	_ =	shalt  }
0x7d: {  	_ =	shalt  }
0x7e: {  	_ =	shalt  }
0x7f: {  	_ =	shalt  }
0x80: {  	_ =	shalt  }
0x81: {  	_ =	shalt  }
0x82: {  	_ =	shalt  }
0x83: {  	_ =	shalt  }
0x84: {  	_ =	shalt  }
0x85: {  	_ =	shalt  }
0x86: {  	_ =	shalt  }
0x87: {  	_ =	shalt  }
.Lfunc_end0:
.L_simem_size_0:
called_computation.4_lowered:
.L_overlay_start_0:
0x88: {  	s2 =	sld [smem:$0x3FD9]  }
0x89: {  	s3 =	sld [smem:$0x3FFE];
	_ =	sdelay $0x1  }
0x8a: {  	s1 =	srdreg.scid  }
0x8b: {  	s0 =	sand.u32 $0x1, s1  }
0x8c: {  	s16 =	sshll.u32 s0, $0xA;
	s2 =	sadd.s32 s3, s2  }
0x8d: {  	s2 =	sadd.s32 s2, s16  }
0x8e: {  	[smem:$0x3FB6] =	sst s2  }
0x8f: {  	_ = 	snop  }
0x90: {  	(tm) =	ssettm $0x1  }
0x91: {  	s17 =	sld [smem:$0x3FFB];
	_ =	sdelay $0x3  }
0x92: {  	_ =	strace s17  }
0x93: {  	s2 =	sld [smem:$0x3FFC];
	_ =	sdelay $0x3  }
0x94: {  	_ =	strace s2  }
0x95: {  	s2 =	sld [smem:$0x3FFD];
	_ =	sdelay $0x3  }
0x96: {  	_ =	strace s2  }
0x97: {  	_ =	strace $0x8FFFFFFF  }
0x98: {  	s18 =	sld [smem:$0x3FDB];
	_ =	sdelay $0x1  }
0x99: {  	s19 =	simm.s32 $_scs_section_size  }
0x9a: {  	s4 =	simm.s32 $_size__tile_overlayer_lowered;
	s5 =	simm.s32 $_tile_overlayer_lowered  }
0x9b: {  	s22 =	simm.s32 $0x1BFF;
	s21 =	sshll.u32 s5, $0x1;
	s2 =	sadd.s32 s19, s18  }
0x9c: {  	s6 =	simm.s32 $0x0;
	s20 =	sshll.u32 s4, $0x1;
	s4 =	sadd.s32 s21, s2  }
0x9d: {  	[timem:s6], [sflag:s22] =	dma.local [hbm:s4], s20  }
0x9e: {  	_ =	swait.ge [sflag:s22], s20  }
0x9f: {  	s3 =	ssub.s32 $0x0, s20;
	[sflag:s22] =	ssyncset.done $0x0  }
0xa0: {  	[sflag:s22] =	ssyncadd.s32 s3;
	_ =	sdelay $0x1  }
0xa1: {  	s23 =	simm.s32 $0x1B8B  }
0xa2: {  	_ =	swait.ge [sflag:s23], $0x1  }
0xa3: {  	[sflag:s23] =	ssyncset.done $0x0  }
0xa4: {  	s25 =	simm.s32 $0x1B8E;
	s24 =	sld [smem:$0x3FFE];
	[sflag:s23] =	ssyncadd.s32 $0xFFFFFFFF  }
0xa5: {  	s26 =	simm.s32 $execute0_lowered;
	[smem:$0x3FD2] =	sst s25  }
0xa6: {  	s4 =	sshll.u32 s26, $0x1;
	_ =	strace $0x8000004F;
	[dreg:$0x1] =	wrdreg $0xFFFFFFFF  }
0xa7: {  	s28 =	simm.s32 $_size_execute0_lowered;
	s2 =	sadd.s32 s2, s4;
	[dreg:$0x0] =	wrdreg $0x0  }
0xa8: {  	s4 =	sshll.u32 s28, $0x1;
	[dreg:$0x2] =	wrdreg s2  }
0xa9: {  	[dreg:$0x3] =	wrdreg s4  }
0xaa: {  	[dreg:$0x4] =	wrdreg $0xC0  }
0xab: {  	_ =	task [dreg:s6], $0x5FFFF  }
0xac: {  	[dreg:$0x1] =	wrdreg $0xFFFFFFFF  }
0xad: {  	[dreg:$0x0] =	wrdreg $0x60  }
0xae: {  	[dreg:$0x2] =	wrdreg s24  }
0xaf: {  	[dreg:$0x3] =	wrdreg $0x40800  }
0xb0: {  	[dreg:$0x4] =	wrdreg $0xA  }
0xb1: {  	_ =	task.clear_ibuf [dreg:s6], $0x5FFFF;
	_ =	strace $0x9000004F  }
0xb2: {  	s29 =	simm.s32 $0xA;
	_ =	strace $0x80000051  }
0xb3: {  	_ =	swait.ge [sflag:s29], $0x1  }
0xb4: {  	[sflag:s29] =	ssyncadd.s32 $0xFFFFFFFF  }
0xb5: {  	_ =	strace $0x90000051  }
0xb6: {  	_ =	sfence  }
0xb7: {  	s30 =	sld [smem:$0x0];
	_ =	sdelay $0x2  }
0xb8: {  	s31 =	sshll.u32 s1, $0xD;
	s1 =	sshrl.u32 s1, $0x2  }
0xb9: {  	s3 =	sand.u32 $0x4000, s31;
	s1 =	sadd.s32 s1, s30  }
0xba: {  	s0 =	sor.u32 s3, s0;
	s1 =	sshll.u32 s1, $0x11  }
0xbb: {  	s0 =	sor.u32 s1, s0  }
0xbc: {  	s0 =	sadd.s32 $0x8F2B, s0  }
0xbd: {  	[sflag:s0] =	ssyncadd.remote.s32 $0x1  }
0xbe: {  	_ =	sfence.sel $0xFFFF  }
0xbf: {  	[dreg:$0x0] =	wrdreg $0xFFFFFFFF;
	(pc) =	sbr.abs _section_cstart, $3  }
0xc0: {  	[dreg:$0x1] =	wrdreg $0xFFFFFFFF  }
0xc1: {  	_ =	task.clear_ibuf [dreg:s6], $0x2FFFF;
	_ =	strace $0x9FFFFFFF  }
0xc2: {  	(tm) =	ssettm $0x7FFFFFFF  }
0xc3: {  	_ =	shalt  }
tec
execute0_lowered:
.L_overlay_start_1:
0x0: {  	(tag) =	ssettag $0x1  }
0x1: {  	s4 =	rddreg [dreg:$0x0]  }
0x2: {  	s1 =	rddreg [dreg:$0x1]  }
0x3: {  	s2 =	srdreg.scid;
	s10 =	stileid.u32  }
0x4: {  	s0 =	rddreg [dreg:$0x2];
	s7 =	sand.u32 $0x1, s2;
	s5 =	smul.u32 $0x14000, s10  }
0x5: {  	s2 =	simm.s32 $0x0;
	s6 =	sshll.u32 s10, $0x5;
	s11 =	smul.u32 $0x50000, s10  }
0x6: {  	s8 =	sshll.u32 s10, $0xC;
	p0 =	sne.s32 s10, $0x0;
	s3 =	smul.u32 $0x140000, s7  }
0x7: {  	[smem:$0x7FF] =	sst s2;
	s9 =	sadd.s32 s6, s4;
	s8 =	sadd.s32 s8, s4  }
0x8: {  	s28 =	ssub.s32 $0x2, s7;
	s12 =	sshll.u32 s7, $0xB;
	s30 =	sshll.u32 s7, $0x4  }
0x9: {  	_ =	strace $0x80000050;
	s29 =	sshrl.u32 s28, $0x1;
	s11 =	sshrl.u32 s11, $0x2  }
0xa: {  	s8 =	sadd.s32 s12, s8;
	s31 =	sadd.s32 s30, s9;
	s9 =	sshrl.u32 @!p0 s1, $0x3  }
0xb: {  	s12 =	simm.s32 $0x1;
	s3 =	sadd.s32 s5, s3;
	s6 =	ssub.s32 s28, s29  }
0xc: {  	s11 =	sadd.s32 s11, s1;
	s7 =	sadd.s32 $0x2C0B800, s8;
	s8 =	sadd.s32 $0xFA00, s31  }
0xd: {  	s5 =	sshrl.u32 s3, $0x3;
	s3 =	sadd.s32 $0x19800, s4;
	s6 =	smax.u32 s6, $0x1  }
0xe: {  	s5 =	sadd.s32 s5, s4;
	s4 =	sshll.u32 s10, $0x1;
	s10 =	sshll.u32 s10, $0x6  }
0xf: {  	s11 =	sshrl.u32 s11, $0x3;
	s5 =	sadd.s32 $0x41800, s5;
	s10 =	sor.u32 $0x1C01, s10  }
.LBB2_1:
0x10: {  	s13 =	simm.s32 @!p0 $0x1C01  }
0x11: {  	[spmem:s9], [sflag:s13] =	dma.local @!p0 [hbm:s3], $0x28000  }
0x12: {  	s13 =	simm.s32 @!p0 $0x1  }
0x13: {  	_ =	swait.ge @!p0 [sflag:s13], $0x28000  }
0x14: {  	s14 =	sadd.s32 $0x0, s4;
	[sflag:s13] =	ssyncset.done @!p0 $0x0  }
0x15: {  	p1 =	sgt.u32 s14, $0x9C3;
	[sflag:s13] =	ssyncadd.s32 @!p0 $0xFFFD8000  }
0x16: {  	s15 =	simm.s32 @!p1 $0x2;
	s13 =	simm.s32 @!p1 $0x0;
	[bflag:$0x0] =	sbarrier.arrive $0xFFFF  }
0x17: {  	[tilespmem:s13], [sflag:$0x2] =	stream.linear.gather @!p1 [hbm4b:s8+s13], $0x80, $0x38;
	[tilespmem:$0x18080] =	vst v63  }
0x18: {  	_ =	swait.ge @!p1 [sflag:s15], $0x80  }
0x19: {  	[sflag:s15] =	ssyncset.done @!p1 $0x0;
	p1 =	por p1, p1  }
0x1a: {  	[sflag:s15] =	ssyncadd.s32 @!p1 $0xFFFFFF80;
	s17 =	simm.s32 @!p1 $0x80  }
0x1b: {  	[tilespmem:s17], [sflag:$0x2] =	stream.linear.gather @!p1 [hbm4b:s7+s13], $0x4000, $0x38;
	[tilespmem:$0x18080] =	vst v63  }
0x1c: {  	_ =	swait.ge @!p1 [sflag:s15], $0x4000  }
0x1d: {  	[sflag:s15] =	ssyncset.done @!p1 $0x0  }
0x1e: {  	s31 =	sadd.s32 $0x20, s4;
	s16 =	simm.s32 @!p1 $0x1;
	[sflag:s15] =	ssyncadd.s32 @!p1 $0xFFFFC000  }
0x1f: {  	[spmem:s1] =	stream.indirect.scatter.add.f32 @!p1 [tilespmem:s17], [sflag:$0x1], $0x80, s13, s17, $0xb8;
	[tilespmem:$0x18080] =	vst v63  }
0x20: {  	s14 =	simm.s32 $0x40;
	p2 =	sgt.u32 s31, $0x9C3;
	_ =	swait.ge @!p1 [sflag:s16], $0x4000  }
0x21: {  	s15 =	sadd.s32 $0x200, s8;
	s13 =	sadd.s32 $0x10000, s7;
	[sflag:s16] =	ssyncset.done @!p1 $0x0  }
.LBB2_2:
0x22: {  	s17 =	simm.s32 @!p2 $0x0;
	s18 =	simm.s32 @!p2 $0x2;
	[sflag:s16] =	ssyncadd.s32 @!p1 $0xFFFFC000  }
0x23: {  	[tilespmem:s17], [sflag:$0x2] =	stream.linear.gather @!p2 [hbm4b:s15+s17], $0x80, $0x38;
	[tilespmem:$0x18080] =	vst v63  }
0x24: {  	s19 =	smov.u32 s14;
	s14 =	sadd.s32 $0x20, s14;
	_ =	swait.ge @!p2 [sflag:s18], $0x80  }
0x25: {  	p1 =	por p2, p2;
	p3 =	sne.s32 s14, $0x9E0;
	[sflag:s18] =	ssyncset.done @!p2 $0x0  }
0x26: {  	s20 =	simm.s32 @!p1 $0x80;
	[sflag:s18] =	ssyncadd.s32 @!p1 $0xFFFFFF80  }
0x27: {  	[tilespmem:s20], [sflag:$0x2] =	stream.linear.gather @!p1 [hbm4b:s13+s17], $0x4000, $0x38;
	[tilespmem:$0x18080] =	vst v63  }
0x28: {  	_ =	swait.ge @!p1 [sflag:s18], $0x4000  }
.Ltmp0:
0x29: {  	[sflag:s18] =	ssyncset.done @!p1 $0x0;
	(pc) =	sbr.rel @p3 .LBB2_2-.Ltmp0, $4  }
0x2a: {  	s16 =	simm.s32 @!p1 $0x1;
	[sflag:s18] =	ssyncadd.s32 @!p1 $0xFFFFC000  }
0x2b: {  	[spmem:s1] =	stream.indirect.scatter.add.f32 @!p1 [tilespmem:s20], [sflag:$0x1], $0x80, s17, s20, $0xb8;
	[tilespmem:$0x18080] =	vst v63  }
0x2c: {  	s15 =	sadd.s32 $0x200, s15;
	s17 =	sadd.s32 s19, s4;
	_ =	swait.ge @!p1 [sflag:s16], $0x4000  }
0x2d: {  	s13 =	sadd.s32 $0x10000, s13;
	p2 =	sgt.u32 s17, $0x9C3;
	[sflag:s16] =	ssyncset.done @!p1 $0x0  }
0x2e: {  	s14 =	simm.s32 @!p2 $0x0;
	s17 =	simm.s32 @!p2 $0x2;
	[sflag:s16] =	ssyncadd.s32 @!p1 $0xFFFFC000  }
0x2f: {  	[tilespmem:s14], [sflag:$0x2] =	stream.linear.gather @!p2 [hbm4b:s15+s14], $0x80, $0x38;
	[tilespmem:$0x18080] =	vst v63  }
0x30: {  	_ =	swait.ge @!p2 [sflag:s17], $0x80  }
0x31: {  	p1 =	por p2, p2;
	[sflag:s17] =	ssyncset.done @!p2 $0x0  }
0x32: {  	s15 =	simm.s32 @!p1 $0x80;
	[sflag:s17] =	ssyncadd.s32 @!p1 $0xFFFFFF80  }
0x33: {  	[tilespmem:s15], [sflag:$0x2] =	stream.linear.gather @!p1 [hbm4b:s13+s14], $0x4000, $0x38;
	[tilespmem:$0x18080] =	vst v63  }
0x34: {  	_ =	swait.ge @!p1 [sflag:s17], $0x4000  }
0x35: {  	[sflag:s17] =	ssyncset.done @!p1 $0x0  }
0x36: {  	s13 =	simm.s32 @!p1 $0x1;
	[sflag:s17] =	ssyncadd.s32 @!p1 $0xFFFFC000  }
0x37: {  	[spmem:s1] =	stream.indirect.scatter.add.f32 @!p1 [tilespmem:s15], [sflag:$0x1], $0x80, s14, s15, $0xb8;
	[tilespmem:$0x18080] =	vst v63  }
0x38: {  	_ =	swait.ge @!p1 [sflag:s13], $0x4000  }
0x39: {  	s2 =	sadd.s32 $0x1, s2;
	[sflag:s13] =	ssyncset.done @!p1 $0x0  }
0x3a: {  	[sflag:s13] =	ssyncadd.s32 @!p1 $0xFFFFC000;
	p1 =	sne.s32 s2, s6  }
.Ltmp1:
0x3b: {  	[bflag:$0x0] =	sbarrier.arrive $0xFFFF;
	(pc) =	sbr.rel @p1 .LBB2_1-.Ltmp1, $4  }
0x3c: {  	[hbm:s5], [sflag:s10] =	dma.local [spmem:s11], $0x2800  }
0x3d: {  	_ =	swait.ge [sflag:s12], $0x2800  }
0x3e: {  	[sflag:s12] =	ssyncset.done $0x0  }
0x3f: {  	[sflag:s12] =	ssyncadd.s32 $0xFFFFD800  }
0x40: {  	_ =	sfence.sel $0x180000  }
0x41: {  	[bflag:$0x0] =	sbarrier.arrive $0xFFFF  }
0x42: {  	_ =	strace $0x90000050  }
0x43: {  	s0 =	sadd.s32 @!p0 $0x100000, s0;
	[bflag:$0x2] =	sbarrier.arrive $0xFFFF  }
0x44: {  	[sflag:s0] =	ssyncadd.tile.s32 @!p0 $0x1;
	_ =	shalt  }
.Lfunc_end2:
_tile_overlayer_lowered:
.L_overlay_start_2:
0x45: {  	(tag) =	ssettag $0x2  }
0x46: {  	s0 =	rddreg [dreg:$0x0];
	s2 =	stileid.u32  }
0x47: {  	s1 =	rddreg [dreg:$0x1];
	p0 =	sne.s32 s2, $0x0  }
0x48: {  	s3 =	rddreg [dreg:$0x2];
	[bflag:$0x3] =	sbarrier.arrive $0xFFFF;
	s2 =	simm.s32 @!p0 $0x1C01  }
0x49: {  	[timem:s3], [sflag:s2] =	dma.local @!p0 [hbm:s0], s1  }
0x4a: {  	s0 =	simm.s32 @!p0 $0x1  }
0x4b: {  	_ =	swait.ge @!p0 [sflag:s0], s1  }
0x4c: {  	s1 =	ssub.s32 @!p0 $0x0, s1;
	[sflag:s0] =	ssyncset.done @!p0 $0x0  }
0x4d: {  	[sflag:s0] =	ssyncadd.s32 @!p0 s1  }
0x4e: {  	[bflag:$0x3] =	sbarrier.arrive $0xFFFF  }
0x4f: {  	_ =	shalt  }

// kernel: kernel.9.cloned.1.call-start
scs
__scs_entry_jumppad:
0x0: {  	(pc) =	sbr.rel $0x88, $3  }
0x1: {  	(tag) =	ssettag $0x0;
	lr =	simm.s32 $0x1  }
0x2: {  	[smem:$0x3F8F] =	sst lr;
	_ =	strace $0xD0000000  }
0x3: {  	_ = 	snop  }
0x4: {  	_ = 	snop  }
0x5: {  	_ = 	snop  }
0x6: {  	_ = 	snop  }
0x7: {  	_ = 	snop  }
__scs_overlays_trampoline_lowered:
0x8: {  	[smem:$0x3F9E] =	sst s0  }
0x9: {  	[smem:$0x3F9F] =	sst s1  }
0xa: {  	[smem:$0x3FA0] =	sst s2  }
0xb: {  	[smem:$0x3FA1] =	sst s3  }
0xc: {  	[smem:$0x3FA2] =	sst s4  }
0xd: {  	[smem:$0x3FA3] =	sst s5  }
0xe: {  	[smem:$0x3FA4] =	sst s6  }
0xf: {  	[smem:$0x3FA5] =	sst s7  }
0x10: {  	[smem:$0x3FA6] =	sst s8  }
0x11: {  	[smem:$0x3FA7] =	sst s9;
	s0 =	simm.s32 @!p0 $0x0  }
0x12: {  	s1 =	sld [smem:$0x3F8D];
	s0 =	simm.s32 @p0 $0x1  }
0x13: {  	[smem:$0x3FA8] =	sst s0;
	s0 =	simm.s32 @!p1 $0x0  }
0x14: {  	s2 =	sld [smem:$0x3F8C];
	s0 =	simm.s32 @p1 $0x1  }
0x15: {  	[smem:$0x3FA9] =	sst s0;
	s0 =	simm.s32 @!p2 $0x0  }
0x16: {  	s3 =	sld [smem:$0x3FDB];
	s0 =	simm.s32 @p2 $0x1  }
0x17: {  	s4 =	simm.s32 $0x1BF5;
	[smem:$0x3FAB] =	sst s0  }
0x18: {  	s0 =	sld [smem:$0x3F8E];
	_ =	swait.ge [sflag:s4], $0x0  }
0x19: {  	s7 =	sld [smem:$0x3F8F]  }
0x1a: {  	s8 =	sadd.s32 $0xFFFFE003, lr  }
0x1b: {  	s9 =	sadd.s32 $0xFFFFFEF7, lr;
	s5 =	simm.s32 $0xFFFFFFFF;
	p2 =	slt.u32 s8, $0xFFFFF086  }
0x1c: {  	p1 =	slt.u32 s9, $0xF7A;
	s5 =	simm.s32 @!p2 $0x0  }
0x1d: {  	s5 =	simm.s32 @p1 $0x1;
	p0 =	seq.s32 s7, s2  }
0x1e: {  	s7 =	smul.u32 @!p0 $0xF7A, s2;
	p2 =	seq.s32 @!p0 s5, $0x0  }
0x1f: {  	s9 =	smul.u32 $0xF7A, s1;
	s8 =	simm.s32 @!p0 $0x1BF5;
	p2 =	por !p2, p0  }
0x20: {  	[sflag:s8] =	ssyncset.s32 @!p0 $0xFFFFF086;
	s6 =	sadd.s32 @!p0 s3, s7;
	s7 =	simm.s32 @!p0 $0x108  }
0x21: {  	s3 =	sadd.s32 s3, s9;
	s6 =	sadd.s32 @!p0 $0x88, s6;
	s7 =	simm.s32 @p2 $0x1082  }
0x22: {  	[simem:s7], [sflag:s8] =	dma.local @!p0 [hbm:s6], $0xF7A  }
0x23: {  	s9 =	sor.u32 $0xD0000000, s2;
	s6 =	simm.s32 $0x108;
	_ =	swait.ge @!p0 [sflag:s8], $0x0  }
0x24: {  	s3 =	sadd.s32 $0x88, s3;
	s6 =	simm.s32 @!p1 $0x1082;
	[sflag:s4] =	ssyncset.s32 $0xFFFFF086  }
0x25: {  	[simem:s6], [sflag:s4] =	dma.local [hbm:s3], $0xF7A  }
0x26: {  	[smem:$0x3F8F] =	sst s1;
	(tag) =	ssettag s2;
	_ =	strace s9  }
0x27: {  	s1 =	sld [smem:$0x3F9F]  }
0x28: {  	s2 =	sld [smem:$0x3FA0]  }
0x29: {  	s4 =	sld [smem:$0x3FA2]  }
0x2a: {  	p0 =	seq.s32 s5, $0x0;
	s5 =	sld [smem:$0x3FA3]  }
0x2b: {  	s6 =	sld [smem:$0x3FA4]  }
0x2c: {  	s7 =	sld [smem:$0x3FA5]  }
0x2d: {  	s3 =	simm.s32 $0x108;
	s8 =	sld [smem:$0x3FA6]  }
0x2e: {  	s3 =	simm.s32 @!p0 $0x1082;
	s9 =	sld [smem:$0x3FA7]  }
0x2f: {  	lr =	sadd.s32 s0, s3;
	s0 =	sld [smem:$0x3F9E]  }
0x30: {  	s3 =	sld [smem:$0x3FA1]  }
0x31: {  	[smem:$0x3FAA] =	sst s10  }
0x32: {  	s10 =	sld [smem:$0x3FA8];
	_ =	sdelay $0x3  }
0x33: {  	p0 =	seq.s32 s10, $0x1;
	s10 =	sld [smem:$0x3FAA];
	_ =	sdelay $0x3  }
0x34: {  	[smem:$0x3FAA] =	sst s10  }
0x35: {  	s10 =	sld [smem:$0x3FA9];
	_ =	sdelay $0x3  }
0x36: {  	p1 =	seq.s32 s10, $0x1;
	s10 =	sld [smem:$0x3FAA];
	_ =	sdelay $0x3  }
0x37: {  	[smem:$0x3FAA] =	sst s10  }
0x38: {  	s10 =	sld [smem:$0x3FAB]  }
0x39: {  	_ = 	snop;
	(pc) =	sbr.ind lr, $3  }
0x3a: {  	_ = 	snop  }
0x3b: {  	_ = 	snop  }
0x3c: {  	p2 =	seq.s32 s10, $0x1;
	s10 =	sld [smem:$0x3FAA]  }
0x3d: {  	_ =	shalt  }
0x3e: {  	_ =	shalt  }
0x3f: {  	_ =	shalt  }
0x40: {  	_ =	shalt  }
0x41: {  	_ =	shalt  }
0x42: {  	_ =	shalt  }
0x43: {  	_ =	shalt  }
0x44: {  	_ =	shalt  }
0x45: {  	_ =	shalt  }
0x46: {  	_ =	shalt  }
0x47: {  	_ =	shalt  }
0x48: {  	_ =	shalt  }
0x49: {  	_ =	shalt  }
0x4a: {  	_ =	shalt  }
0x4b: {  	_ =	shalt  }
0x4c: {  	_ =	shalt  }
0x4d: {  	_ =	shalt  }
0x4e: {  	_ =	shalt  }
0x4f: {  	_ =	shalt  }
0x50: {  	_ =	shalt  }
0x51: {  	_ =	shalt  }
0x52: {  	_ =	shalt  }
0x53: {  	_ =	shalt  }
0x54: {  	_ =	shalt  }
0x55: {  	_ =	shalt  }
0x56: {  	_ =	shalt  }
0x57: {  	_ =	shalt  }
0x58: {  	_ =	shalt  }
0x59: {  	_ =	shalt  }
0x5a: {  	_ =	shalt  }
0x5b: {  	_ =	shalt  }
0x5c: {  	_ =	shalt  }
0x5d: {  	_ =	shalt  }
0x5e: {  	_ =	shalt  }
0x5f: {  	_ =	shalt  }
0x60: {  	_ =	shalt  }
0x61: {  	_ =	shalt  }
0x62: {  	_ =	shalt  }
0x63: {  	_ =	shalt  }
0x64: {  	_ =	shalt  }
0x65: {  	_ =	shalt  }
0x66: {  	_ =	shalt  }
0x67: {  	_ =	shalt  }
0x68: {  	_ =	shalt  }
0x69: {  	_ =	shalt  }
0x6a: {  	_ =	shalt  }
0x6b: {  	_ =	shalt  }
0x6c: {  	_ =	shalt  }
0x6d: {  	_ =	shalt  }
0x6e: {  	_ =	shalt  }
0x6f: {  	_ =	shalt  }
0x70: {  	_ =	shalt  }
0x71: {  	_ =	shalt  }
0x72: {  	_ =	shalt  }
0x73: {  	_ =	shalt  }
0x74: {  	_ =	shalt  }
0x75: {  	_ =	shalt  }
0x76: {  	_ =	shalt  }
0x77: {  	_ =	shalt  }
0x78: {  	_ =	shalt  }
0x79: {  	_ =	shalt  }
0x7a: {  	_ =	shalt  }
0x7b: {  	_ =	shalt  }
0x7c: {  	_ =	shalt  }
0x7d: {  	_ =	shalt  }
0x7e: {  	_ =	shalt  }
0x7f: {  	_ =	shalt  }
0x80: {  	_ =	shalt  }
0x81: {  	_ =	shalt  }
0x82: {  	_ =	shalt  }
0x83: {  	_ =	shalt  }
0x84: {  	_ =	shalt  }
0x85: {  	_ =	shalt  }
0x86: {  	_ =	shalt  }
0x87: {  	_ =	shalt  }
.Lfunc_end0:
.L_simem_size_0:
called_computation_lowered:
.L_overlay_start_0:
0x88: {  	s2 =	sld [smem:$0x3FD9]  }
0x89: {  	s3 =	sld [smem:$0x3FFE];
	_ =	sdelay $0x1  }
0x8a: {  	s1 =	srdreg.scid  }
0x8b: {  	s0 =	sand.u32 $0x1, s1  }
0x8c: {  	s14 =	sshll.u32 s0, $0xA;
	s2 =	sadd.s32 s3, s2  }
0x8d: {  	s2 =	sadd.s32 s2, s14  }
0x8e: {  	[smem:$0x3FB6] =	sst s2  }
0x8f: {  	_ = 	snop  }
0x90: {  	s2 =	sld [smem:$0x3FD0];
	_ =	sdelay $0x2  }
0x91: {  	s15 =	simm.s32 $0xB;
	s4 =	simm.s32 $0x10  }
0x92: {  	[smem:s4], [sflag:s15] =	dma.local [hbm:s2], $0x1  }
0x93: {  	_ =	swait.eq [sflag:s15], $0x1  }
0x94: {  	[sflag:s15] =	ssyncset.done $0x0  }
0x95: {  	[sflag:s15] =	ssyncadd.s32 $0xFFFFFFFF  }
0x96: {  	s16 =	sld [smem:$0x12];
	(tm) =	ssettm $0x1  }
0x97: {  	s17 =	sld [smem:$0x3FFB];
	_ =	sdelay $0x3  }
0x98: {  	_ =	strace s17  }
0x99: {  	s3 =	sld [smem:$0x3FFC];
	_ =	sdelay $0x3  }
0x9a: {  	_ =	strace s3  }
0x9b: {  	s3 =	sld [smem:$0x3FFD];
	_ =	sdelay $0x3  }
0x9c: {  	_ =	strace s3  }
0x9d: {  	_ =	strace $0x8FFFFFFF  }
0x9e: {  	s18 =	sld [smem:$0x3FDB];
	_ =	sdelay $0x1  }
0x9f: {  	s19 =	simm.s32 $_scs_section_size  }
0xa0: {  	s5 =	simm.s32 $_size__tile_overlayer_lowered;
	s6 =	simm.s32 $_tile_overlayer_lowered  }
0xa1: {  	s22 =	simm.s32 $0x1BFF;
	s21 =	sshll.u32 s6, $0x1;
	s3 =	sadd.s32 s19, s18  }
0xa2: {  	s7 =	simm.s32 $0x0;
	s20 =	sshll.u32 s5, $0x1;
	s5 =	sadd.s32 s21, s3  }
0xa3: {  	[timem:s7], [sflag:s22] =	dma.local [hbm:s5], s20  }
0xa4: {  	_ =	swait.ge [sflag:s22], s20  }
0xa5: {  	s4 =	ssub.s32 $0x0, s20;
	[sflag:s22] =	ssyncset.done $0x0  }
0xa6: {  	[sflag:s22] =	ssyncadd.s32 s4;
	_ =	sdelay $0x1  }
0xa7: {  	s23 =	simm.s32 $0x1B8B  }
0xa8: {  	_ =	swait.ge [sflag:s23], $0x1  }
0xa9: {  	[sflag:s23] =	ssyncset.done $0x0  }
0xaa: {  	s25 =	simm.s32 $0x1B8E;
	s24 =	sld [smem:$0x3FFE];
	[sflag:s23] =	ssyncadd.s32 $0xFFFFFFFF  }
0xab: {  	s26 =	simm.s32 $execute0_lowered;
	[smem:$0x3FD2] =	sst s25  }
0xac: {  	s5 =	sshll.u32 s26, $0x1;
	_ =	strace $0x80000046;
	[dreg:$0x1] =	wrdreg $0xFFFFFFFF  }
0xad: {  	s28 =	simm.s32 $_size_execute0_lowered;
	s3 =	sadd.s32 s3, s5;
	[dreg:$0x0] =	wrdreg $0x0  }
0xae: {  	s5 =	sshll.u32 s28, $0x1;
	[dreg:$0x2] =	wrdreg s3  }
0xaf: {  	[dreg:$0x3] =	wrdreg s5  }
0xb0: {  	[dreg:$0x4] =	wrdreg $0xC0  }
0xb1: {  	_ =	task [dreg:s7], $0x5FFFF  }
0xb2: {  	[dreg:$0x1] =	wrdreg $0xFFFFFFFF  }
0xb3: {  	[dreg:$0x0] =	wrdreg $0x60  }
0xb4: {  	[dreg:$0x2] =	wrdreg s24  }
0xb5: {  	[dreg:$0x3] =	wrdreg s16  }
0xb6: {  	[dreg:$0x4] =	wrdreg $0x9  }
0xb7: {  	_ =	task.clear_ibuf [dreg:s7], $0x5FFFF;
	_ =	strace $0x90000046  }
0xb8: {  	s29 =	simm.s32 $0x9;
	_ =	strace $0x80000048  }
0xb9: {  	_ =	swait.ge [sflag:s29], $0x1  }
0xba: {  	[sflag:s29] =	ssyncadd.s32 $0xFFFFFFFF  }
0xbb: {  	_ =	strace $0x90000048  }
0xbc: {  	_ =	sfence  }
0xbd: {  	s30 =	sld [smem:$0x0];
	_ =	sdelay $0x2  }
0xbe: {  	s31 =	sshll.u32 s1, $0xD;
	s1 =	sshrl.u32 s1, $0x2  }
0xbf: {  	s3 =	sand.u32 $0x4000, s31;
	s1 =	sadd.s32 s1, s30  }
0xc0: {  	s0 =	sor.u32 s3, s0;
	s1 =	sshll.u32 s1, $0x11  }
0xc1: {  	s0 =	sor.u32 s1, s0  }
0xc2: {  	s0 =	sadd.s32 $0x8F2B, s0  }
0xc3: {  	[sflag:s0] =	ssyncadd.remote.s32 $0x1  }
0xc4: {  	_ =	sfence.sel $0xFFFF  }
0xc5: {  	[dreg:$0x0] =	wrdreg $0xFFFFFFFF;
	(pc) =	sbr.abs _section_cstart, $3  }
0xc6: {  	[dreg:$0x1] =	wrdreg $0xFFFFFFFF  }
0xc7: {  	_ =	task.clear_ibuf [dreg:s7], $0x2FFFF;
	_ =	strace $0x9FFFFFFF  }
0xc8: {  	(tm) =	ssettm $0x7FFFFFFF  }
0xc9: {  	_ =	shalt  }
tec
execute0_lowered:
.L_overlay_start_1:
0x0: {  	(tag) =	ssettag $0x1  }
0x1: {  	s0 =	rddreg [dreg:$0x0]  }
0x2: {  	s1 =	rddreg [dreg:$0x1]  }
0x3: {  	s3 =	simm.s32 $0x0;
	s2 =	srdreg.scid;
	s7 =	stileid.u32  }
0x4: {  	s10 =	simm.s32 $0x3;
	s12 =	simm.s32 $0x100;
	s28 =	simm.s32 $0x7900  }
0x5: {  	s29 =	simm.s32 $0x8100;
	s30 =	simm.s32 $0x8900;
	s31 =	simm.s32 $0x9100  }
0x6: {  	s8 =	simm.s32 $0xB900;
	s9 =	simm.s32 $0xC100;
	s11 =	simm.s32 $0xC900  }
0x7: {  	s13 =	simm.s32 $0xD100;
	s14 =	simm.s32 $0xD900;
	s15 =	simm.s32 $0xE100  }
0x8: {  	s16 =	simm.s32 $0xE900;
	s17 =	simm.s32 $0xF100;
	s18 =	simm.s32 $0xF900  }
0x9: {  	s19 =	simm.s32 $0x1;
	s20 =	simm.s32 $0x2;
	s22 =	simm.s32 $0x0  }
0xa: {  	[smem:$0x7FF] =	sst s3;
	s2 =	sand.u32 $0x1, s2;
	s4 =	sshll.u32 s7, $0x5  }
0xb: {  	s5 =	sshll.u32 s7, $0xD;
	s25 =	sshll.u32 s7, $0x1;
	_ =	strace $0x80000047  }
0xc: {  	s6 =	ssub.s32 $0x2, s2;
	s4 =	sadd.s32 s4, s0;
	s0 =	sadd.s32 s5, s0  }
0xd: {  	[dreg:$0x3] =	wrdreg s25;
	s26 =	sshll.u32 s2, $0x4;
	s2 =	sshll.u32 s2, $0xC  }
0xe: {  	s24 =	sshrl.u32 s6, $0x1;
	s4 =	sadd.s32 s26, s4;
	s0 =	sadd.s32 s2, s0  }
.Ltmp0:
0xf: {  	s26 =	simm.s32 $0x80;
	s5 =	ssub.s32 s6, s24;
	(pc) =	sbr.rel .LBB2_1-.Ltmp0, $4  }
0x10: {  	s6 =	sadd.s32 $0x5C00, s4;
	s7 =	sadd.s32 $0xFA00, s4;
	s2 =	sadd.s32 $0x9DD800, s0  }
0x11: {  	v2 =	vlaneseq.u32;
	s0 =	sadd.s32 $0x19800, s0;
	s4 =	simm.s32 $0xB100;
	[dreg:$0x5] =	wrdreg s2  }
0x12: {  	vm0 =	vmmov $0xffff;
	v1 =	vshrl.u32 v2, $0x3;
	s5 =	smax.u32 s5, $0x1;
	[dreg:$0x6] =	wrdreg s0;
	s0 =	simm.s32 $0x9900  }
0x13: {  	v0 =	vand.u32 $0x7, v2;
	v2 =	vor.u32 $0x8, v2;
	v1 =	vmul.u32 $0x8, v1;
	s2 =	simm.s32 $0xA100;
	[dreg:$0x4] =	wrdreg s5;
	s5 =	simm.s32 $0xA900  }
.LBB2_5:
0x14: {  	s22 =	rddreg [dreg:$0x7]  }
0x15: {  	s21 =	rddreg [dreg:$0x4];
	s22 =	sadd.s32 $0x1, s22  }
0x16: {  	p0 =	sne.s32 s22, s21  }
.Ltmp1:
0x17: {  	_ = 	snop;
	(pc) =	sbr.rel @!p0 .LBB2_6-.Ltmp1, $1  }
0x18: {  	_ =	sdelay $0x3  }
.LBB2_1:
.Ltmp2:
0x19: {  	(pc) =	sbr.rel .LBB2_2-.Ltmp2, $4  }
0x1a: {  	[dreg:$0x7] =	wrdreg s22  }
0x1b: {  	s21 =	rddreg [dreg:$0x3]  }
0x1c: {  	s22 =	rddreg [dreg:$0x6]  }
0x1d: {  	s23 =	rddreg [dreg:$0x5];
	s24 =	simm.s32 $0x0  }
.LBB2_4:
0x1e: {  	s24 =	sadd.s32 $0x200, s24  }
0x1f: {  	p0 =	sne.s32 s24, $0x9E00  }
.Ltmp3:
0x20: {  	_ = 	snop;
	(pc) =	sbr.rel @!p0 .LBB2_5-.Ltmp3, $2  }
0x21: {  	_ =	sdelay $0x2  }
0x22: {  	s23 =	sadd.s32 $0x20000, s23;
	s22 =	sadd.s32 $0x20000, s22;
	s21 =	sadd.s32 $0x20, s21  }
.LBB2_2:
0x23: {  	p0 =	sgt.u32 s21, $0x9C3  }
.Ltmp4:
0x24: {  	_ = 	snop;
	(pc) =	sbr.rel @p0 .LBB2_4-.Ltmp4, $1  }
0x25: {  	_ =	sdelay $0x3  }
0x26: {  	s25 =	sadd.s32 s24, s7  }
0x27: {  	[tilespmem:s3], [sflag:$0x3] =	stream.linear.gather [hbm4b:s25+s3], $0x80, $0x38;
	[tilespmem:$0x10100] =	vst v63  }
0x28: {  	_ =	swait.ge [sflag:s10], $0x80  }
0x29: {  	[sflag:s10] =	ssyncset.done $0x0  }
0x2a: {  	s25 =	sadd.s32 s24, s6;
	[sflag:s10] =	ssyncadd.s32 $0xFFFFFF80  }
0x2b: {  	[tilespmem:s26], [sflag:$0x3] =	stream.linear.gather [hbm4b:s25+s3], $0x80, $0x38;
	[tilespmem:$0x10100] =	vst v63  }
0x2c: {  	_ =	swait.ge [sflag:s10], $0x80  }
0x2d: {  	[sflag:s10] =	ssyncset.done $0x0  }
0x2e: {  	[sflag:s10] =	ssyncadd.s32 $0xFFFFFF80  }
0x2f: {  	v3 =	vld [tilespmem:$0x0];
	_ =	sdelay $0x4  }
0x30: {  	v4 =	vshll.u32 v3, $0x1  }
0x31: {  	v3 =	vand.u32 $0x7, v3;
	v4 =	vand.u32 $0xFFFFFFF0, v4  }
0x32: {  	v3 =	vor.u32 v3, v4  }
0x33: {  	v4 =	vperm.xlane v3, v0;
	_ =	sdelay $0x1  }
0x34: {  	v3 =	vperm.xlane v3, v2;
	v4 =	vadd.s32 v1, v4;
	_ =	sdelay $0x1  }
0x35: {  	v3 =	vadd.s32 v1, v3;
	_ =	sdelay $0x2  }
0x36: {  	[tilespmem:s12], [sflag:$0x1] =	stream.indirect_vreg.gather [hbm4b:s1+s3], $0x80, v4, vm0, $0xb8;
	[tilespmem:$0x10100] =	vst v63  }
0x37: {  	s25 =	simm.s32 $0x900  }
0x38: {  	[tilespmem:s25], [sflag:$0x1] =	stream.indirect_vreg.gather [hbm4b:s1+s3], $0x80, v3, vm0, $0xb8;
	[tilespmem:$0x10100] =	vst v63  }
0x39: {  	v3 =	vld [tilespmem:$0x10];
	_ =	sdelay $0x4  }
0x3a: {  	v49 =	vshll.u32 v3, $0x1  }
0x3b: {  	v3 =	vand.u32 $0x7, v3;
	v4 =	vand.u32 $0xFFFFFFF0, v49  }
0x3c: {  	v3 =	vor.u32 v3, v4  }
0x3d: {  	v4 =	vperm.xlane v3, v0;
	_ =	sdelay $0x1  }
0x3e: {  	v3 =	vperm.xlane v3, v2;
	v4 =	vadd.s32 v1, v4;
	_ =	sdelay $0x1  }
0x3f: {  	v3 =	vadd.s32 v1, v3;
	_ =	sdelay $0x1  }
0x40: {  	s25 =	simm.s32 $0x1100  }
0x41: {  	[tilespmem:s25], [sflag:$0x1] =	stream.indirect_vreg.gather [hbm4b:s1+s3], $0x80, v4, vm0, $0xb8;
	[tilespmem:$0x10100] =	vst v63  }
0x42: {  	s25 =	simm.s32 $0x1900  }
0x43: {  	[tilespmem:s25], [sflag:$0x1] =	stream.indirect_vreg.gather [hbm4b:s1+s3], $0x80, v3, vm0, $0xb8;
	[tilespmem:$0x10100] =	vst v63  }
0x44: {  	v3 =	vld [tilespmem:$0x20];
	_ =	sdelay $0x4  }
0x45: {  	v50 =	vshll.u32 v3, $0x1  }
0x46: {  	v3 =	vand.u32 $0x7, v3;
	v4 =	vand.u32 $0xFFFFFFF0, v50  }
0x47: {  	v3 =	vor.u32 v3, v4  }
0x48: {  	v4 =	vperm.xlane v3, v0;
	_ =	sdelay $0x1  }
0x49: {  	v3 =	vperm.xlane v3, v2;
	v4 =	vadd.s32 v1, v4;
	_ =	sdelay $0x1  }
0x4a: {  	v3 =	vadd.s32 v1, v3;
	_ =	sdelay $0x1  }
0x4b: {  	s25 =	simm.s32 $0x2100  }
0x4c: {  	[tilespmem:s25], [sflag:$0x1] =	stream.indirect_vreg.gather [hbm4b:s1+s3], $0x80, v4, vm0, $0xb8;
	[tilespmem:$0x10100] =	vst v63  }
0x4d: {  	s25 =	simm.s32 $0x2900  }
0x4e: {  	[tilespmem:s25], [sflag:$0x1] =	stream.indirect_vreg.gather [hbm4b:s1+s3], $0x80, v3, vm0, $0xb8;
	[tilespmem:$0x10100] =	vst v63  }
0x4f: {  	v3 =	vld [tilespmem:$0x30];
	_ =	sdelay $0x4  }
0x50: {  	v51 =	vshll.u32 v3, $0x1  }
0x51: {  	v3 =	vand.u32 $0x7, v3;
	v4 =	vand.u32 $0xFFFFFFF0, v51  }
0x52: {  	v3 =	vor.u32 v3, v4  }
0x53: {  	v4 =	vperm.xlane v3, v0;
	_ =	sdelay $0x1  }
0x54: {  	v3 =	vperm.xlane v3, v2;
	v4 =	vadd.s32 v1, v4;
	_ =	sdelay $0x1  }
0x55: {  	v3 =	vadd.s32 v1, v3;
	_ =	sdelay $0x1  }
0x56: {  	s25 =	simm.s32 $0x3100  }
0x57: {  	[tilespmem:s25], [sflag:$0x1] =	stream.indirect_vreg.gather [hbm4b:s1+s3], $0x80, v4, vm0, $0xb8;
	[tilespmem:$0x10100] =	vst v63  }
0x58: {  	s25 =	simm.s32 $0x3900  }
0x59: {  	[tilespmem:s25], [sflag:$0x1] =	stream.indirect_vreg.gather [hbm4b:s1+s3], $0x80, v3, vm0, $0xb8;
	[tilespmem:$0x10100] =	vst v63  }
0x5a: {  	v3 =	vld [tilespmem:$0x40];
	_ =	sdelay $0x4  }
0x5b: {  	v52 =	vshll.u32 v3, $0x1  }
0x5c: {  	v3 =	vand.u32 $0x7, v3;
	v4 =	vand.u32 $0xFFFFFFF0, v52  }
0x5d: {  	v3 =	vor.u32 v3, v4  }
0x5e: {  	v4 =	vperm.xlane v3, v0;
	_ =	sdelay $0x1  }
0x5f: {  	v3 =	vperm.xlane v3, v2;
	v4 =	vadd.s32 v1, v4;
	_ =	sdelay $0x1  }
0x60: {  	v3 =	vadd.s32 v1, v3;
	_ =	sdelay $0x1  }
0x61: {  	s25 =	simm.s32 $0x4100  }
0x62: {  	[tilespmem:s25], [sflag:$0x1] =	stream.indirect_vreg.gather [hbm4b:s1+s3], $0x80, v4, vm0, $0xb8;
	[tilespmem:$0x10100] =	vst v63  }
0x63: {  	s25 =	simm.s32 $0x4900  }
0x64: {  	[tilespmem:s25], [sflag:$0x1] =	stream.indirect_vreg.gather [hbm4b:s1+s3], $0x80, v3, vm0, $0xb8;
	[tilespmem:$0x10100] =	vst v63  }
0x65: {  	v3 =	vld [tilespmem:$0x50];
	_ =	sdelay $0x4  }
0x66: {  	v53 =	vshll.u32 v3, $0x1  }
0x67: {  	v3 =	vand.u32 $0x7, v3;
	v4 =	vand.u32 $0xFFFFFFF0, v53  }
0x68: {  	v3 =	vor.u32 v3, v4  }
0x69: {  	v4 =	vperm.xlane v3, v0;
	_ =	sdelay $0x1  }
0x6a: {  	v3 =	vperm.xlane v3, v2;
	v4 =	vadd.s32 v1, v4;
	_ =	sdelay $0x1  }
0x6b: {  	v3 =	vadd.s32 v1, v3;
	_ =	sdelay $0x1  }
0x6c: {  	s25 =	simm.s32 $0x5100  }
0x6d: {  	[tilespmem:s25], [sflag:$0x1] =	stream.indirect_vreg.gather [hbm4b:s1+s3], $0x80, v4, vm0, $0xb8;
	[tilespmem:$0x10100] =	vst v63  }
0x6e: {  	s25 =	simm.s32 $0x5900  }
0x6f: {  	[tilespmem:s25], [sflag:$0x1] =	stream.indirect_vreg.gather [hbm4b:s1+s3], $0x80, v3, vm0, $0xb8;
	[tilespmem:$0x10100] =	vst v63  }
0x70: {  	v3 =	vld [tilespmem:$0x60];
	_ =	sdelay $0x4  }
0x71: {  	v54 =	vshll.u32 v3, $0x1  }
0x72: {  	v3 =	vand.u32 $0x7, v3;
	v4 =	vand.u32 $0xFFFFFFF0, v54  }
0x73: {  	v3 =	vor.u32 v3, v4  }
0x74: {  	v4 =	vperm.xlane v3, v0;
	_ =	sdelay $0x1  }
0x75: {  	v3 =	vperm.xlane v3, v2;
	v4 =	vadd.s32 v1, v4;
	_ =	sdelay $0x1  }
0x76: {  	v3 =	vadd.s32 v1, v3;
	_ =	sdelay $0x1  }
0x77: {  	s25 =	simm.s32 $0x6100  }
0x78: {  	[tilespmem:s25], [sflag:$0x1] =	stream.indirect_vreg.gather [hbm4b:s1+s3], $0x80, v4, vm0, $0xb8;
	[tilespmem:$0x10100] =	vst v63  }
0x79: {  	s25 =	simm.s32 $0x6900  }
0x7a: {  	[tilespmem:s25], [sflag:$0x1] =	stream.indirect_vreg.gather [hbm4b:s1+s3], $0x80, v3, vm0, $0xb8;
	[tilespmem:$0x10100] =	vst v63  }
0x7b: {  	v3 =	vld [tilespmem:$0x70];
	_ =	sdelay $0x4  }
0x7c: {  	v55 =	vshll.u32 v3, $0x1  }
0x7d: {  	v3 =	vand.u32 $0x7, v3;
	v4 =	vand.u32 $0xFFFFFFF0, v55  }
0x7e: {  	v3 =	vor.u32 v3, v4  }
0x7f: {  	v4 =	vperm.xlane v3, v0;
	_ =	sdelay $0x1  }
0x80: {  	v3 =	vperm.xlane v3, v2;
	v4 =	vadd.s32 v1, v4;
	_ =	sdelay $0x1  }
0x81: {  	v3 =	vadd.s32 v1, v3;
	_ =	sdelay $0x1  }
0x82: {  	s25 =	simm.s32 $0x7100  }
0x83: {  	[tilespmem:s25], [sflag:$0x1] =	stream.indirect_vreg.gather [hbm4b:s1+s3], $0x80, v4, vm0, $0xb8;
	[tilespmem:$0x10100] =	vst v63  }
0x84: {  	_ = 	snop  }
0x85: {  	[tilespmem:s28], [sflag:$0x1] =	stream.indirect_vreg.gather [hbm4b:s1+s3], $0x80, v3, vm0, $0xb8;
	[tilespmem:$0x10100] =	vst v63  }
0x86: {  	v3 =	vld [tilespmem:$0x80];
	_ =	sdelay $0x4  }
0x87: {  	v56 =	vshll.u32 v3, $0x1  }
0x88: {  	v3 =	vand.u32 $0x7, v3;
	v4 =	vand.u32 $0xFFFFFFF0, v56  }
0x89: {  	v3 =	vor.u32 v3, v4  }
0x8a: {  	v4 =	vperm.xlane v3, v0;
	_ =	sdelay $0x1  }
0x8b: {  	v3 =	vperm.xlane v3, v2;
	v4 =	vadd.s32 v1, v4;
	_ =	sdelay $0x1  }
0x8c: {  	v3 =	vadd.s32 v1, v3;
	_ =	sdelay $0x2  }
0x8d: {  	[tilespmem:s29], [sflag:$0x1] =	stream.indirect_vreg.gather [hbm4b:s1+s3], $0x80, v4, vm0, $0xb8;
	[tilespmem:$0x10100] =	vst v63  }
0x8e: {  	_ = 	snop  }
0x8f: {  	[tilespmem:s30], [sflag:$0x1] =	stream.indirect_vreg.gather [hbm4b:s1+s3], $0x80, v3, vm0, $0xb8;
	[tilespmem:$0x10100] =	vst v63  }
0x90: {  	v3 =	vld [tilespmem:$0x90];
	_ =	sdelay $0x4  }
0x91: {  	v57 =	vshll.u32 v3, $0x1  }
0x92: {  	v3 =	vand.u32 $0x7, v3;
	v4 =	vand.u32 $0xFFFFFFF0, v57  }
0x93: {  	v3 =	vor.u32 v3, v4  }
0x94: {  	v4 =	vperm.xlane v3, v0;
	_ =	sdelay $0x1  }
0x95: {  	v3 =	vperm.xlane v3, v2;
	v4 =	vadd.s32 v1, v4;
	_ =	sdelay $0x1  }
0x96: {  	v3 =	vadd.s32 v1, v3;
	_ =	sdelay $0x2  }
0x97: {  	[tilespmem:s31], [sflag:$0x1] =	stream.indirect_vreg.gather [hbm4b:s1+s3], $0x80, v4, vm0, $0xb8;
	[tilespmem:$0x10100] =	vst v63  }
0x98: {  	_ = 	snop  }
0x99: {  	[tilespmem:s0], [sflag:$0x1] =	stream.indirect_vreg.gather [hbm4b:s1+s3], $0x80, v3, vm0, $0xb8;
	[tilespmem:$0x10100] =	vst v63  }
0x9a: {  	v3 =	vld [tilespmem:$0xA0];
	_ =	sdelay $0x4  }
0x9b: {  	v58 =	vshll.u32 v3, $0x1  }
0x9c: {  	v3 =	vand.u32 $0x7, v3;
	v4 =	vand.u32 $0xFFFFFFF0, v58  }
0x9d: {  	v3 =	vor.u32 v3, v4  }
0x9e: {  	v4 =	vperm.xlane v3, v0;
	_ =	sdelay $0x1  }
0x9f: {  	v3 =	vperm.xlane v3, v2;
	v4 =	vadd.s32 v1, v4;
	_ =	sdelay $0x1  }
0xa0: {  	v3 =	vadd.s32 v1, v3;
	_ =	sdelay $0x2  }
0xa1: {  	[tilespmem:s2], [sflag:$0x1] =	stream.indirect_vreg.gather [hbm4b:s1+s3], $0x80, v4, vm0, $0xb8;
	[tilespmem:$0x10100] =	vst v63  }
0xa2: {  	_ = 	snop  }
0xa3: {  	[tilespmem:s5], [sflag:$0x1] =	stream.indirect_vreg.gather [hbm4b:s1+s3], $0x80, v3, vm0, $0xb8;
	[tilespmem:$0x10100] =	vst v63  }
0xa4: {  	v3 =	vld [tilespmem:$0xB0];
	_ =	sdelay $0x4  }
0xa5: {  	v59 =	vshll.u32 v3, $0x1  }
0xa6: {  	v3 =	vand.u32 $0x7, v3;
	v4 =	vand.u32 $0xFFFFFFF0, v59  }
0xa7: {  	v3 =	vor.u32 v3, v4  }
0xa8: {  	v4 =	vperm.xlane v3, v0;
	_ =	sdelay $0x1  }
0xa9: {  	v3 =	vperm.xlane v3, v2;
	v4 =	vadd.s32 v1, v4;
	_ =	sdelay $0x1  }
0xaa: {  	v3 =	vadd.s32 v1, v3;
	_ =	sdelay $0x2  }
0xab: {  	[tilespmem:s4], [sflag:$0x1] =	stream.indirect_vreg.gather [hbm4b:s1+s3], $0x80, v4, vm0, $0xb8;
	[tilespmem:$0x10100] =	vst v63  }
0xac: {  	_ = 	snop  }
0xad: {  	[tilespmem:s8], [sflag:$0x1] =	stream.indirect_vreg.gather [hbm4b:s1+s3], $0x80, v3, vm0, $0xb8;
	[tilespmem:$0x10100] =	vst v63  }
0xae: {  	v3 =	vld [tilespmem:$0xC0];
	_ =	sdelay $0x4  }
0xaf: {  	v60 =	vshll.u32 v3, $0x1  }
0xb0: {  	v3 =	vand.u32 $0x7, v3;
	v4 =	vand.u32 $0xFFFFFFF0, v60  }
0xb1: {  	v3 =	vor.u32 v3, v4  }
0xb2: {  	v4 =	vperm.xlane v3, v0;
	_ =	sdelay $0x1  }
0xb3: {  	v3 =	vperm.xlane v3, v2;
	v4 =	vadd.s32 v1, v4;
	_ =	sdelay $0x1  }
0xb4: {  	v3 =	vadd.s32 v1, v3;
	_ =	sdelay $0x2  }
0xb5: {  	[tilespmem:s9], [sflag:$0x1] =	stream.indirect_vreg.gather [hbm4b:s1+s3], $0x80, v4, vm0, $0xb8;
	[tilespmem:$0x10100] =	vst v63  }
0xb6: {  	_ = 	snop  }
0xb7: {  	[tilespmem:s11], [sflag:$0x1] =	stream.indirect_vreg.gather [hbm4b:s1+s3], $0x80, v3, vm0, $0xb8;
	[tilespmem:$0x10100] =	vst v63  }
0xb8: {  	v3 =	vld [tilespmem:$0xD0];
	_ =	sdelay $0x4  }
0xb9: {  	v61 =	vshll.u32 v3, $0x1  }
0xba: {  	v3 =	vand.u32 $0x7, v3;
	v4 =	vand.u32 $0xFFFFFFF0, v61  }
0xbb: {  	v3 =	vor.u32 v3, v4  }
0xbc: {  	v4 =	vperm.xlane v3, v0;
	_ =	sdelay $0x1  }
0xbd: {  	v3 =	vperm.xlane v3, v2;
	v4 =	vadd.s32 v1, v4;
	_ =	sdelay $0x1  }
0xbe: {  	v3 =	vadd.s32 v1, v3;
	_ =	sdelay $0x2  }
0xbf: {  	[tilespmem:s13], [sflag:$0x1] =	stream.indirect_vreg.gather [hbm4b:s1+s3], $0x80, v4, vm0, $0xb8;
	[tilespmem:$0x10100] =	vst v63  }
0xc0: {  	_ = 	snop  }
0xc1: {  	[tilespmem:s14], [sflag:$0x1] =	stream.indirect_vreg.gather [hbm4b:s1+s3], $0x80, v3, vm0, $0xb8;
	[tilespmem:$0x10100] =	vst v63  }
0xc2: {  	v3 =	vld [tilespmem:$0xE0];
	_ =	sdelay $0x4  }
0xc3: {  	v62 =	vshll.u32 v3, $0x1  }
0xc4: {  	v3 =	vand.u32 $0x7, v3;
	v4 =	vand.u32 $0xFFFFFFF0, v62  }
0xc5: {  	v3 =	vor.u32 v3, v4  }
0xc6: {  	v4 =	vperm.xlane v3, v0;
	_ =	sdelay $0x1  }
0xc7: {  	v3 =	vperm.xlane v3, v2;
	v4 =	vadd.s32 v1, v4;
	_ =	sdelay $0x1  }
0xc8: {  	v3 =	vadd.s32 v1, v3;
	_ =	sdelay $0x2  }
0xc9: {  	[tilespmem:s15], [sflag:$0x1] =	stream.indirect_vreg.gather [hbm4b:s1+s3], $0x80, v4, vm0, $0xb8;
	[tilespmem:$0x10100] =	vst v63  }
0xca: {  	_ = 	snop  }
0xcb: {  	[tilespmem:s16], [sflag:$0x1] =	stream.indirect_vreg.gather [hbm4b:s1+s3], $0x80, v3, vm0, $0xb8;
	[tilespmem:$0x10100] =	vst v63  }
0xcc: {  	v3 =	vld [tilespmem:$0xF0];
	_ =	sdelay $0x4  }
0xcd: {  	v63 =	vshll.u32 v3, $0x1  }
0xce: {  	v3 =	vand.u32 $0x7, v3;
	v4 =	vand.u32 $0xFFFFFFF0, v63  }
0xcf: {  	v3 =	vor.u32 v3, v4  }
0xd0: {  	v4 =	vperm.xlane v3, v0;
	_ =	sdelay $0x1  }
0xd1: {  	v3 =	vperm.xlane v3, v2;
	v4 =	vadd.s32 v1, v4;
	_ =	sdelay $0x1  }
0xd2: {  	v3 =	vadd.s32 v1, v3;
	_ =	sdelay $0x2  }
0xd3: {  	[tilespmem:s17], [sflag:$0x1] =	stream.indirect_vreg.gather [hbm4b:s1+s3], $0x80, v4, vm0, $0xb8;
	[tilespmem:$0x10100] =	vst v63  }
0xd4: {  	_ = 	snop  }
0xd5: {  	[tilespmem:s18], [sflag:$0x1] =	stream.indirect_vreg.gather [hbm4b:s1+s3], $0x80, v3, vm0, $0xb8;
	[tilespmem:$0x10100] =	vst v63  }
0xd6: {  	_ =	swait.ge [sflag:s19], $0x8000  }
0xd7: {  	[sflag:s19] =	ssyncset.done $0x0  }
0xd8: {  	[sflag:s19] =	ssyncadd.s32 $0xFFFF8000  }
0xd9: {  	_ =	swait.ge [sflag:s19], $0x8000  }
0xda: {  	[sflag:s19] =	ssyncset.done $0x0  }
0xdb: {  	[sflag:s19] =	ssyncadd.s32 $0xFFFF8000  }
0xdc: {  	[hbm4b:s22+s3] =	stream.linear.scatter [tilespmem:s12], [sflag:$0x3], $0x8000, $0x38;
	[tilespmem:$0x10100] =	vst v63  }
0xdd: {  	_ =	swait.ge [sflag:s10], $0x8000  }
0xde: {  	[sflag:s10] =	ssyncset.done $0x0  }
.Ltmp5:
0xdf: {  	[sflag:s10] =	ssyncadd.s32 $0xFFFF8000;
	(pc) =	sbr.rel .LBB2_4-.Ltmp5, $4  }
0xe0: {  	[hbm4b:s23+s3] =	stream.linear.scatter [tilespmem:s29], [sflag:$0x2], $0x8000, $0x38;
	[tilespmem:$0x10100] =	vst v63  }
0xe1: {  	_ =	swait.ge [sflag:s20], $0x8000  }
0xe2: {  	[sflag:s20] =	ssyncset.done $0x0  }
0xe3: {  	[sflag:s20] =	ssyncadd.s32 $0xFFFF8000  }
.LBB2_6:
0xe4: {  	_ =	sfence.sel $0x180000  }
0xe5: {  	[bflag:$0x0] =	sbarrier.arrive $0xFFFF  }
0xe6: {  	_ =	strace $0x90000047  }
0xe7: {  	s0 =	stileid.u32;
	[bflag:$0x2] =	sbarrier.arrive $0xFFFF  }
0xe8: {  	p0 =	sne.s32 s0, $0x0;
	s0 =	rddreg [dreg:$0x2]  }
0xe9: {  	s0 =	sadd.s32 @!p0 $0x100000, s0  }
0xea: {  	[sflag:s0] =	ssyncadd.tile.s32 @!p0 $0x1;
	_ =	shalt  }
.Lfunc_end2:
_tile_overlayer_lowered:
.L_overlay_start_2:
0xeb: {  	(tag) =	ssettag $0x2  }
0xec: {  	s0 =	rddreg [dreg:$0x0];
	s2 =	stileid.u32  }
0xed: {  	s1 =	rddreg [dreg:$0x1];
	p0 =	sne.s32 s2, $0x0  }
0xee: {  	s3 =	rddreg [dreg:$0x2];
	[bflag:$0x3] =	sbarrier.arrive $0xFFFF;
	s2 =	simm.s32 @!p0 $0x1C02  }
0xef: {  	[timem:s3], [sflag:s2] =	dma.local @!p0 [hbm:s0], s1  }
0xf0: {  	s0 =	simm.s32 @!p0 $0x2  }
0xf1: {  	_ =	swait.ge @!p0 [sflag:s0], s1  }
0xf2: {  	s1 =	ssub.s32 @!p0 $0x0, s1;
	[sflag:s0] =	ssyncset.done @!p0 $0x0  }
0xf3: {  	[sflag:s0] =	ssyncadd.s32 @!p0 s1  }
0xf4: {  	[bflag:$0x3] =	sbarrier.arrive $0xFFFF  }
0xf5: {  	_ =	shalt  }

</sc_bundles>
